<compile_context>
chip_gen: v7x
topology: tpu7x:2x2x1
jax: 0.10.2.dev20260603
libtpu: 0.0.44.dev20260713+nightly
codegen_flags: <defaults>
</compile_context>

<pallas_src>
import functools

import jax
import jax.numpy as jnp
from jax import lax
from jax.experimental import pallas as pl
from jax.experimental.pallas import tpu as pltpu
from jax.experimental.pallas import tpu_sc as plsc

NC = 2
NS = 16
NW = NC * NS
GL = 128
K = 4
CH = K * GL

BLKA = 16384
BLKB = 8192


def _eye(n):
    i = lax.broadcasted_iota(jnp.int32, (n, n), 0)
    j = lax.broadcasted_iota(jnp.int32, (n, n), 1)
    return (i == j).astype(jnp.float32)


def _mxu_t(x):
    return lax.dot_general(
        x, _eye(x.shape[0]), (((0,), (0,)), ((), ())),
        precision=lax.Precision.HIGHEST,
        preferred_element_type=jnp.float32,
    )


REG = 512


def _pack_body(x_ref, o_ref):
    x = x_ref[...]
    blk = x.shape[1] // 2
    xs = jnp.concatenate([x[:, 0:blk], x[:, blk:]], axis=0)
    o_ref[...] = xs.T


def _unpack_body(x_ref, o_ref):
    x = x_ref[...]
    blk = x.shape[0]
    w = x.T
    h = REG // 2
    for r in range(blk // h):
        c0 = r * REG
        o_ref[:, c0:c0 + h] = w[0:64, r * h:(r + 1) * h]
        o_ref[:, c0 + h:c0 + REG] = w[64:128, r * h:(r + 1) * h]


@functools.lru_cache(maxsize=None)
def _pack(cols, blk):
    nblk = pl.cdiv(cols // 2, blk)
    return pl.pallas_call(
        _pack_body,
        grid=(nblk,),
        in_specs=[pl.BlockSpec((64, 2 * blk), lambda i: (0, i))],
        out_specs=pl.BlockSpec((blk, 128), lambda i: (i, 0)),
        out_shape=jax.ShapeDtypeStruct((nblk * blk, 128), jnp.float32),
    )


def _unpack_right_body(x_ref, part_ref, o_ref):
    del part_ref
    _unpack_body(x_ref, o_ref)


@functools.lru_cache(maxsize=None)
def _unpack_left(rows, blk, total_cols):
    nblk = rows // blk
    return pl.pallas_call(
        _unpack_body,
        grid=(nblk,),
        in_specs=[pl.BlockSpec((blk, 128), lambda i: (i, 0))],
        out_specs=pl.BlockSpec((64, 2 * blk), lambda i: (0, i)),
        out_shape=jax.ShapeDtypeStruct((64, total_cols), jnp.float32),
    )


@functools.lru_cache(maxsize=None)
def _unpack_right(rows, blk, total_cols):
    nblk = rows // blk
    off = (total_cols - 2 * rows) // (2 * blk)
    return pl.pallas_call(
        _unpack_right_body,
        grid=(nblk,),
        in_specs=[
            pl.BlockSpec((blk, 128), lambda i: (i, 0)),
            pl.BlockSpec((8, 128), lambda i: (0, 0)),
        ],
        out_specs=pl.BlockSpec((64, 2 * blk), lambda i: (0, i + off)),
        out_shape=jax.ShapeDtypeStruct((64, total_cols), jnp.float32),
        input_output_aliases={1: 0},
    )


@functools.lru_cache(maxsize=None)
def _gather(v, d, nch, perm=True):
    mesh = plsc.VectorSubcoreMesh(core_axis_name="c", subcore_axis_name="s")

    @functools.partial(
        pl.kernel,
        mesh=mesh,
        out_type=jax.ShapeDtypeStruct((NW, nch, CH, d), jnp.float32),
        scratch_types=[
            pltpu.VMEM((nch * K * GL,), jnp.int32),
            pltpu.VMEM((nch * K * GL,), jnp.int32),
            pltpu.VMEM((2, CH, d), jnp.float32),
            pltpu.SemaphoreType.DMA,
            pltpu.SemaphoreType.DMA,
        ],
        compiler_params=pltpu.CompilerParams(
            use_tc_tiling_on_sc=False,
            needs_layout_passes=False,
        ),
    )
    def k(table_hbm, tok_hbm, out_hbm, idx_v, idxp_v, rows_v, gsem, wsem):
        wid = lax.axis_index("s") * NC + lax.axis_index("c")
        pltpu.sync_copy(tok_hbm.at[wid], idx_v)

        i16 = lax.iota(jnp.int32, 16)
        patt = (REG // 2) * (i16 % 2) + i16 // 2

        def permrow(rr, carry):
            for k in range(8):
                g = rr * 8 + k
                if perm:
                    region = g // (REG // 16)
                    t = g - region * (REG // 16)
                    x = plsc.load_gather(idx_v, [region * REG + 8 * t + patt])
                else:
                    x = idx_v[pl.ds(g * 16, 16)]
                idxp_v[pl.ds(g * 16, 16)] = x
            return carry

        lax.fori_loop(0, nch * K * GL // 128, permrow, 0)

        def chunk(c, carry):
            b = c % 2

            @pl.when(c >= 2)
            def _():
                pltpu.make_async_copy(
                    rows_v.at[b], out_hbm.at[wid, c - 2], wsem
                ).wait()

            cps = [
                pltpu.async_copy(
                    table_hbm.at[idxp_v.at[pl.ds((c * K + j) * GL, GL)]],
                    rows_v.at[b, pl.ds(j * GL, GL)],
                    gsem,
                )
                for j in range(K)
            ]
            for cp in cps:
                cp.wait()
            pltpu.async_copy(rows_v.at[b], out_hbm.at[wid, c], wsem)
            return carry

        lax.fori_loop(0, nch, chunk, 0)

        for b in range(2):
            pltpu.make_async_copy(
                rows_v.at[b], out_hbm.at[wid, nch - 2 + b], wsem
            ).wait()

    return k


def _kernel_fast(tokens, table):
    v, d = table.shape
    flat = tokens.reshape(-1).astype(jnp.int32)
    b = flat.shape[0]

    packed = _pack(v, BLKA)(table.T)
    v_lin = 2 * packed.shape[0]
    table_lin = packed.reshape(-1).reshape(v_lin, d)

    u = flat % (2 * BLKA)
    slots = (flat - u) + 2 * (u % BLKA) + u // BLKA

    half = b // 2
    nch = half // (NW * CH)
    s1 = slots[:half].reshape(NW, half // NW)
    s2 = slots[half:].reshape(NW, half // NW)
    rows1 = _gather(v_lin, d, nch)(table_lin, s1)
    rows2 = _gather(v_lin, d, nch)(table_lin, s2)
    x1 = rows1.reshape(-1).reshape(half // 2, 128)
    x2 = rows2.reshape(-1).reshape(half // 2, 128)
    part = _unpack_left(half // 2, BLKB, b)(x1)
    out_t = _unpack_right(half // 2, BLKB, b)(x2, part)
    return out_t.T


def _kernel_simple(tokens, table):
    v, d = table.shape
    flat = tokens.reshape(-1).astype(jnp.int32)
    b = flat.shape[0]
    blk = NW * CH
    pad = (-b) % blk
    if pad:
        flat = jnp.concatenate([flat, jnp.zeros((pad,), jnp.int32)])
    nch = flat.shape[0] // blk
    tok3 = flat.reshape(NW, nch * K * GL)
    out = _gather(v, d, nch, perm=False)(table, tok3)
    out = out.reshape(-1, d)
    if pad:
        out = out[:b]
    return out


def kernel(tokens, table):
    v, d = table.shape
    b = tokens.size
    if (d == 64 and v % 2 == 0 and b % (2 * NW * CH) == 0
            and (b // 2 // NW) % REG == 0 and (b // 4) % BLKB == 0):
        return _kernel_fast(tokens, table)
    return _kernel_simple(tokens, table)

# --- scband reference (transcript-rebuilt; emitter-appended) ---
"""Pipeline reference for scband-embed-13829794693128 (READ-ONLY COPY).

The authoritative reference and input builder live on the scoring server;
editing this copy changes nothing except your own understanding.
"""

import jax, jax.numpy as jnp
import numpy as np

VOCAB = 1000000
DIM = 64
BATCH = 16384
HIST = 50

def setup_inputs(seed: int = 0) -> dict:
    key = jax.random.key(seed)
    k1, k2 = jax.random.split(key)
    tokens = jax.random.randint(k1, (BATCH, HIST), 0, VOCAB, dtype=jnp.int64 if jax.config.jax_enable_x64 else jnp.int32)
    table = jax.random.normal(k2, (VOCAB, DIM), dtype=jnp.float32)
    return {"tokens": tokens, "table": table}

def reference(tokens, table):
    # Embed.forward: embeds = self.embed(tokens.contiguous().view(-1).long())
    flat = tokens.reshape(-1)
    embeds = jnp.take(table, flat, axis=0)
    return embeds

if __name__ == "__main__":
    import jax
    _d = setup_inputs()
    print(jax.jit(kernel)(*tuple(_d.values())))

</pallas_src>

<mosaic_0001>
#map = affine_map<(d0, d1) -> (0, 0)>
#map1 = affine_map<(d0, d1) -> (0, 0, 0, 0)>
module attributes {stable_mosaic.version = 14 : i64} {
  func.func @k(%arg0: i32, %arg1: i32, %arg2: memref<1015808x64xf32, #tpu.memory_space<hbm>>, %arg3: memref<32x12800xi32, #tpu.memory_space<hbm>>, %arg4: memref<32x25x512x64xf32, #tpu.memory_space<hbm>>, %arg5: memref<12800xi32, #tpu.memory_space<vmem>>, %arg6: memref<12800xi32, #tpu.memory_space<vmem>>, %arg7: memref<2x512x64xf32, #tpu.memory_space<vmem>>, %arg8: memref<!tpu.dma_semaphore, #tpu.memory_space<semaphore_mem>>, %arg9: memref<!tpu.dma_semaphore, #tpu.memory_space<semaphore_mem>>) attributes {dimension_semantics = [#tpu.dimension_semantics<core_parallel>, #tpu.dimension_semantics<subcore_parallel>], iteration_bounds = array<i64: 2, 16>, scalar_prefetch = 0 : i64, scratch_operands = 5 : i64, tpu.core_type = #tpu.core_type<sc_vector_subcore>, window_params = [{transform_indices = #map}, {transform_indices = #map}, {transform_indices = #map1}]} {
    %mul3A = arith.constant 2 : i32
    %mul3A_0 = arith.muli %arg1, %mul3A : i32
    %add3A = arith.addi %mul3A_0, %arg0 : i32
    "tpu.region"() ({
      %run_scoped3A = tpu.sem_alloc : memref<!tpu.dma_semaphore, #tpu.memory_space<semaphore_mem>>
      %dma_start3A = arith.constant 0 : i32
      %dma_start3A_94 = tpu.memref_slice %arg3[%add3A, %dma_start3A] : memref<32x12800xi32, #tpu.memory_space<hbm>> -> memref<1x12800xi32, #tpu.memory_space<hbm>>
      %dma_start3A_95 = tpu.memref_squeeze %dma_start3A_94 : memref<1x12800xi32, #tpu.memory_space<hbm>> -> memref<12800xi32, #tpu.memory_space<hbm>>
      %dma_start3A_96 = arith.constant 0 : i32
      %dma_start3A_97 = tpu.memref_slice %arg3[%add3A, %dma_start3A_96] : memref<32x12800xi32, #tpu.memory_space<hbm>> -> memref<1x12800xi32, #tpu.memory_space<hbm>>
      %dma_start3A_98 = tpu.memref_squeeze %dma_start3A_97 : memref<1x12800xi32, #tpu.memory_space<hbm>> -> memref<12800xi32, #tpu.memory_space<hbm>>
      tpu.enqueue_dma source(%dma_start3A_98 : memref<12800xi32, #tpu.memory_space<hbm>>) target(%arg5 : memref<12800xi32, #tpu.memory_space<vmem>>) target_semaphore(%run_scoped3A : memref<!tpu.dma_semaphore, #tpu.memory_space<semaphore_mem>>)
      %dma_wait3A_99 = arith.constant 0 : i32
      %dma_wait3A_100 = tpu.memref_slice %arg3[%add3A, %dma_wait3A_99] : memref<32x12800xi32, #tpu.memory_space<hbm>> -> memref<1x12800xi32, #tpu.memory_space<hbm>>
      %dma_wait3A_101 = tpu.memref_squeeze %dma_wait3A_100 : memref<1x12800xi32, #tpu.memory_space<hbm>> -> memref<12800xi32, #tpu.memory_space<hbm>>
      %dma_wait3A_102 = arith.constant 0 : i32
      %dma_wait3A_103 = tpu.memref_slice %arg3[%add3A, %dma_wait3A_102] : memref<32x12800xi32, #tpu.memory_space<hbm>> -> memref<1x12800xi32, #tpu.memory_space<hbm>>
      %dma_wait3A_104 = tpu.memref_squeeze %dma_wait3A_103 : memref<1x12800xi32, #tpu.memory_space<hbm>> -> memref<12800xi32, #tpu.memory_space<hbm>>
      tpu.wait_dma2 semaphore(%run_scoped3A : memref<!tpu.dma_semaphore, #tpu.memory_space<semaphore_mem>>) src(%dma_wait3A_104 : memref<12800xi32, #tpu.memory_space<hbm>>) dst(%arg5 : memref<12800xi32, #tpu.memory_space<vmem>>)
      tpu.yield
    }) : () -> ()
    %iota3A = tpu.iota {dimensions = array<i32: 0>} : vector<16xi32>
    %jit3A = arith.constant 2 : i32
    %eq3A = arith.constant 0 : i32
    %eq3A_1 = arith.cmpi eq, %jit3A, %eq3A : i32
    %jit3A_2 = arith.constant 1 : i32
    %select_n3A = arith.select %eq3A_1, %jit3A_2, %jit3A : i32
    %rem3A = vector.broadcast %select_n3A : i32 to vector<16xi32>
    %rem3A_3 = arith.remsi %iota3A, %rem3A : vector<16xi32>
    %ne3A = arith.constant 0 : i32
    %ne3A_4 = vector.broadcast %ne3A : i32 to vector<16xi32>
    %ne3A_5 = arith.cmpi ne, %rem3A_3, %ne3A_4 : vector<16xi32>
    %lt3A = arith.constant 0 : i32
    %lt3A_6 = vector.broadcast %lt3A : i32 to vector<16xi32>
    %lt3A_7 = arith.cmpi slt, %rem3A_3, %lt3A_6 : vector<16xi32>
    %lt3A_8 = arith.constant 0 : i32
    %lt3A_9 = arith.cmpi slt, %select_n3A, %lt3A_8 : i32
    %ne3A_10 = vector.broadcast %lt3A_9 : i1 to vector<16xi1>
    %ne3A_11 = vector.broadcast %ne3A_10 : vector<16xi1> to vector<16xi1>
    %ne3A_12 = arith.xori %lt3A_7, %ne3A_11 : vector<16xi1>
    %and3A = arith.andi %ne3A_12, %ne3A_5 : vector<16xi1>
    %add3A_13 = vector.broadcast %select_n3A : i32 to vector<16xi32>
    %add3A_14 = arith.addi %rem3A_3, %add3A_13 : vector<16xi32>
    %select_n3A_15 = arith.select %and3A, %add3A_14, %rem3A_3 : vector<16xi1>, vector<16xi32>
    %mul3A_16 = arith.constant 256 : i32
    %mul3A_17 = vector.broadcast %mul3A_16 : i32 to vector<16xi32>
    %mul3A_18 = arith.muli %mul3A_17, %select_n3A_15 : vector<16xi32>
    %jit3A_19 = arith.constant 2 : i32
    %div3A = vector.broadcast %jit3A_19 : i32 to vector<16xi32>
    %div3A_20 = arith.divsi %iota3A, %div3A : vector<16xi32>
    %sign3A = arith.constant 0 : i32
    %sign3A_21 = vector.broadcast %sign3A : i32 to vector<16xi32>
    %sign3A_22 = arith.cmpi sgt, %iota3A, %sign3A_21 : vector<16xi32>
    %sign3A_23 = arith.extui %sign3A_22 : vector<16xi1> to vector<16xi32>
    %sign3A_24 = arith.constant 0 : i32
    %sign3A_25 = vector.broadcast %sign3A_24 : i32 to vector<16xi32>
    %sign3A_26 = arith.cmpi slt, %iota3A, %sign3A_25 : vector<16xi32>
    %sign3A_27 = arith.extui %sign3A_26 : vector<16xi1> to vector<16xi32>
    %sign3A_28 = arith.subi %sign3A_23, %sign3A_27 : vector<16xi32>
    %sign3A_29 = arith.constant 0 : i32
    %sign3A_30 = arith.cmpi sgt, %jit3A_19, %sign3A_29 : i32
    %sign3A_31 = arith.extui %sign3A_30 : i1 to i32
    %sign3A_32 = arith.constant 0 : i32
    %sign3A_33 = arith.cmpi slt, %jit3A_19, %sign3A_32 : i32
    %sign3A_34 = arith.extui %sign3A_33 : i1 to i32
    %sign3A_35 = arith.subi %sign3A_31, %sign3A_34 : i32
    %ne3A_36 = vector.broadcast %sign3A_35 : i32 to vector<16xi32>
    %ne3A_37 = arith.cmpi ne, %sign3A_28, %ne3A_36 : vector<16xi32>
    %rem3A_38 = vector.broadcast %jit3A_19 : i32 to vector<16xi32>
    %rem3A_39 = arith.remsi %iota3A, %rem3A_38 : vector<16xi32>
    %ne3A_40 = arith.constant 0 : i32
    %ne3A_41 = vector.broadcast %ne3A_40 : i32 to vector<16xi32>
    %ne3A_42 = arith.cmpi ne, %rem3A_39, %ne3A_41 : vector<16xi32>
    %and3A_43 = arith.andi %ne3A_37, %ne3A_42 : vector<16xi1>
    %sub3A = arith.constant 1 : i32
    %sub3A_44 = vector.broadcast %sub3A : i32 to vector<16xi32>
    %sub3A_45 = arith.subi %div3A_20, %sub3A_44 : vector<16xi32>
    %select_n3A_46 = arith.select %and3A_43, %sub3A_45, %div3A_20 : vector<16xi1>, vector<16xi32>
    %add3A_47 = arith.addi %mul3A_18, %select_n3A_46 : vector<16xi32>
    %scan3A = arith.constant 0 : i32
    %scan3A_48 = arith.constant 0 : i32
    %scan3A_49 = arith.constant 100 : i32
    %scan3A_50 = arith.addi %scan3A_48, %scan3A_49 : i32
    %scan3A_51 = arith.constant 1 : i32
    scf.for %scan3A_94 = %scan3A_48 to %scan3A_50 step %scan3A_51  : i32 {
      %mul3A_95 = arith.constant 8 : i32
      %mul3A_96 = arith.muli %scan3A_94, %mul3A_95 : i32
      %add3A_97 = arith.constant 0 : i32
      %add3A_98 = arith.addi %mul3A_96, %add3A_97 : i32
      %jit3A_99 = arith.constant 32 : i32
      %div3A_100 = arith.divsi %add3A_98, %jit3A_99 : i32
      %sign3A_101 = arith.constant 0 : i32
      %sign3A_102 = arith.cmpi sgt, %add3A_98, %sign3A_101 : i32
      %sign3A_103 = arith.extui %sign3A_102 : i1 to i32
      %sign3A_104 = arith.constant 0 : i32
      %sign3A_105 = arith.cmpi slt, %add3A_98, %sign3A_104 : i32
      %sign3A_106 = arith.extui %sign3A_105 : i1 to i32
      %sign3A_107 = arith.subi %sign3A_103, %sign3A_106 : i32
      %sign3A_108 = arith.constant 0 : i32
      %sign3A_109 = arith.cmpi sgt, %jit3A_99, %sign3A_108 : i32
      %sign3A_110 = arith.extui %sign3A_109 : i1 to i32
      %sign3A_111 = arith.constant 0 : i32
      %sign3A_112 = arith.cmpi slt, %jit3A_99, %sign3A_111 : i32
      %sign3A_113 = arith.extui %sign3A_112 : i1 to i32
      %sign3A_114 = arith.subi %sign3A_110, %sign3A_113 : i32
      %ne3A_115 = arith.cmpi ne, %sign3A_107, %sign3A_114 : i32
      %rem3A_116 = arith.remsi %add3A_98, %jit3A_99 : i32
      %ne3A_117 = arith.constant 0 : i32
      %ne3A_118 = arith.cmpi ne, %rem3A_116, %ne3A_117 : i32
      %and3A_119 = arith.andi %ne3A_115, %ne3A_118 : i1
      %sub3A_120 = arith.constant 1 : i32
      %sub3A_121 = arith.subi %div3A_100, %sub3A_120 : i32
      %select_n3A_122 = arith.select %and3A_119, %sub3A_121, %div3A_100 : i32
      %mul3A_123 = arith.constant 32 : i32
      %mul3A_124 = arith.muli %select_n3A_122, %mul3A_123 : i32
      %sub3A_125 = arith.subi %add3A_98, %mul3A_124 : i32
      %mul3A_126 = arith.constant 512 : i32
      %mul3A_127 = arith.muli %select_n3A_122, %mul3A_126 : i32
      %mul3A_128 = arith.constant 8 : i32
      %mul3A_129 = arith.muli %mul3A_128, %sub3A_125 : i32
      %add3A_130 = arith.addi %mul3A_127, %mul3A_129 : i32
      %add3A_131 = vector.broadcast %add3A_130 : i32 to vector<16xi32>
      %add3A_132 = arith.addi %add3A_131, %add3A_47 : vector<16xi32>
      %gather3A = tpu.vector_load_idx %arg5[%add3A_132] : memref<12800xi32, #tpu.memory_space<vmem>>[vector<16xi32>], vector<16xi32>,
      %mul3A_133 = arith.constant 16 : i32
      %mul3A_134 = arith.muli %add3A_98, %mul3A_133 : i32
      %swap3A = arith.index_cast %mul3A_134 : i32 to index
      %swap3A_135 = tpu.vector_load %arg6[%swap3A] {strides = array<i32>} : memref<12800xi32, #tpu.memory_space<vmem>>, vector<16xi32>,
      tpu.vector_store %arg6[%swap3A], %gather3A {strides = array<i32>} : memref<12800xi32, #tpu.memory_space<vmem>>, vector<16xi32>,
      %mul3A_136 = arith.constant 8 : i32
      %mul3A_137 = arith.muli %scan3A_94, %mul3A_136 : i32
      %add3A_138 = arith.constant 1 : i32
      %add3A_139 = arith.addi %mul3A_137, %add3A_138 : i32
      %jit3A_140 = arith.constant 32 : i32
      %div3A_141 = arith.divsi %add3A_139, %jit3A_140 : i32
      %sign3A_142 = arith.constant 0 : i32
      %sign3A_143 = arith.cmpi sgt, %add3A_139, %sign3A_142 : i32
      %sign3A_144 = arith.extui %sign3A_143 : i1 to i32
      %sign3A_145 = arith.constant 0 : i32
      %sign3A_146 = arith.cmpi slt, %add3A_139, %sign3A_145 : i32
      %sign3A_147 = arith.extui %sign3A_146 : i1 to i32
      %sign3A_148 = arith.subi %sign3A_144, %sign3A_147 : i32
      %sign3A_149 = arith.constant 0 : i32
      %sign3A_150 = arith.cmpi sgt, %jit3A_140, %sign3A_149 : i32
      %sign3A_151 = arith.extui %sign3A_150 : i1 to i32
      %sign3A_152 = arith.constant 0 : i32
      %sign3A_153 = arith.cmpi slt, %jit3A_140, %sign3A_152 : i32
      %sign3A_154 = arith.extui %sign3A_153 : i1 to i32
      %sign3A_155 = arith.subi %sign3A_151, %sign3A_154 : i32
      %ne3A_156 = arith.cmpi ne, %sign3A_148, %sign3A_155 : i32
      %rem3A_157 = arith.remsi %add3A_139, %jit3A_140 : i32
      %ne3A_158 = arith.constant 0 : i32
      %ne3A_159 = arith.cmpi ne, %rem3A_157, %ne3A_158 : i32
      %and3A_160 = arith.andi %ne3A_156, %ne3A_159 : i1
      %sub3A_161 = arith.constant 1 : i32
      %sub3A_162 = arith.subi %div3A_141, %sub3A_161 : i32
      %select_n3A_163 = arith.select %and3A_160, %sub3A_162, %div3A_141 : i32
      %mul3A_164 = arith.constant 32 : i32
      %mul3A_165 = arith.muli %select_n3A_163, %mul3A_164 : i32
      %sub3A_166 = arith.subi %add3A_139, %mul3A_165 : i32
      %mul3A_167 = arith.constant 512 : i32
      %mul3A_168 = arith.muli %select_n3A_163, %mul3A_167 : i32
      %mul3A_169 = arith.constant 8 : i32
      %mul3A_170 = arith.muli %mul3A_169, %sub3A_166 : i32
      %add3A_171 = arith.addi %mul3A_168, %mul3A_170 : i32
      %add3A_172 = vector.broadcast %add3A_171 : i32 to vector<16xi32>
      %add3A_173 = arith.addi %add3A_172, %add3A_47 : vector<16xi32>
      %gather3A_174 = tpu.vector_load_idx %arg5[%add3A_173] : memref<12800xi32, #tpu.memory_space<vmem>>[vector<16xi32>], vector<16xi32>,
      %mul3A_175 = arith.constant 16 : i32
      %mul3A_176 = arith.muli %add3A_139, %mul3A_175 : i32
      %swap3A_177 = arith.index_cast %mul3A_176 : i32 to index
      %swap3A_178 = tpu.vector_load %arg6[%swap3A_177] {strides = array<i32>} : memref<12800xi32, #tpu.memory_space<vmem>>, vector<16xi32>,
      tpu.vector_store %arg6[%swap3A_177], %gather3A_174 {strides = array<i32>} : memref<12800xi32, #tpu.memory_space<vmem>>, vector<16xi32>,
      %mul3A_179 = arith.constant 8 : i32
      %mul3A_180 = arith.muli %scan3A_94, %mul3A_179 : i32
      %add3A_181 = arith.constant 2 : i32
      %add3A_182 = arith.addi %mul3A_180, %add3A_181 : i32
      %jit3A_183 = arith.constant 32 : i32
      %div3A_184 = arith.divsi %add3A_182, %jit3A_183 : i32
      %sign3A_185 = arith.constant 0 : i32
      %sign3A_186 = arith.cmpi sgt, %add3A_182, %sign3A_185 : i32
      %sign3A_187 = arith.extui %sign3A_186 : i1 to i32
      %sign3A_188 = arith.constant 0 : i32
      %sign3A_189 = arith.cmpi slt, %add3A_182, %sign3A_188 : i32
      %sign3A_190 = arith.extui %sign3A_189 : i1 to i32
      %sign3A_191 = arith.subi %sign3A_187, %sign3A_190 : i32
      %sign3A_192 = arith.constant 0 : i32
      %sign3A_193 = arith.cmpi sgt, %jit3A_183, %sign3A_192 : i32
      %sign3A_194 = arith.extui %sign3A_193 : i1 to i32
      %sign3A_195 = arith.constant 0 : i32
      %sign3A_196 = arith.cmpi slt, %jit3A_183, %sign3A_195 : i32
      %sign3A_197 = arith.extui %sign3A_196 : i1 to i32
      %sign3A_198 = arith.subi %sign3A_194, %sign3A_197 : i32
      %ne3A_199 = arith.cmpi ne, %sign3A_191, %sign3A_198 : i32
      %rem3A_200 = arith.remsi %add3A_182, %jit3A_183 : i32
      %ne3A_201 = arith.constant 0 : i32
      %ne3A_202 = arith.cmpi ne, %rem3A_200, %ne3A_201 : i32
      %and3A_203 = arith.andi %ne3A_199, %ne3A_202 : i1
      %sub3A_204 = arith.constant 1 : i32
      %sub3A_205 = arith.subi %div3A_184, %sub3A_204 : i32
      %select_n3A_206 = arith.select %and3A_203, %sub3A_205, %div3A_184 : i32
      %mul3A_207 = arith.constant 32 : i32
      %mul3A_208 = arith.muli %select_n3A_206, %mul3A_207 : i32
      %sub3A_209 = arith.subi %add3A_182, %mul3A_208 : i32
      %mul3A_210 = arith.constant 512 : i32
      %mul3A_211 = arith.muli %select_n3A_206, %mul3A_210 : i32
      %mul3A_212 = arith.constant 8 : i32
      %mul3A_213 = arith.muli %mul3A_212, %sub3A_209 : i32
      %add3A_214 = arith.addi %mul3A_211, %mul3A_213 : i32
      %add3A_215 = vector.broadcast %add3A_214 : i32 to vector<16xi32>
      %add3A_216 = arith.addi %add3A_215, %add3A_47 : vector<16xi32>
      %gather3A_217 = tpu.vector_load_idx %arg5[%add3A_216] : memref<12800xi32, #tpu.memory_space<vmem>>[vector<16xi32>], vector<16xi32>,
      %mul3A_218 = arith.constant 16 : i32
      %mul3A_219 = arith.muli %add3A_182, %mul3A_218 : i32
      %swap3A_220 = arith.index_cast %mul3A_219 : i32 to index
      %swap3A_221 = tpu.vector_load %arg6[%swap3A_220] {strides = array<i32>} : memref<12800xi32, #tpu.memory_space<vmem>>, vector<16xi32>,
      tpu.vector_store %arg6[%swap3A_220], %gather3A_217 {strides = array<i32>} : memref<12800xi32, #tpu.memory_space<vmem>>, vector<16xi32>,
      %mul3A_222 = arith.constant 8 : i32
      %mul3A_223 = arith.muli %scan3A_94, %mul3A_222 : i32
      %add3A_224 = arith.constant 3 : i32
      %add3A_225 = arith.addi %mul3A_223, %add3A_224 : i32
      %jit3A_226 = arith.constant 32 : i32
      %div3A_227 = arith.divsi %add3A_225, %jit3A_226 : i32
      %sign3A_228 = arith.constant 0 : i32
      %sign3A_229 = arith.cmpi sgt, %add3A_225, %sign3A_228 : i32
      %sign3A_230 = arith.extui %sign3A_229 : i1 to i32
      %sign3A_231 = arith.constant 0 : i32
      %sign3A_232 = arith.cmpi slt, %add3A_225, %sign3A_231 : i32
      %sign3A_233 = arith.extui %sign3A_232 : i1 to i32
      %sign3A_234 = arith.subi %sign3A_230, %sign3A_233 : i32
      %sign3A_235 = arith.constant 0 : i32
      %sign3A_236 = arith.cmpi sgt, %jit3A_226, %sign3A_235 : i32
      %sign3A_237 = arith.extui %sign3A_236 : i1 to i32
      %sign3A_238 = arith.constant 0 : i32
      %sign3A_239 = arith.cmpi slt, %jit3A_226, %sign3A_238 : i32
      %sign3A_240 = arith.extui %sign3A_239 : i1 to i32
      %sign3A_241 = arith.subi %sign3A_237, %sign3A_240 : i32
      %ne3A_242 = arith.cmpi ne, %sign3A_234, %sign3A_241 : i32
      %rem3A_243 = arith.remsi %add3A_225, %jit3A_226 : i32
      %ne3A_244 = arith.constant 0 : i32
      %ne3A_245 = arith.cmpi ne, %rem3A_243, %ne3A_244 : i32
      %and3A_246 = arith.andi %ne3A_242, %ne3A_245 : i1
      %sub3A_247 = arith.constant 1 : i32
      %sub3A_248 = arith.subi %div3A_227, %sub3A_247 : i32
      %select_n3A_249 = arith.select %and3A_246, %sub3A_248, %div3A_227 : i32
      %mul3A_250 = arith.constant 32 : i32
      %mul3A_251 = arith.muli %select_n3A_249, %mul3A_250 : i32
      %sub3A_252 = arith.subi %add3A_225, %mul3A_251 : i32
      %mul3A_253 = arith.constant 512 : i32
      %mul3A_254 = arith.muli %select_n3A_249, %mul3A_253 : i32
      %mul3A_255 = arith.constant 8 : i32
      %mul3A_256 = arith.muli %mul3A_255, %sub3A_252 : i32
      %add3A_257 = arith.addi %mul3A_254, %mul3A_256 : i32
      %add3A_258 = vector.broadcast %add3A_257 : i32 to vector<16xi32>
      %add3A_259 = arith.addi %add3A_258, %add3A_47 : vector<16xi32>
      %gather3A_260 = tpu.vector_load_idx %arg5[%add3A_259] : memref<12800xi32, #tpu.memory_space<vmem>>[vector<16xi32>], vector<16xi32>,
      %mul3A_261 = arith.constant 16 : i32
      %mul3A_262 = arith.muli %add3A_225, %mul3A_261 : i32
      %swap3A_263 = arith.index_cast %mul3A_262 : i32 to index
      %swap3A_264 = tpu.vector_load %arg6[%swap3A_263] {strides = array<i32>} : memref<12800xi32, #tpu.memory_space<vmem>>, vector<16xi32>,
      tpu.vector_store %arg6[%swap3A_263], %gather3A_260 {strides = array<i32>} : memref<12800xi32, #tpu.memory_space<vmem>>, vector<16xi32>,
      %mul3A_265 = arith.constant 8 : i32
      %mul3A_266 = arith.muli %scan3A_94, %mul3A_265 : i32
      %add3A_267 = arith.constant 4 : i32
      %add3A_268 = arith.addi %mul3A_266, %add3A_267 : i32
      %jit3A_269 = arith.constant 32 : i32
      %div3A_270 = arith.divsi %add3A_268, %jit3A_269 : i32
      %sign3A_271 = arith.constant 0 : i32
      %sign3A_272 = arith.cmpi sgt, %add3A_268, %sign3A_271 : i32
      %sign3A_273 = arith.extui %sign3A_272 : i1 to i32
      %sign3A_274 = arith.constant 0 : i32
      %sign3A_275 = arith.cmpi slt, %add3A_268, %sign3A_274 : i32
      %sign3A_276 = arith.extui %sign3A_275 : i1 to i32
      %sign3A_277 = arith.subi %sign3A_273, %sign3A_276 : i32
      %sign3A_278 = arith.constant 0 : i32
      %sign3A_279 = arith.cmpi sgt, %jit3A_269, %sign3A_278 : i32
      %sign3A_280 = arith.extui %sign3A_279 : i1 to i32
      %sign3A_281 = arith.constant 0 : i32
      %sign3A_282 = arith.cmpi slt, %jit3A_269, %sign3A_281 : i32
      %sign3A_283 = arith.extui %sign3A_282 : i1 to i32
      %sign3A_284 = arith.subi %sign3A_280, %sign3A_283 : i32
      %ne3A_285 = arith.cmpi ne, %sign3A_277, %sign3A_284 : i32
      %rem3A_286 = arith.remsi %add3A_268, %jit3A_269 : i32
      %ne3A_287 = arith.constant 0 : i32
      %ne3A_288 = arith.cmpi ne, %rem3A_286, %ne3A_287 : i32
      %and3A_289 = arith.andi %ne3A_285, %ne3A_288 : i1
      %sub3A_290 = arith.constant 1 : i32
      %sub3A_291 = arith.subi %div3A_270, %sub3A_290 : i32
      %select_n3A_292 = arith.select %and3A_289, %sub3A_291, %div3A_270 : i32
      %mul3A_293 = arith.constant 32 : i32
      %mul3A_294 = arith.muli %select_n3A_292, %mul3A_293 : i32
      %sub3A_295 = arith.subi %add3A_268, %mul3A_294 : i32
      %mul3A_296 = arith.constant 512 : i32
      %mul3A_297 = arith.muli %select_n3A_292, %mul3A_296 : i32
      %mul3A_298 = arith.constant 8 : i32
      %mul3A_299 = arith.muli %mul3A_298, %sub3A_295 : i32
      %add3A_300 = arith.addi %mul3A_297, %mul3A_299 : i32
      %add3A_301 = vector.broadcast %add3A_300 : i32 to vector<16xi32>
      %add3A_302 = arith.addi %add3A_301, %add3A_47 : vector<16xi32>
      %gather3A_303 = tpu.vector_load_idx %arg5[%add3A_302] : memref<12800xi32, #tpu.memory_space<vmem>>[vector<16xi32>], vector<16xi32>,
      %mul3A_304 = arith.constant 16 : i32
      %mul3A_305 = arith.muli %add3A_268, %mul3A_304 : i32
      %swap3A_306 = arith.index_cast %mul3A_305 : i32 to index
      %swap3A_307 = tpu.vector_load %arg6[%swap3A_306] {strides = array<i32>} : memref<12800xi32, #tpu.memory_space<vmem>>, vector<16xi32>,
      tpu.vector_store %arg6[%swap3A_306], %gather3A_303 {strides = array<i32>} : memref<12800xi32, #tpu.memory_space<vmem>>, vector<16xi32>,
      %mul3A_308 = arith.constant 8 : i32
      %mul3A_309 = arith.muli %scan3A_94, %mul3A_308 : i32
      %add3A_310 = arith.constant 5 : i32
      %add3A_311 = arith.addi %mul3A_309, %add3A_310 : i32
      %jit3A_312 = arith.constant 32 : i32
      %div3A_313 = arith.divsi %add3A_311, %jit3A_312 : i32
      %sign3A_314 = arith.constant 0 : i32
      %sign3A_315 = arith.cmpi sgt, %add3A_311, %sign3A_314 : i32
      %sign3A_316 = arith.extui %sign3A_315 : i1 to i32
      %sign3A_317 = arith.constant 0 : i32
      %sign3A_318 = arith.cmpi slt, %add3A_311, %sign3A_317 : i32
      %sign3A_319 = arith.extui %sign3A_318 : i1 to i32
      %sign3A_320 = arith.subi %sign3A_316, %sign3A_319 : i32
      %sign3A_321 = arith.constant 0 : i32
      %sign3A_322 = arith.cmpi sgt, %jit3A_312, %sign3A_321 : i32
      %sign3A_323 = arith.extui %sign3A_322 : i1 to i32
      %sign3A_324 = arith.constant 0 : i32
      %sign3A_325 = arith.cmpi slt, %jit3A_312, %sign3A_324 : i32
      %sign3A_326 = arith.extui %sign3A_325 : i1 to i32
      %sign3A_327 = arith.subi %sign3A_323, %sign3A_326 : i32
      %ne3A_328 = arith.cmpi ne, %sign3A_320, %sign3A_327 : i32
      %rem3A_329 = arith.remsi %add3A_311, %jit3A_312 : i32
      %ne3A_330 = arith.constant 0 : i32
      %ne3A_331 = arith.cmpi ne, %rem3A_329, %ne3A_330 : i32
      %and3A_332 = arith.andi %ne3A_328, %ne3A_331 : i1
      %sub3A_333 = arith.constant 1 : i32
      %sub3A_334 = arith.subi %div3A_313, %sub3A_333 : i32
      %select_n3A_335 = arith.select %and3A_332, %sub3A_334, %div3A_313 : i32
      %mul3A_336 = arith.constant 32 : i32
      %mul3A_337 = arith.muli %select_n3A_335, %mul3A_336 : i32
      %sub3A_338 = arith.subi %add3A_311, %mul3A_337 : i32
      %mul3A_339 = arith.constant 512 : i32
      %mul3A_340 = arith.muli %select_n3A_335, %mul3A_339 : i32
      %mul3A_341 = arith.constant 8 : i32
      %mul3A_342 = arith.muli %mul3A_341, %sub3A_338 : i32
      %add3A_343 = arith.addi %mul3A_340, %mul3A_342 : i32
      %add3A_344 = vector.broadcast %add3A_343 : i32 to vector<16xi32>
      %add3A_345 = arith.addi %add3A_344, %add3A_47 : vector<16xi32>
      %gather3A_346 = tpu.vector_load_idx %arg5[%add3A_345] : memref<12800xi32, #tpu.memory_space<vmem>>[vector<16xi32>], vector<16xi32>,
      %mul3A_347 = arith.constant 16 : i32
      %mul3A_348 = arith.muli %add3A_311, %mul3A_347 : i32
      %swap3A_349 = arith.index_cast %mul3A_348 : i32 to index
      %swap3A_350 = tpu.vector_load %arg6[%swap3A_349] {strides = array<i32>} : memref<12800xi32, #tpu.memory_space<vmem>>, vector<16xi32>,
      tpu.vector_store %arg6[%swap3A_349], %gather3A_346 {strides = array<i32>} : memref<12800xi32, #tpu.memory_space<vmem>>, vector<16xi32>,
      %mul3A_351 = arith.constant 8 : i32
      %mul3A_352 = arith.muli %scan3A_94, %mul3A_351 : i32
      %add3A_353 = arith.constant 6 : i32
      %add3A_354 = arith.addi %mul3A_352, %add3A_353 : i32
      %jit3A_355 = arith.constant 32 : i32
      %div3A_356 = arith.divsi %add3A_354, %jit3A_355 : i32
      %sign3A_357 = arith.constant 0 : i32
      %sign3A_358 = arith.cmpi sgt, %add3A_354, %sign3A_357 : i32
      %sign3A_359 = arith.extui %sign3A_358 : i1 to i32
      %sign3A_360 = arith.constant 0 : i32
      %sign3A_361 = arith.cmpi slt, %add3A_354, %sign3A_360 : i32
      %sign3A_362 = arith.extui %sign3A_361 : i1 to i32
      %sign3A_363 = arith.subi %sign3A_359, %sign3A_362 : i32
      %sign3A_364 = arith.constant 0 : i32
      %sign3A_365 = arith.cmpi sgt, %jit3A_355, %sign3A_364 : i32
      %sign3A_366 = arith.extui %sign3A_365 : i1 to i32
      %sign3A_367 = arith.constant 0 : i32
      %sign3A_368 = arith.cmpi slt, %jit3A_355, %sign3A_367 : i32
      %sign3A_369 = arith.extui %sign3A_368 : i1 to i32
      %sign3A_370 = arith.subi %sign3A_366, %sign3A_369 : i32
      %ne3A_371 = arith.cmpi ne, %sign3A_363, %sign3A_370 : i32
      %rem3A_372 = arith.remsi %add3A_354, %jit3A_355 : i32
      %ne3A_373 = arith.constant 0 : i32
      %ne3A_374 = arith.cmpi ne, %rem3A_372, %ne3A_373 : i32
      %and3A_375 = arith.andi %ne3A_371, %ne3A_374 : i1
      %sub3A_376 = arith.constant 1 : i32
      %sub3A_377 = arith.subi %div3A_356, %sub3A_376 : i32
      %select_n3A_378 = arith.select %and3A_375, %sub3A_377, %div3A_356 : i32
      %mul3A_379 = arith.constant 32 : i32
      %mul3A_380 = arith.muli %select_n3A_378, %mul3A_379 : i32
      %sub3A_381 = arith.subi %add3A_354, %mul3A_380 : i32
      %mul3A_382 = arith.constant 512 : i32
      %mul3A_383 = arith.muli %select_n3A_378, %mul3A_382 : i32
      %mul3A_384 = arith.constant 8 : i32
      %mul3A_385 = arith.muli %mul3A_384, %sub3A_381 : i32
      %add3A_386 = arith.addi %mul3A_383, %mul3A_385 : i32
      %add3A_387 = vector.broadcast %add3A_386 : i32 to vector<16xi32>
      %add3A_388 = arith.addi %add3A_387, %add3A_47 : vector<16xi32>
      %gather3A_389 = tpu.vector_load_idx %arg5[%add3A_388] : memref<12800xi32, #tpu.memory_space<vmem>>[vector<16xi32>], vector<16xi32>,
      %mul3A_390 = arith.constant 16 : i32
      %mul3A_391 = arith.muli %add3A_354, %mul3A_390 : i32
      %swap3A_392 = arith.index_cast %mul3A_391 : i32 to index
      %swap3A_393 = tpu.vector_load %arg6[%swap3A_392] {strides = array<i32>} : memref<12800xi32, #tpu.memory_space<vmem>>, vector<16xi32>,
      tpu.vector_store %arg6[%swap3A_392], %gather3A_389 {strides = array<i32>} : memref<12800xi32, #tpu.memory_space<vmem>>, vector<16xi32>,
      %mul3A_394 = arith.constant 8 : i32
      %mul3A_395 = arith.muli %scan3A_94, %mul3A_394 : i32
      %add3A_396 = arith.constant 7 : i32
      %add3A_397 = arith.addi %mul3A_395, %add3A_396 : i32
      %jit3A_398 = arith.constant 32 : i32
      %div3A_399 = arith.divsi %add3A_397, %jit3A_398 : i32
      %sign3A_400 = arith.constant 0 : i32
      %sign3A_401 = arith.cmpi sgt, %add3A_397, %sign3A_400 : i32
      %sign3A_402 = arith.extui %sign3A_401 : i1 to i32
      %sign3A_403 = arith.constant 0 : i32
      %sign3A_404 = arith.cmpi slt, %add3A_397, %sign3A_403 : i32
      %sign3A_405 = arith.extui %sign3A_404 : i1 to i32
      %sign3A_406 = arith.subi %sign3A_402, %sign3A_405 : i32
      %sign3A_407 = arith.constant 0 : i32
      %sign3A_408 = arith.cmpi sgt, %jit3A_398, %sign3A_407 : i32
      %sign3A_409 = arith.extui %sign3A_408 : i1 to i32
      %sign3A_410 = arith.constant 0 : i32
      %sign3A_411 = arith.cmpi slt, %jit3A_398, %sign3A_410 : i32
      %sign3A_412 = arith.extui %sign3A_411 : i1 to i32
      %sign3A_413 = arith.subi %sign3A_409, %sign3A_412 : i32
      %ne3A_414 = arith.cmpi ne, %sign3A_406, %sign3A_413 : i32
      %rem3A_415 = arith.remsi %add3A_397, %jit3A_398 : i32
      %ne3A_416 = arith.constant 0 : i32
      %ne3A_417 = arith.cmpi ne, %rem3A_415, %ne3A_416 : i32
      %and3A_418 = arith.andi %ne3A_414, %ne3A_417 : i1
      %sub3A_419 = arith.constant 1 : i32
      %sub3A_420 = arith.subi %div3A_399, %sub3A_419 : i32
      %select_n3A_421 = arith.select %and3A_418, %sub3A_420, %div3A_399 : i32
      %mul3A_422 = arith.constant 32 : i32
      %mul3A_423 = arith.muli %select_n3A_421, %mul3A_422 : i32
      %sub3A_424 = arith.subi %add3A_397, %mul3A_423 : i32
      %mul3A_425 = arith.constant 512 : i32
      %mul3A_426 = arith.muli %select_n3A_421, %mul3A_425 : i32
      %mul3A_427 = arith.constant 8 : i32
      %mul3A_428 = arith.muli %mul3A_427, %sub3A_424 : i32
      %add3A_429 = arith.addi %mul3A_426, %mul3A_428 : i32
      %add3A_430 = vector.broadcast %add3A_429 : i32 to vector<16xi32>
      %add3A_431 = arith.addi %add3A_430, %add3A_47 : vector<16xi32>
      %gather3A_432 = tpu.vector_load_idx %arg5[%add3A_431] : memref<12800xi32, #tpu.memory_space<vmem>>[vector<16xi32>], vector<16xi32>,
      %mul3A_433 = arith.constant 16 : i32
      %mul3A_434 = arith.muli %add3A_397, %mul3A_433 : i32
      %swap3A_435 = arith.index_cast %mul3A_434 : i32 to index
      %swap3A_436 = tpu.vector_load %arg6[%swap3A_435] {strides = array<i32>} : memref<12800xi32, #tpu.memory_space<vmem>>, vector<16xi32>,
      tpu.vector_store %arg6[%swap3A_435], %gather3A_432 {strides = array<i32>} : memref<12800xi32, #tpu.memory_space<vmem>>, vector<16xi32>,
    }
    %scan3A_52 = arith.constant 100 : i32
    %scan3A_53 = arith.constant 0 : i32
    %scan3A_54 = arith.constant 0 : i32
    %scan3A_55 = arith.constant 25 : i32
    %scan3A_56 = arith.addi %scan3A_54, %scan3A_55 : i32
    %scan3A_57 = arith.constant 1 : i32
    scf.for %scan3A_94 = %scan3A_54 to %scan3A_56 step %scan3A_57  : i32 {
      %jit3A_95 = arith.constant 2 : i32
      %eq3A_96 = arith.constant 0 : i32
      %eq3A_97 = arith.cmpi eq, %jit3A_95, %eq3A_96 : i32
      %jit3A_98 = arith.constant 1 : i32
      %select_n3A_99 = arith.select %eq3A_97, %jit3A_98, %jit3A_95 : i32
      %rem3A_100 = arith.remsi %scan3A_94, %select_n3A_99 : i32
      %ne3A_101 = arith.constant 0 : i32
      %ne3A_102 = arith.cmpi ne, %rem3A_100, %ne3A_101 : i32
      %lt3A_103 = arith.constant 0 : i32
      %lt3A_104 = arith.cmpi slt, %rem3A_100, %lt3A_103 : i32
      %lt3A_105 = arith.constant 0 : i32
      %lt3A_106 = arith.cmpi slt, %select_n3A_99, %lt3A_105 : i32
      %ne3A_107 = arith.xori %lt3A_104, %lt3A_106 : i1
      %and3A_108 = arith.andi %ne3A_107, %ne3A_102 : i1
      %add3A_109 = arith.addi %rem3A_100, %select_n3A_99 : i32
      %select_n3A_110 = arith.select %and3A_108, %add3A_109, %rem3A_100 : i32
      %ge3A = arith.constant 2 : i32
      %ge3A_111 = arith.cmpi sge, %scan3A_94, %ge3A : i32
      %convert_element_type3A = arith.extui %ge3A_111 : i1 to i32
      %cond3A = arith.constant 0 : i32
      %cond3A_112 = arith.cmpi ne, %convert_element_type3A, %cond3A : i32
      scf.if %cond3A_112 {
        %sub3A_216 = arith.constant 2 : i32
        %sub3A_217 = arith.subi %scan3A_94, %sub3A_216 : i32
        %dma_wait3A_218 = arith.constant 0 : i32
        %dma_wait3A_219 = arith.constant 0 : i32
        %dma_wait3A_220 = tpu.memref_slice %arg7[%select_n3A_110, %dma_wait3A_218, %dma_wait3A_219] : memref<2x512x64xf32, #tpu.memory_space<vmem>> -> memref<1x512x64xf32, #tpu.memory_space<vmem>>
        %dma_wait3A_221 = tpu.memref_squeeze %dma_wait3A_220 : memref<1x512x64xf32, #tpu.memory_space<vmem>> -> memref<512x64xf32, #tpu.memory_space<vmem>>
        %dma_wait3A_222 = arith.constant 0 : i32
        %dma_wait3A_223 = arith.constant 0 : i32
        %dma_wait3A_224 = tpu.memref_slice %arg4[%add3A, %sub3A_217, %dma_wait3A_222, %dma_wait3A_223] : memref<32x25x512x64xf32, #tpu.memory_space<hbm>> -> memref<1x1x512x64xf32, #tpu.memory_space<hbm>>
        %dma_wait3A_225 = tpu.memref_squeeze %dma_wait3A_224 : memref<1x1x512x64xf32, #tpu.memory_space<hbm>> -> memref<512x64xf32, #tpu.memory_space<hbm>>
        %dma_wait3A_226 = arith.constant 0 : i32
        %dma_wait3A_227 = arith.constant 0 : i32
        %dma_wait3A_228 = tpu.memref_slice %arg4[%add3A, %sub3A_217, %dma_wait3A_226, %dma_wait3A_227] : memref<32x25x512x64xf32, #tpu.memory_space<hbm>> -> memref<1x1x512x64xf32, #tpu.memory_space<hbm>>
        %dma_wait3A_229 = tpu.memref_squeeze %dma_wait3A_228 : memref<1x1x512x64xf32, #tpu.memory_space<hbm>> -> memref<512x64xf32, #tpu.memory_space<hbm>>
        %dma_wait3A_230 = arith.constant 0 : i32
        %dma_wait3A_231 = arith.constant 0 : i32
        %dma_wait3A_232 = tpu.memref_slice %arg7[%select_n3A_110, %dma_wait3A_230, %dma_wait3A_231] : memref<2x512x64xf32, #tpu.memory_space<vmem>> -> memref<1x512x64xf32, #tpu.memory_space<vmem>>
        %dma_wait3A_233 = tpu.memref_squeeze %dma_wait3A_232 : memref<1x512x64xf32, #tpu.memory_space<vmem>> -> memref<512x64xf32, #tpu.memory_space<vmem>>
        tpu.wait_dma2 semaphore(%arg9 : memref<!tpu.dma_semaphore, #tpu.memory_space<semaphore_mem>>) src(%dma_wait3A_233 : memref<512x64xf32, #tpu.memory_space<vmem>>) dst(%dma_wait3A_229 : memref<512x64xf32, #tpu.memory_space<hbm>>)
      } else {
      }
      %mul3A_113 = arith.constant 4 : i32
      %mul3A_114 = arith.muli %scan3A_94, %mul3A_113 : i32
      %add3A_115 = arith.constant 0 : i32
      %add3A_116 = arith.addi %mul3A_114, %add3A_115 : i32
      %mul3A_117 = arith.constant 128 : i32
      %mul3A_118 = arith.muli %add3A_116, %mul3A_117 : i32
      %dma_start3A = arith.constant 0 : i32
      %dma_start3A_119 = arith.constant 0 : i32
      %dma_start3A_120 = tpu.memref_slice %arg7[%select_n3A_110, %dma_start3A, %dma_start3A_119] : memref<2x512x64xf32, #tpu.memory_space<vmem>> -> memref<1x128x64xf32, #tpu.memory_space<vmem>>
      %dma_start3A_121 = tpu.memref_squeeze %dma_start3A_120 : memref<1x128x64xf32, #tpu.memory_space<vmem>> -> memref<128x64xf32, #tpu.memory_space<vmem>>
      %dma_start3A_122 = tpu.memref_slice %arg6[%mul3A_118] : memref<12800xi32, #tpu.memory_space<vmem>> -> memref<128xi32, #tpu.memory_space<vmem>>
      %dma_start3A_123 = arith.constant 0 : i32
      %dma_start3A_124 = arith.constant 0 : i32
      %dma_start3A_125 = tpu.memref_slice %arg2[%dma_start3A_123, %dma_start3A_124] : memref<1015808x64xf32, #tpu.memory_space<hbm>> -> memref<1015808x64xf32, #tpu.memory_space<hbm>>
      tpu.enqueue_indirect_dma source(%dma_start3A_125 : memref<1015808x64xf32, #tpu.memory_space<hbm>>) target(%dma_start3A_121 : memref<128x64xf32, #tpu.memory_space<vmem>>) offsets(%dma_start3A_122 : memref<128xi32, #tpu.memory_space<vmem>>) semaphore(%arg8 : memref<!tpu.dma_semaphore, #tpu.memory_space<semaphore_mem>>)
      %mul3A_126 = arith.constant 4 : i32
      %mul3A_127 = arith.muli %scan3A_94, %mul3A_126 : i32
      %add3A_128 = arith.constant 1 : i32
      %add3A_129 = arith.addi %mul3A_127, %add3A_128 : i32
      %mul3A_130 = arith.constant 128 : i32
      %mul3A_131 = arith.muli %add3A_129, %mul3A_130 : i32
      %dma_start3A_132 = arith.constant 128 : i32
      %dma_start3A_133 = arith.constant 0 : i32
      %dma_start3A_134 = tpu.memref_slice %arg7[%select_n3A_110, %dma_start3A_132, %dma_start3A_133] : memref<2x512x64xf32, #tpu.memory_space<vmem>> -> memref<1x128x64xf32, #tpu.memory_space<vmem>>
      %dma_start3A_135 = tpu.memref_squeeze %dma_start3A_134 : memref<1x128x64xf32, #tpu.memory_space<vmem>> -> memref<128x64xf32, #tpu.memory_space<vmem>>
      %dma_start3A_136 = tpu.memref_slice %arg6[%mul3A_131] : memref<12800xi32, #tpu.memory_space<vmem>> -> memref<128xi32, #tpu.memory_space<vmem>>
      %dma_start3A_137 = arith.constant 0 : i32
      %dma_start3A_138 = arith.constant 0 : i32
      %dma_start3A_139 = tpu.memref_slice %arg2[%dma_start3A_137, %dma_start3A_138] : memref<1015808x64xf32, #tpu.memory_space<hbm>> -> memref<1015808x64xf32, #tpu.memory_space<hbm>>
      tpu.enqueue_indirect_dma source(%dma_start3A_139 : memref<1015808x64xf32, #tpu.memory_space<hbm>>) target(%dma_start3A_135 : memref<128x64xf32, #tpu.memory_space<vmem>>) offsets(%dma_start3A_136 : memref<128xi32, #tpu.memory_space<vmem>>) semaphore(%arg8 : memref<!tpu.dma_semaphore, #tpu.memory_space<semaphore_mem>>)
      %mul3A_140 = arith.constant 4 : i32
      %mul3A_141 = arith.muli %scan3A_94, %mul3A_140 : i32
      %add3A_142 = arith.constant 2 : i32
      %add3A_143 = arith.addi %mul3A_141, %add3A_142 : i32
      %mul3A_144 = arith.constant 128 : i32
      %mul3A_145 = arith.muli %add3A_143, %mul3A_144 : i32
      %dma_start3A_146 = arith.constant 256 : i32
      %dma_start3A_147 = arith.constant 0 : i32
      %dma_start3A_148 = tpu.memref_slice %arg7[%select_n3A_110, %dma_start3A_146, %dma_start3A_147] : memref<2x512x64xf32, #tpu.memory_space<vmem>> -> memref<1x128x64xf32, #tpu.memory_space<vmem>>
      %dma_start3A_149 = tpu.memref_squeeze %dma_start3A_148 : memref<1x128x64xf32, #tpu.memory_space<vmem>> -> memref<128x64xf32, #tpu.memory_space<vmem>>
      %dma_start3A_150 = tpu.memref_slice %arg6[%mul3A_145] : memref<12800xi32, #tpu.memory_space<vmem>> -> memref<128xi32, #tpu.memory_space<vmem>>
      %dma_start3A_151 = arith.constant 0 : i32
      %dma_start3A_152 = arith.constant 0 : i32
      %dma_start3A_153 = tpu.memref_slice %arg2[%dma_start3A_151, %dma_start3A_152] : memref<1015808x64xf32, #tpu.memory_space<hbm>> -> memref<1015808x64xf32, #tpu.memory_space<hbm>>
      tpu.enqueue_indirect_dma source(%dma_start3A_153 : memref<1015808x64xf32, #tpu.memory_space<hbm>>) target(%dma_start3A_149 : memref<128x64xf32, #tpu.memory_space<vmem>>) offsets(%dma_start3A_150 : memref<128xi32, #tpu.memory_space<vmem>>) semaphore(%arg8 : memref<!tpu.dma_semaphore, #tpu.memory_space<semaphore_mem>>)
      %mul3A_154 = arith.constant 4 : i32
      %mul3A_155 = arith.muli %scan3A_94, %mul3A_154 : i32
      %add3A_156 = arith.constant 3 : i32
      %add3A_157 = arith.addi %mul3A_155, %add3A_156 : i32
      %mul3A_158 = arith.constant 128 : i32
      %mul3A_159 = arith.muli %add3A_157, %mul3A_158 : i32
      %dma_start3A_160 = arith.constant 384 : i32
      %dma_start3A_161 = arith.constant 0 : i32
      %dma_start3A_162 = tpu.memref_slice %arg7[%select_n3A_110, %dma_start3A_160, %dma_start3A_161] : memref<2x512x64xf32, #tpu.memory_space<vmem>> -> memref<1x128x64xf32, #tpu.memory_space<vmem>>
      %dma_start3A_163 = tpu.memref_squeeze %dma_start3A_162 : memref<1x128x64xf32, #tpu.memory_space<vmem>> -> memref<128x64xf32, #tpu.memory_space<vmem>>
      %dma_start3A_164 = tpu.memref_slice %arg6[%mul3A_159] : memref<12800xi32, #tpu.memory_space<vmem>> -> memref<128xi32, #tpu.memory_space<vmem>>
      %dma_start3A_165 = arith.constant 0 : i32
      %dma_start3A_166 = arith.constant 0 : i32
      %dma_start3A_167 = tpu.memref_slice %arg2[%dma_start3A_165, %dma_start3A_166] : memref<1015808x64xf32, #tpu.memory_space<hbm>> -> memref<1015808x64xf32, #tpu.memory_space<hbm>>
      tpu.enqueue_indirect_dma source(%dma_start3A_167 : memref<1015808x64xf32, #tpu.memory_space<hbm>>) target(%dma_start3A_163 : memref<128x64xf32, #tpu.memory_space<vmem>>) offsets(%dma_start3A_164 : memref<128xi32, #tpu.memory_space<vmem>>) semaphore(%arg8 : memref<!tpu.dma_semaphore, #tpu.memory_space<semaphore_mem>>)
      %dma_wait3A_168 = arith.constant 0 : i32
      %dma_wait3A_169 = arith.constant 0 : i32
      %dma_wait3A_170 = tpu.memref_slice %arg7[%select_n3A_110, %dma_wait3A_168, %dma_wait3A_169] : memref<2x512x64xf32, #tpu.memory_space<vmem>> -> memref<1x128x64xf32, #tpu.memory_space<vmem>>
      %dma_wait3A_171 = tpu.memref_squeeze %dma_wait3A_170 : memref<1x128x64xf32, #tpu.memory_space<vmem>> -> memref<128x64xf32, #tpu.memory_space<vmem>>
      %dma_wait3A_172 = tpu.memref_slice %arg6[%mul3A_118] : memref<12800xi32, #tpu.memory_space<vmem>> -> memref<128xi32, #tpu.memory_space<vmem>>
      %dma_wait3A_173 = arith.constant 0 : i32
      %dma_wait3A_174 = arith.constant 0 : i32
      %dma_wait3A_175 = tpu.memref_slice %arg2[%dma_wait3A_173, %dma_wait3A_174] : memref<1015808x64xf32, #tpu.memory_space<hbm>> -> memref<1015808x64xf32, #tpu.memory_space<hbm>>
      tpu.wait_indirect_dma semaphore(%arg8 : memref<!tpu.dma_semaphore, #tpu.memory_space<semaphore_mem>>) src(%dma_wait3A_175 : memref<1015808x64xf32, #tpu.memory_space<hbm>>) dst(%dma_wait3A_171 : memref<128x64xf32, #tpu.memory_space<vmem>>)
      %dma_wait3A_176 = arith.constant 128 : i32
      %dma_wait3A_177 = arith.constant 0 : i32
      %dma_wait3A_178 = tpu.memref_slice %arg7[%select_n3A_110, %dma_wait3A_176, %dma_wait3A_177] : memref<2x512x64xf32, #tpu.memory_space<vmem>> -> memref<1x128x64xf32, #tpu.memory_space<vmem>>
      %dma_wait3A_179 = tpu.memref_squeeze %dma_wait3A_178 : memref<1x128x64xf32, #tpu.memory_space<vmem>> -> memref<128x64xf32, #tpu.memory_space<vmem>>
      %dma_wait3A_180 = tpu.memref_slice %arg6[%mul3A_131] : memref<12800xi32, #tpu.memory_space<vmem>> -> memref<128xi32, #tpu.memory_space<vmem>>
      %dma_wait3A_181 = arith.constant 0 : i32
      %dma_wait3A_182 = arith.constant 0 : i32
      %dma_wait3A_183 = tpu.memref_slice %arg2[%dma_wait3A_181, %dma_wait3A_182] : memref<1015808x64xf32, #tpu.memory_space<hbm>> -> memref<1015808x64xf32, #tpu.memory_space<hbm>>
      tpu.wait_indirect_dma semaphore(%arg8 : memref<!tpu.dma_semaphore, #tpu.memory_space<semaphore_mem>>) src(%dma_wait3A_183 : memref<1015808x64xf32, #tpu.memory_space<hbm>>) dst(%dma_wait3A_179 : memref<128x64xf32, #tpu.memory_space<vmem>>)
      %dma_wait3A_184 = arith.constant 256 : i32
      %dma_wait3A_185 = arith.constant 0 : i32
      %dma_wait3A_186 = tpu.memref_slice %arg7[%select_n3A_110, %dma_wait3A_184, %dma_wait3A_185] : memref<2x512x64xf32, #tpu.memory_space<vmem>> -> memref<1x128x64xf32, #tpu.memory_space<vmem>>
      %dma_wait3A_187 = tpu.memref_squeeze %dma_wait3A_186 : memref<1x128x64xf32, #tpu.memory_space<vmem>> -> memref<128x64xf32, #tpu.memory_space<vmem>>
      %dma_wait3A_188 = tpu.memref_slice %arg6[%mul3A_145] : memref<12800xi32, #tpu.memory_space<vmem>> -> memref<128xi32, #tpu.memory_space<vmem>>
      %dma_wait3A_189 = arith.constant 0 : i32
      %dma_wait3A_190 = arith.constant 0 : i32
      %dma_wait3A_191 = tpu.memref_slice %arg2[%dma_wait3A_189, %dma_wait3A_190] : memref<1015808x64xf32, #tpu.memory_space<hbm>> -> memref<1015808x64xf32, #tpu.memory_space<hbm>>
      tpu.wait_indirect_dma semaphore(%arg8 : memref<!tpu.dma_semaphore, #tpu.memory_space<semaphore_mem>>) src(%dma_wait3A_191 : memref<1015808x64xf32, #tpu.memory_space<hbm>>) dst(%dma_wait3A_187 : memref<128x64xf32, #tpu.memory_space<vmem>>)
      %dma_wait3A_192 = arith.constant 384 : i32
      %dma_wait3A_193 = arith.constant 0 : i32
      %dma_wait3A_194 = tpu.memref_slice %arg7[%select_n3A_110, %dma_wait3A_192, %dma_wait3A_193] : memref<2x512x64xf32, #tpu.memory_space<vmem>> -> memref<1x128x64xf32, #tpu.memory_space<vmem>>
      %dma_wait3A_195 = tpu.memref_squeeze %dma_wait3A_194 : memref<1x128x64xf32, #tpu.memory_space<vmem>> -> memref<128x64xf32, #tpu.memory_space<vmem>>
      %dma_wait3A_196 = tpu.memref_slice %arg6[%mul3A_159] : memref<12800xi32, #tpu.memory_space<vmem>> -> memref<128xi32, #tpu.memory_space<vmem>>
      %dma_wait3A_197 = arith.constant 0 : i32
      %dma_wait3A_198 = arith.constant 0 : i32
      %dma_wait3A_199 = tpu.memref_slice %arg2[%dma_wait3A_197, %dma_wait3A_198] : memref<1015808x64xf32, #tpu.memory_space<hbm>> -> memref<1015808x64xf32, #tpu.memory_space<hbm>>
      tpu.wait_indirect_dma semaphore(%arg8 : memref<!tpu.dma_semaphore, #tpu.memory_space<semaphore_mem>>) src(%dma_wait3A_199 : memref<1015808x64xf32, #tpu.memory_space<hbm>>) dst(%dma_wait3A_195 : memref<128x64xf32, #tpu.memory_space<vmem>>)
      %dma_start3A_200 = arith.constant 0 : i32
      %dma_start3A_201 = arith.constant 0 : i32
      %dma_start3A_202 = tpu.memref_slice %arg7[%select_n3A_110, %dma_start3A_200, %dma_start3A_201] : memref<2x512x64xf32, #tpu.memory_space<vmem>> -> memref<1x512x64xf32, #tpu.memory_space<vmem>>
      %dma_start3A_203 = tpu.memref_squeeze %dma_start3A_202 : memref<1x512x64xf32, #tpu.memory_space<vmem>> -> memref<512x64xf32, #tpu.memory_space<vmem>>
      %dma_start3A_204 = arith.constant 0 : i32
      %dma_start3A_205 = arith.constant 0 : i32
      %dma_start3A_206 = tpu.memref_slice %arg4[%add3A, %scan3A_94, %dma_start3A_204, %dma_start3A_205] : memref<32x25x512x64xf32, #tpu.memory_space<hbm>> -> memref<1x1x512x64xf32, #tpu.memory_space<hbm>>
      %dma_start3A_207 = tpu.memref_squeeze %dma_start3A_206 : memref<1x1x512x64xf32, #tpu.memory_space<hbm>> -> memref<512x64xf32, #tpu.memory_space<hbm>>
      %dma_start3A_208 = arith.constant 0 : i32
      %dma_start3A_209 = arith.constant 0 : i32
      %dma_start3A_210 = tpu.memref_slice %arg4[%add3A, %scan3A_94, %dma_start3A_208, %dma_start3A_209] : memref<32x25x512x64xf32, #tpu.memory_space<hbm>> -> memref<1x1x512x64xf32, #tpu.memory_space<hbm>>
      %dma_start3A_211 = tpu.memref_squeeze %dma_start3A_210 : memref<1x1x512x64xf32, #tpu.memory_space<hbm>> -> memref<512x64xf32, #tpu.memory_space<hbm>>
      %dma_start3A_212 = arith.constant 0 : i32
      %dma_start3A_213 = arith.constant 0 : i32
      %dma_start3A_214 = tpu.memref_slice %arg7[%select_n3A_110, %dma_start3A_212, %dma_start3A_213] : memref<2x512x64xf32, #tpu.memory_space<vmem>> -> memref<1x512x64xf32, #tpu.memory_space<vmem>>
      %dma_start3A_215 = tpu.memref_squeeze %dma_start3A_214 : memref<1x512x64xf32, #tpu.memory_space<vmem>> -> memref<512x64xf32, #tpu.memory_space<vmem>>
      tpu.enqueue_dma source(%dma_start3A_215 : memref<512x64xf32, #tpu.memory_space<vmem>>) target(%dma_start3A_211 : memref<512x64xf32, #tpu.memory_space<hbm>>) target_semaphore(%arg9 : memref<!tpu.dma_semaphore, #tpu.memory_space<semaphore_mem>>)
    }
    %scan3A_58 = arith.constant 25 : i32
    %dma_wait3A = arith.constant 0 : i32
    %dma_wait3A_59 = arith.constant 23 : i32
    %dma_wait3A_60 = arith.constant 0 : i32
    %dma_wait3A_61 = arith.constant 0 : i32
    %dma_wait3A_62 = tpu.memref_slice %arg7[%dma_wait3A, %dma_wait3A_60, %dma_wait3A_61] : memref<2x512x64xf32, #tpu.memory_space<vmem>> -> memref<1x512x64xf32, #tpu.memory_space<vmem>>
    %dma_wait3A_63 = tpu.memref_squeeze %dma_wait3A_62 : memref<1x512x64xf32, #tpu.memory_space<vmem>> -> memref<512x64xf32, #tpu.memory_space<vmem>>
    %dma_wait3A_64 = arith.constant 0 : i32
    %dma_wait3A_65 = arith.constant 0 : i32
    %dma_wait3A_66 = tpu.memref_slice %arg4[%add3A, %dma_wait3A_59, %dma_wait3A_64, %dma_wait3A_65] : memref<32x25x512x64xf32, #tpu.memory_space<hbm>> -> memref<1x1x512x64xf32, #tpu.memory_space<hbm>>
    %dma_wait3A_67 = tpu.memref_squeeze %dma_wait3A_66 : memref<1x1x512x64xf32, #tpu.memory_space<hbm>> -> memref<512x64xf32, #tpu.memory_space<hbm>>
    %dma_wait3A_68 = arith.constant 0 : i32
    %dma_wait3A_69 = arith.constant 0 : i32
    %dma_wait3A_70 = tpu.memref_slice %arg4[%add3A, %dma_wait3A_59, %dma_wait3A_68, %dma_wait3A_69] : memref<32x25x512x64xf32, #tpu.memory_space<hbm>> -> memref<1x1x512x64xf32, #tpu.memory_space<hbm>>
    %dma_wait3A_71 = tpu.memref_squeeze %dma_wait3A_70 : memref<1x1x512x64xf32, #tpu.memory_space<hbm>> -> memref<512x64xf32, #tpu.memory_space<hbm>>
    %dma_wait3A_72 = arith.constant 0 : i32
    %dma_wait3A_73 = arith.constant 0 : i32
    %dma_wait3A_74 = tpu.memref_slice %arg7[%dma_wait3A, %dma_wait3A_72, %dma_wait3A_73] : memref<2x512x64xf32, #tpu.memory_space<vmem>> -> memref<1x512x64xf32, #tpu.memory_space<vmem>>
    %dma_wait3A_75 = tpu.memref_squeeze %dma_wait3A_74 : memref<1x512x64xf32, #tpu.memory_space<vmem>> -> memref<512x64xf32, #tpu.memory_space<vmem>>
    tpu.wait_dma2 semaphore(%arg9 : memref<!tpu.dma_semaphore, #tpu.memory_space<semaphore_mem>>) src(%dma_wait3A_75 : memref<512x64xf32, #tpu.memory_space<vmem>>) dst(%dma_wait3A_71 : memref<512x64xf32, #tpu.memory_space<hbm>>)
    %dma_wait3A_76 = arith.constant 1 : i32
    %dma_wait3A_77 = arith.constant 24 : i32
    %dma_wait3A_78 = arith.constant 0 : i32
    %dma_wait3A_79 = arith.constant 0 : i32
    %dma_wait3A_80 = tpu.memref_slice %arg7[%dma_wait3A_76, %dma_wait3A_78, %dma_wait3A_79] : memref<2x512x64xf32, #tpu.memory_space<vmem>> -> memref<1x512x64xf32, #tpu.memory_space<vmem>>
    %dma_wait3A_81 = tpu.memref_squeeze %dma_wait3A_80 : memref<1x512x64xf32, #tpu.memory_space<vmem>> -> memref<512x64xf32, #tpu.memory_space<vmem>>
    %dma_wait3A_82 = arith.constant 0 : i32
    %dma_wait3A_83 = arith.constant 0 : i32
    %dma_wait3A_84 = tpu.memref_slice %arg4[%add3A, %dma_wait3A_77, %dma_wait3A_82, %dma_wait3A_83] : memref<32x25x512x64xf32, #tpu.memory_space<hbm>> -> memref<1x1x512x64xf32, #tpu.memory_space<hbm>>
    %dma_wait3A_85 = tpu.memref_squeeze %dma_wait3A_84 : memref<1x1x512x64xf32, #tpu.memory_space<hbm>> -> memref<512x64xf32, #tpu.memory_space<hbm>>
    %dma_wait3A_86 = arith.constant 0 : i32
    %dma_wait3A_87 = arith.constant 0 : i32
    %dma_wait3A_88 = tpu.memref_slice %arg4[%add3A, %dma_wait3A_77, %dma_wait3A_86, %dma_wait3A_87] : memref<32x25x512x64xf32, #tpu.memory_space<hbm>> -> memref<1x1x512x64xf32, #tpu.memory_space<hbm>>
    %dma_wait3A_89 = tpu.memref_squeeze %dma_wait3A_88 : memref<1x1x512x64xf32, #tpu.memory_space<hbm>> -> memref<512x64xf32, #tpu.memory_space<hbm>>
    %dma_wait3A_90 = arith.constant 0 : i32
    %dma_wait3A_91 = arith.constant 0 : i32
    %dma_wait3A_92 = tpu.memref_slice %arg7[%dma_wait3A_76, %dma_wait3A_90, %dma_wait3A_91] : memref<2x512x64xf32, #tpu.memory_space<vmem>> -> memref<1x512x64xf32, #tpu.memory_space<vmem>>
    %dma_wait3A_93 = tpu.memref_squeeze %dma_wait3A_92 : memref<1x512x64xf32, #tpu.memory_space<vmem>> -> memref<512x64xf32, #tpu.memory_space<vmem>>
    tpu.wait_dma2 semaphore(%arg9 : memref<!tpu.dma_semaphore, #tpu.memory_space<semaphore_mem>>) src(%dma_wait3A_93 : memref<512x64xf32, #tpu.memory_space<vmem>>) dst(%dma_wait3A_89 : memref<512x64xf32, #tpu.memory_space<hbm>>)
    return
  }
}

#map = affine_map<(d0, d1) -> (0, 0)>
#map1 = affine_map<(d0, d1) -> (0, 0, 0, 0)>
module attributes {stable_mosaic.version = 14 : i64} {
  func.func @k(%arg0: i32, %arg1: i32, %arg2: memref<1015808x64xf32, #tpu.memory_space<hbm>>, %arg3: memref<32x12800xi32, #tpu.memory_space<hbm>>, %arg4: memref<32x25x512x64xf32, #tpu.memory_space<hbm>>, %arg5: memref<12800xi32, #tpu.memory_space<vmem>>, %arg6: memref<12800xi32, #tpu.memory_space<vmem>>, %arg7: memref<2x512x64xf32, #tpu.memory_space<vmem>>, %arg8: memref<!tpu.dma_semaphore, #tpu.memory_space<semaphore_mem>>, %arg9: memref<!tpu.dma_semaphore, #tpu.memory_space<semaphore_mem>>) attributes {dimension_semantics = [#tpu.dimension_semantics<core_parallel>, #tpu.dimension_semantics<subcore_parallel>], iteration_bounds = array<i64: 2, 16>, scalar_prefetch = 0 : i64, scratch_operands = 5 : i64, tpu.core_type = #tpu.core_type<sc_vector_subcore>, window_params = [{transform_indices = #map}, {transform_indices = #map}, {transform_indices = #map1}]} {
    %mul3A = arith.constant 2 : i32
    %mul3A_0 = arith.muli %arg1, %mul3A : i32
    %add3A = arith.addi %mul3A_0, %arg0 : i32
    "tpu.region"() ({
      %run_scoped3A = tpu.sem_alloc : memref<!tpu.dma_semaphore, #tpu.memory_space<semaphore_mem>>
      %dma_start3A = arith.constant 0 : i32
      %dma_start3A_94 = tpu.memref_slice %arg3[%add3A, %dma_start3A] : memref<32x12800xi32, #tpu.memory_space<hbm>> -> memref<1x12800xi32, #tpu.memory_space<hbm>>
      %dma_start3A_95 = tpu.memref_squeeze %dma_start3A_94 : memref<1x12800xi32, #tpu.memory_space<hbm>> -> memref<12800xi32, #tpu.memory_space<hbm>>
      %dma_start3A_96 = arith.constant 0 : i32
      %dma_start3A_97 = tpu.memref_slice %arg3[%add3A, %dma_start3A_96] : memref<32x12800xi32, #tpu.memory_space<hbm>> -> memref<1x12800xi32, #tpu.memory_space<hbm>>
      %dma_start3A_98 = tpu.memref_squeeze %dma_start3A_97 : memref<1x12800xi32, #tpu.memory_space<hbm>> -> memref<12800xi32, #tpu.memory_space<hbm>>
      tpu.enqueue_dma source(%dma_start3A_98 : memref<12800xi32, #tpu.memory_space<hbm>>) target(%arg5 : memref<12800xi32, #tpu.memory_space<vmem>>) target_semaphore(%run_scoped3A : memref<!tpu.dma_semaphore, #tpu.memory_space<semaphore_mem>>)
      %dma_wait3A_99 = arith.constant 0 : i32
      %dma_wait3A_100 = tpu.memref_slice %arg3[%add3A, %dma_wait3A_99] : memref<32x12800xi32, #tpu.memory_space<hbm>> -> memref<1x12800xi32, #tpu.memory_space<hbm>>
      %dma_wait3A_101 = tpu.memref_squeeze %dma_wait3A_100 : memref<1x12800xi32, #tpu.memory_space<hbm>> -> memref<12800xi32, #tpu.memory_space<hbm>>
      %dma_wait3A_102 = arith.constant 0 : i32
      %dma_wait3A_103 = tpu.memref_slice %arg3[%add3A, %dma_wait3A_102] : memref<32x12800xi32, #tpu.memory_space<hbm>> -> memref<1x12800xi32, #tpu.memory_space<hbm>>
      %dma_wait3A_104 = tpu.memref_squeeze %dma_wait3A_103 : memref<1x12800xi32, #tpu.memory_space<hbm>> -> memref<12800xi32, #tpu.memory_space<hbm>>
      tpu.wait_dma2 semaphore(%run_scoped3A : memref<!tpu.dma_semaphore, #tpu.memory_space<semaphore_mem>>) src(%dma_wait3A_104 : memref<12800xi32, #tpu.memory_space<hbm>>) dst(%arg5 : memref<12800xi32, #tpu.memory_space<vmem>>)
      tpu.yield
    }) : () -> ()
    %iota3A = tpu.iota {dimensions = array<i32: 0>} : vector<16xi32>
    %jit3A = arith.constant 2 : i32
    %eq3A = arith.constant 0 : i32
    %eq3A_1 = arith.cmpi eq, %jit3A, %eq3A : i32
    %jit3A_2 = arith.constant 1 : i32
    %select_n3A = arith.select %eq3A_1, %jit3A_2, %jit3A : i32
    %rem3A = vector.broadcast %select_n3A : i32 to vector<16xi32>
    %rem3A_3 = arith.remsi %iota3A, %rem3A : vector<16xi32>
    %ne3A = arith.constant 0 : i32
    %ne3A_4 = vector.broadcast %ne3A : i32 to vector<16xi32>
    %ne3A_5 = arith.cmpi ne, %rem3A_3, %ne3A_4 : vector<16xi32>
    %lt3A = arith.constant 0 : i32
    %lt3A_6 = vector.broadcast %lt3A : i32 to vector<16xi32>
    %lt3A_7 = arith.cmpi slt, %rem3A_3, %lt3A_6 : vector<16xi32>
    %lt3A_8 = arith.constant 0 : i32
    %lt3A_9 = arith.cmpi slt, %select_n3A, %lt3A_8 : i32
    %ne3A_10 = vector.broadcast %lt3A_9 : i1 to vector<16xi1>
    %ne3A_11 = vector.broadcast %ne3A_10 : vector<16xi1> to vector<16xi1>
    %ne3A_12 = arith.xori %lt3A_7, %ne3A_11 : vector<16xi1>
    %and3A = arith.andi %ne3A_12, %ne3A_5 : vector<16xi1>
    %add3A_13 = vector.broadcast %select_n3A : i32 to vector<16xi32>
    %add3A_14 = arith.addi %rem3A_3, %add3A_13 : vector<16xi32>
    %select_n3A_15 = arith.select %and3A, %add3A_14, %rem3A_3 : vector<16xi1>, vector<16xi32>
    %mul3A_16 = arith.constant 256 : i32
    %mul3A_17 = vector.broadcast %mul3A_16 : i32 to vector<16xi32>
    %mul3A_18 = arith.muli %mul3A_17, %select_n3A_15 : vector<16xi32>
    %jit3A_19 = arith.constant 2 : i32
    %div3A = vector.broadcast %jit3A_19 : i32 to vector<16xi32>
    %div3A_20 = arith.divsi %iota3A, %div3A : vector<16xi32>
    %sign3A = arith.constant 0 : i32
    %sign3A_21 = vector.broadcast %sign3A : i32 to vector<16xi32>
    %sign3A_22 = arith.cmpi sgt, %iota3A, %sign3A_21 : vector<16xi32>
    %sign3A_23 = arith.extui %sign3A_22 : vector<16xi1> to vector<16xi32>
    %sign3A_24 = arith.constant 0 : i32
    %sign3A_25 = vector.broadcast %sign3A_24 : i32 to vector<16xi32>
    %sign3A_26 = arith.cmpi slt, %iota3A, %sign3A_25 : vector<16xi32>
    %sign3A_27 = arith.extui %sign3A_26 : vector<16xi1> to vector<16xi32>
    %sign3A_28 = arith.subi %sign3A_23, %sign3A_27 : vector<16xi32>
    %sign3A_29 = arith.constant 0 : i32
    %sign3A_30 = arith.cmpi sgt, %jit3A_19, %sign3A_29 : i32
    %sign3A_31 = arith.extui %sign3A_30 : i1 to i32
    %sign3A_32 = arith.constant 0 : i32
    %sign3A_33 = arith.cmpi slt, %jit3A_19, %sign3A_32 : i32
    %sign3A_34 = arith.extui %sign3A_33 : i1 to i32
    %sign3A_35 = arith.subi %sign3A_31, %sign3A_34 : i32
    %ne3A_36 = vector.broadcast %sign3A_35 : i32 to vector<16xi32>
    %ne3A_37 = arith.cmpi ne, %sign3A_28, %ne3A_36 : vector<16xi32>
    %rem3A_38 = vector.broadcast %jit3A_19 : i32 to vector<16xi32>
    %rem3A_39 = arith.remsi %iota3A, %rem3A_38 : vector<16xi32>
    %ne3A_40 = arith.constant 0 : i32
    %ne3A_41 = vector.broadcast %ne3A_40 : i32 to vector<16xi32>
    %ne3A_42 = arith.cmpi ne, %rem3A_39, %ne3A_41 : vector<16xi32>
    %and3A_43 = arith.andi %ne3A_37, %ne3A_42 : vector<16xi1>
    %sub3A = arith.constant 1 : i32
    %sub3A_44 = vector.broadcast %sub3A : i32 to vector<16xi32>
    %sub3A_45 = arith.subi %div3A_20, %sub3A_44 : vector<16xi32>
    %select_n3A_46 = arith.select %and3A_43, %sub3A_45, %div3A_20 : vector<16xi1>, vector<16xi32>
    %add3A_47 = arith.addi %mul3A_18, %select_n3A_46 : vector<16xi32>
    %scan3A = arith.constant 0 : i32
    %scan3A_48 = arith.constant 0 : i32
    %scan3A_49 = arith.constant 100 : i32
    %scan3A_50 = arith.addi %scan3A_48, %scan3A_49 : i32
    %scan3A_51 = arith.constant 1 : i32
    scf.for %scan3A_94 = %scan3A_48 to %scan3A_50 step %scan3A_51  : i32 {
      %mul3A_95 = arith.constant 8 : i32
      %mul3A_96 = arith.muli %scan3A_94, %mul3A_95 : i32
      %add3A_97 = arith.constant 0 : i32
      %add3A_98 = arith.addi %mul3A_96, %add3A_97 : i32
      %jit3A_99 = arith.constant 32 : i32
      %div3A_100 = arith.divsi %add3A_98, %jit3A_99 : i32
      %sign3A_101 = arith.constant 0 : i32
      %sign3A_102 = arith.cmpi sgt, %add3A_98, %sign3A_101 : i32
      %sign3A_103 = arith.extui %sign3A_102 : i1 to i32
      %sign3A_104 = arith.constant 0 : i32
      %sign3A_105 = arith.cmpi slt, %add3A_98, %sign3A_104 : i32
      %sign3A_106 = arith.extui %sign3A_105 : i1 to i32
      %sign3A_107 = arith.subi %sign3A_103, %sign3A_106 : i32
      %sign3A_108 = arith.constant 0 : i32
      %sign3A_109 = arith.cmpi sgt, %jit3A_99, %sign3A_108 : i32
      %sign3A_110 = arith.extui %sign3A_109 : i1 to i32
      %sign3A_111 = arith.constant 0 : i32
      %sign3A_112 = arith.cmpi slt, %jit3A_99, %sign3A_111 : i32
      %sign3A_113 = arith.extui %sign3A_112 : i1 to i32
      %sign3A_114 = arith.subi %sign3A_110, %sign3A_113 : i32
      %ne3A_115 = arith.cmpi ne, %sign3A_107, %sign3A_114 : i32
      %rem3A_116 = arith.remsi %add3A_98, %jit3A_99 : i32
      %ne3A_117 = arith.constant 0 : i32
      %ne3A_118 = arith.cmpi ne, %rem3A_116, %ne3A_117 : i32
      %and3A_119 = arith.andi %ne3A_115, %ne3A_118 : i1
      %sub3A_120 = arith.constant 1 : i32
      %sub3A_121 = arith.subi %div3A_100, %sub3A_120 : i32
      %select_n3A_122 = arith.select %and3A_119, %sub3A_121, %div3A_100 : i32
      %mul3A_123 = arith.constant 32 : i32
      %mul3A_124 = arith.muli %select_n3A_122, %mul3A_123 : i32
      %sub3A_125 = arith.subi %add3A_98, %mul3A_124 : i32
      %mul3A_126 = arith.constant 512 : i32
      %mul3A_127 = arith.muli %select_n3A_122, %mul3A_126 : i32
      %mul3A_128 = arith.constant 8 : i32
      %mul3A_129 = arith.muli %mul3A_128, %sub3A_125 : i32
      %add3A_130 = arith.addi %mul3A_127, %mul3A_129 : i32
      %add3A_131 = vector.broadcast %add3A_130 : i32 to vector<16xi32>
      %add3A_132 = arith.addi %add3A_131, %add3A_47 : vector<16xi32>
      %gather3A = tpu.vector_load_idx %arg5[%add3A_132] : memref<12800xi32, #tpu.memory_space<vmem>>[vector<16xi32>], vector<16xi32>,
      %mul3A_133 = arith.constant 16 : i32
      %mul3A_134 = arith.muli %add3A_98, %mul3A_133 : i32
      %swap3A = arith.index_cast %mul3A_134 : i32 to index
      %swap3A_135 = tpu.vector_load %arg6[%swap3A] {strides = array<i32>} : memref<12800xi32, #tpu.memory_space<vmem>>, vector<16xi32>,
      tpu.vector_store %arg6[%swap3A], %gather3A {strides = array<i32>} : memref<12800xi32, #tpu.memory_space<vmem>>, vector<16xi32>,
      %mul3A_136 = arith.constant 8 : i32
      %mul3A_137 = arith.muli %scan3A_94, %mul3A_136 : i32
      %add3A_138 = arith.constant 1 : i32
      %add3A_139 = arith.addi %mul3A_137, %add3A_138 : i32
      %jit3A_140 = arith.constant 32 : i32
      %div3A_141 = arith.divsi %add3A_139, %jit3A_140 : i32
      %sign3A_142 = arith.constant 0 : i32
      %sign3A_143 = arith.cmpi sgt, %add3A_139, %sign3A_142 : i32
      %sign3A_144 = arith.extui %sign3A_143 : i1 to i32
      %sign3A_145 = arith.constant 0 : i32
      %sign3A_146 = arith.cmpi slt, %add3A_139, %sign3A_145 : i32
      %sign3A_147 = arith.extui %sign3A_146 : i1 to i32
      %sign3A_148 = arith.subi %sign3A_144, %sign3A_147 : i32
      %sign3A_149 = arith.constant 0 : i32
      %sign3A_150 = arith.cmpi sgt, %jit3A_140, %sign3A_149 : i32
      %sign3A_151 = arith.extui %sign3A_150 : i1 to i32
      %sign3A_152 = arith.constant 0 : i32
      %sign3A_153 = arith.cmpi slt, %jit3A_140, %sign3A_152 : i32
      %sign3A_154 = arith.extui %sign3A_153 : i1 to i32
      %sign3A_155 = arith.subi %sign3A_151, %sign3A_154 : i32
      %ne3A_156 = arith.cmpi ne, %sign3A_148, %sign3A_155 : i32
      %rem3A_157 = arith.remsi %add3A_139, %jit3A_140 : i32
      %ne3A_158 = arith.constant 0 : i32
      %ne3A_159 = arith.cmpi ne, %rem3A_157, %ne3A_158 : i32
      %and3A_160 = arith.andi %ne3A_156, %ne3A_159 : i1
      %sub3A_161 = arith.constant 1 : i32
      %sub3A_162 = arith.subi %div3A_141, %sub3A_161 : i32
      %select_n3A_163 = arith.select %and3A_160, %sub3A_162, %div3A_141 : i32
      %mul3A_164 = arith.constant 32 : i32
      %mul3A_165 = arith.muli %select_n3A_163, %mul3A_164 : i32
      %sub3A_166 = arith.subi %add3A_139, %mul3A_165 : i32
      %mul3A_167 = arith.constant 512 : i32
      %mul3A_168 = arith.muli %select_n3A_163, %mul3A_167 : i32
      %mul3A_169 = arith.constant 8 : i32
      %mul3A_170 = arith.muli %mul3A_169, %sub3A_166 : i32
      %add3A_171 = arith.addi %mul3A_168, %mul3A_170 : i32
      %add3A_172 = vector.broadcast %add3A_171 : i32 to vector<16xi32>
      %add3A_173 = arith.addi %add3A_172, %add3A_47 : vector<16xi32>
      %gather3A_174 = tpu.vector_load_idx %arg5[%add3A_173] : memref<12800xi32, #tpu.memory_space<vmem>>[vector<16xi32>], vector<16xi32>,
      %mul3A_175 = arith.constant 16 : i32
      %mul3A_176 = arith.muli %add3A_139, %mul3A_175 : i32
      %swap3A_177 = arith.index_cast %mul3A_176 : i32 to index
      %swap3A_178 = tpu.vector_load %arg6[%swap3A_177] {strides = array<i32>} : memref<12800xi32, #tpu.memory_space<vmem>>, vector<16xi32>,
      tpu.vector_store %arg6[%swap3A_177], %gather3A_174 {strides = array<i32>} : memref<12800xi32, #tpu.memory_space<vmem>>, vector<16xi32>,
      %mul3A_179 = arith.constant 8 : i32
      %mul3A_180 = arith.muli %scan3A_94, %mul3A_179 : i32
      %add3A_181 = arith.constant 2 : i32
      %add3A_182 = arith.addi %mul3A_180, %add3A_181 : i32
      %jit3A_183 = arith.constant 32 : i32
      %div3A_184 = arith.divsi %add3A_182, %jit3A_183 : i32
      %sign3A_185 = arith.constant 0 : i32
      %sign3A_186 = arith.cmpi sgt, %add3A_182, %sign3A_185 : i32
      %sign3A_187 = arith.extui %sign3A_186 : i1 to i32
      %sign3A_188 = arith.constant 0 : i32
      %sign3A_189 = arith.cmpi slt, %add3A_182, %sign3A_188 : i32
      %sign3A_190 = arith.extui %sign3A_189 : i1 to i32
      %sign3A_191 = arith.subi %sign3A_187, %sign3A_190 : i32
      %sign3A_192 = arith.constant 0 : i32
      %sign3A_193 = arith.cmpi sgt, %jit3A_183, %sign3A_192 : i32
      %sign3A_194 = arith.extui %sign3A_193 : i1 to i32
      %sign3A_195 = arith.constant 0 : i32
      %sign3A_196 = arith.cmpi slt, %jit3A_183, %sign3A_195 : i32
      %sign3A_197 = arith.extui %sign3A_196 : i1 to i32
      %sign3A_198 = arith.subi %sign3A_194, %sign3A_197 : i32
      %ne3A_199 = arith.cmpi ne, %sign3A_191, %sign3A_198 : i32
      %rem3A_200 = arith.remsi %add3A_182, %jit3A_183 : i32
      %ne3A_201 = arith.constant 0 : i32
      %ne3A_202 = arith.cmpi ne, %rem3A_200, %ne3A_201 : i32
      %and3A_203 = arith.andi %ne3A_199, %ne3A_202 : i1
      %sub3A_204 = arith.constant 1 : i32
      %sub3A_205 = arith.subi %div3A_184, %sub3A_204 : i32
      %select_n3A_206 = arith.select %and3A_203, %sub3A_205, %div3A_184 : i32
      %mul3A_207 = arith.constant 32 : i32
      %mul3A_208 = arith.muli %select_n3A_206, %mul3A_207 : i32
      %sub3A_209 = arith.subi %add3A_182, %mul3A_208 : i32
      %mul3A_210 = arith.constant 512 : i32
      %mul3A_211 = arith.muli %select_n3A_206, %mul3A_210 : i32
      %mul3A_212 = arith.constant 8 : i32
      %mul3A_213 = arith.muli %mul3A_212, %sub3A_209 : i32
      %add3A_214 = arith.addi %mul3A_211, %mul3A_213 : i32
      %add3A_215 = vector.broadcast %add3A_214 : i32 to vector<16xi32>
      %add3A_216 = arith.addi %add3A_215, %add3A_47 : vector<16xi32>
      %gather3A_217 = tpu.vector_load_idx %arg5[%add3A_216] : memref<12800xi32, #tpu.memory_space<vmem>>[vector<16xi32>], vector<16xi32>,
      %mul3A_218 = arith.constant 16 : i32
      %mul3A_219 = arith.muli %add3A_182, %mul3A_218 : i32
      %swap3A_220 = arith.index_cast %mul3A_219 : i32 to index
      %swap3A_221 = tpu.vector_load %arg6[%swap3A_220] {strides = array<i32>} : memref<12800xi32, #tpu.memory_space<vmem>>, vector<16xi32>,
      tpu.vector_store %arg6[%swap3A_220], %gather3A_217 {strides = array<i32>} : memref<12800xi32, #tpu.memory_space<vmem>>, vector<16xi32>,
      %mul3A_222 = arith.constant 8 : i32
      %mul3A_223 = arith.muli %scan3A_94, %mul3A_222 : i32
      %add3A_224 = arith.constant 3 : i32
      %add3A_225 = arith.addi %mul3A_223, %add3A_224 : i32
      %jit3A_226 = arith.constant 32 : i32
      %div3A_227 = arith.divsi %add3A_225, %jit3A_226 : i32
      %sign3A_228 = arith.constant 0 : i32
      %sign3A_229 = arith.cmpi sgt, %add3A_225, %sign3A_228 : i32
      %sign3A_230 = arith.extui %sign3A_229 : i1 to i32
      %sign3A_231 = arith.constant 0 : i32
      %sign3A_232 = arith.cmpi slt, %add3A_225, %sign3A_231 : i32
      %sign3A_233 = arith.extui %sign3A_232 : i1 to i32
      %sign3A_234 = arith.subi %sign3A_230, %sign3A_233 : i32
      %sign3A_235 = arith.constant 0 : i32
      %sign3A_236 = arith.cmpi sgt, %jit3A_226, %sign3A_235 : i32
      %sign3A_237 = arith.extui %sign3A_236 : i1 to i32
      %sign3A_238 = arith.constant 0 : i32
      %sign3A_239 = arith.cmpi slt, %jit3A_226, %sign3A_238 : i32
      %sign3A_240 = arith.extui %sign3A_239 : i1 to i32
      %sign3A_241 = arith.subi %sign3A_237, %sign3A_240 : i32
      %ne3A_242 = arith.cmpi ne, %sign3A_234, %sign3A_241 : i32
      %rem3A_243 = arith.remsi %add3A_225, %jit3A_226 : i32
      %ne3A_244 = arith.constant 0 : i32
      %ne3A_245 = arith.cmpi ne, %rem3A_243, %ne3A_244 : i32
      %and3A_246 = arith.andi %ne3A_242, %ne3A_245 : i1
      %sub3A_247 = arith.constant 1 : i32
      %sub3A_248 = arith.subi %div3A_227, %sub3A_247 : i32
      %select_n3A_249 = arith.select %and3A_246, %sub3A_248, %div3A_227 : i32
      %mul3A_250 = arith.constant 32 : i32
      %mul3A_251 = arith.muli %select_n3A_249, %mul3A_250 : i32
      %sub3A_252 = arith.subi %add3A_225, %mul3A_251 : i32
      %mul3A_253 = arith.constant 512 : i32
      %mul3A_254 = arith.muli %select_n3A_249, %mul3A_253 : i32
      %mul3A_255 = arith.constant 8 : i32
      %mul3A_256 = arith.muli %mul3A_255, %sub3A_252 : i32
      %add3A_257 = arith.addi %mul3A_254, %mul3A_256 : i32
      %add3A_258 = vector.broadcast %add3A_257 : i32 to vector<16xi32>
      %add3A_259 = arith.addi %add3A_258, %add3A_47 : vector<16xi32>
      %gather3A_260 = tpu.vector_load_idx %arg5[%add3A_259] : memref<12800xi32, #tpu.memory_space<vmem>>[vector<16xi32>], vector<16xi32>,
      %mul3A_261 = arith.constant 16 : i32
      %mul3A_262 = arith.muli %add3A_225, %mul3A_261 : i32
      %swap3A_263 = arith.index_cast %mul3A_262 : i32 to index
      %swap3A_264 = tpu.vector_load %arg6[%swap3A_263] {strides = array<i32>} : memref<12800xi32, #tpu.memory_space<vmem>>, vector<16xi32>,
      tpu.vector_store %arg6[%swap3A_263], %gather3A_260 {strides = array<i32>} : memref<12800xi32, #tpu.memory_space<vmem>>, vector<16xi32>,
      %mul3A_265 = arith.constant 8 : i32
      %mul3A_266 = arith.muli %scan3A_94, %mul3A_265 : i32
      %add3A_267 = arith.constant 4 : i32
      %add3A_268 = arith.addi %mul3A_266, %add3A_267 : i32
      %jit3A_269 = arith.constant 32 : i32
      %div3A_270 = arith.divsi %add3A_268, %jit3A_269 : i32
      %sign3A_271 = arith.constant 0 : i32
      %sign3A_272 = arith.cmpi sgt, %add3A_268, %sign3A_271 : i32
      %sign3A_273 = arith.extui %sign3A_272 : i1 to i32
      %sign3A_274 = arith.constant 0 : i32
      %sign3A_275 = arith.cmpi slt, %add3A_268, %sign3A_274 : i32
      %sign3A_276 = arith.extui %sign3A_275 : i1 to i32
      %sign3A_277 = arith.subi %sign3A_273, %sign3A_276 : i32
      %sign3A_278 = arith.constant 0 : i32
      %sign3A_279 = arith.cmpi sgt, %jit3A_269, %sign3A_278 : i32
      %sign3A_280 = arith.extui %sign3A_279 : i1 to i32
      %sign3A_281 = arith.constant 0 : i32
      %sign3A_282 = arith.cmpi slt, %jit3A_269, %sign3A_281 : i32
      %sign3A_283 = arith.extui %sign3A_282 : i1 to i32
      %sign3A_284 = arith.subi %sign3A_280, %sign3A_283 : i32
      %ne3A_285 = arith.cmpi ne, %sign3A_277, %sign3A_284 : i32
      %rem3A_286 = arith.remsi %add3A_268, %jit3A_269 : i32
      %ne3A_287 = arith.constant 0 : i32
      %ne3A_288 = arith.cmpi ne, %rem3A_286, %ne3A_287 : i32
      %and3A_289 = arith.andi %ne3A_285, %ne3A_288 : i1
      %sub3A_290 = arith.constant 1 : i32
      %sub3A_291 = arith.subi %div3A_270, %sub3A_290 : i32
      %select_n3A_292 = arith.select %and3A_289, %sub3A_291, %div3A_270 : i32
      %mul3A_293 = arith.constant 32 : i32
      %mul3A_294 = arith.muli %select_n3A_292, %mul3A_293 : i32
      %sub3A_295 = arith.subi %add3A_268, %mul3A_294 : i32
      %mul3A_296 = arith.constant 512 : i32
      %mul3A_297 = arith.muli %select_n3A_292, %mul3A_296 : i32
      %mul3A_298 = arith.constant 8 : i32
      %mul3A_299 = arith.muli %mul3A_298, %sub3A_295 : i32
      %add3A_300 = arith.addi %mul3A_297, %mul3A_299 : i32
      %add3A_301 = vector.broadcast %add3A_300 : i32 to vector<16xi32>
      %add3A_302 = arith.addi %add3A_301, %add3A_47 : vector<16xi32>
      %gather3A_303 = tpu.vector_load_idx %arg5[%add3A_302] : memref<12800xi32, #tpu.memory_space<vmem>>[vector<16xi32>], vector<16xi32>,
      %mul3A_304 = arith.constant 16 : i32
      %mul3A_305 = arith.muli %add3A_268, %mul3A_304 : i32
      %swap3A_306 = arith.index_cast %mul3A_305 : i32 to index
      %swap3A_307 = tpu.vector_load %arg6[%swap3A_306] {strides = array<i32>} : memref<12800xi32, #tpu.memory_space<vmem>>, vector<16xi32>,
      tpu.vector_store %arg6[%swap3A_306], %gather3A_303 {strides = array<i32>} : memref<12800xi32, #tpu.memory_space<vmem>>, vector<16xi32>,
      %mul3A_308 = arith.constant 8 : i32
      %mul3A_309 = arith.muli %scan3A_94, %mul3A_308 : i32
      %add3A_310 = arith.constant 5 : i32
      %add3A_311 = arith.addi %mul3A_309, %add3A_310 : i32
      %jit3A_312 = arith.constant 32 : i32
      %div3A_313 = arith.divsi %add3A_311, %jit3A_312 : i32
      %sign3A_314 = arith.constant 0 : i32
      %sign3A_315 = arith.cmpi sgt, %add3A_311, %sign3A_314 : i32
      %sign3A_316 = arith.extui %sign3A_315 : i1 to i32
      %sign3A_317 = arith.constant 0 : i32
      %sign3A_318 = arith.cmpi slt, %add3A_311, %sign3A_317 : i32
      %sign3A_319 = arith.extui %sign3A_318 : i1 to i32
      %sign3A_320 = arith.subi %sign3A_316, %sign3A_319 : i32
      %sign3A_321 = arith.constant 0 : i32
      %sign3A_322 = arith.cmpi sgt, %jit3A_312, %sign3A_321 : i32
      %sign3A_323 = arith.extui %sign3A_322 : i1 to i32
      %sign3A_324 = arith.constant 0 : i32
      %sign3A_325 = arith.cmpi slt, %jit3A_312, %sign3A_324 : i32
      %sign3A_326 = arith.extui %sign3A_325 : i1 to i32
      %sign3A_327 = arith.subi %sign3A_323, %sign3A_326 : i32
      %ne3A_328 = arith.cmpi ne, %sign3A_320, %sign3A_327 : i32
      %rem3A_329 = arith.remsi %add3A_311, %jit3A_312 : i32
      %ne3A_330 = arith.constant 0 : i32
      %ne3A_331 = arith.cmpi ne, %rem3A_329, %ne3A_330 : i32
      %and3A_332 = arith.andi %ne3A_328, %ne3A_331 : i1
      %sub3A_333 = arith.constant 1 : i32
      %sub3A_334 = arith.subi %div3A_313, %sub3A_333 : i32
      %select_n3A_335 = arith.select %and3A_332, %sub3A_334, %div3A_313 : i32
      %mul3A_336 = arith.constant 32 : i32
      %mul3A_337 = arith.muli %select_n3A_335, %mul3A_336 : i32
      %sub3A_338 = arith.subi %add3A_311, %mul3A_337 : i32
      %mul3A_339 = arith.constant 512 : i32
      %mul3A_340 = arith.muli %select_n3A_335, %mul3A_339 : i32
      %mul3A_341 = arith.constant 8 : i32
      %mul3A_342 = arith.muli %mul3A_341, %sub3A_338 : i32
      %add3A_343 = arith.addi %mul3A_340, %mul3A_342 : i32
      %add3A_344 = vector.broadcast %add3A_343 : i32 to vector<16xi32>
      %add3A_345 = arith.addi %add3A_344, %add3A_47 : vector<16xi32>
      %gather3A_346 = tpu.vector_load_idx %arg5[%add3A_345] : memref<12800xi32, #tpu.memory_space<vmem>>[vector<16xi32>], vector<16xi32>,
      %mul3A_347 = arith.constant 16 : i32
      %mul3A_348 = arith.muli %add3A_311, %mul3A_347 : i32
      %swap3A_349 = arith.index_cast %mul3A_348 : i32 to index
      %swap3A_350 = tpu.vector_load %arg6[%swap3A_349] {strides = array<i32>} : memref<12800xi32, #tpu.memory_space<vmem>>, vector<16xi32>,
      tpu.vector_store %arg6[%swap3A_349], %gather3A_346 {strides = array<i32>} : memref<12800xi32, #tpu.memory_space<vmem>>, vector<16xi32>,
      %mul3A_351 = arith.constant 8 : i32
      %mul3A_352 = arith.muli %scan3A_94, %mul3A_351 : i32
      %add3A_353 = arith.constant 6 : i32
      %add3A_354 = arith.addi %mul3A_352, %add3A_353 : i32
      %jit3A_355 = arith.constant 32 : i32
      %div3A_356 = arith.divsi %add3A_354, %jit3A_355 : i32
      %sign3A_357 = arith.constant 0 : i32
      %sign3A_358 = arith.cmpi sgt, %add3A_354, %sign3A_357 : i32
      %sign3A_359 = arith.extui %sign3A_358 : i1 to i32
      %sign3A_360 = arith.constant 0 : i32
      %sign3A_361 = arith.cmpi slt, %add3A_354, %sign3A_360 : i32
      %sign3A_362 = arith.extui %sign3A_361 : i1 to i32
      %sign3A_363 = arith.subi %sign3A_359, %sign3A_362 : i32
      %sign3A_364 = arith.constant 0 : i32
      %sign3A_365 = arith.cmpi sgt, %jit3A_355, %sign3A_364 : i32
      %sign3A_366 = arith.extui %sign3A_365 : i1 to i32
      %sign3A_367 = arith.constant 0 : i32
      %sign3A_368 = arith.cmpi slt, %jit3A_355, %sign3A_367 : i32
      %sign3A_369 = arith.extui %sign3A_368 : i1 to i32
      %sign3A_370 = arith.subi %sign3A_366, %sign3A_369 : i32
      %ne3A_371 = arith.cmpi ne, %sign3A_363, %sign3A_370 : i32
      %rem3A_372 = arith.remsi %add3A_354, %jit3A_355 : i32
      %ne3A_373 = arith.constant 0 : i32
      %ne3A_374 = arith.cmpi ne, %rem3A_372, %ne3A_373 : i32
      %and3A_375 = arith.andi %ne3A_371, %ne3A_374 : i1
      %sub3A_376 = arith.constant 1 : i32
      %sub3A_377 = arith.subi %div3A_356, %sub3A_376 : i32
      %select_n3A_378 = arith.select %and3A_375, %sub3A_377, %div3A_356 : i32
      %mul3A_379 = arith.constant 32 : i32
      %mul3A_380 = arith.muli %select_n3A_378, %mul3A_379 : i32
      %sub3A_381 = arith.subi %add3A_354, %mul3A_380 : i32
      %mul3A_382 = arith.constant 512 : i32
      %mul3A_383 = arith.muli %select_n3A_378, %mul3A_382 : i32
      %mul3A_384 = arith.constant 8 : i32
      %mul3A_385 = arith.muli %mul3A_384, %sub3A_381 : i32
      %add3A_386 = arith.addi %mul3A_383, %mul3A_385 : i32
      %add3A_387 = vector.broadcast %add3A_386 : i32 to vector<16xi32>
      %add3A_388 = arith.addi %add3A_387, %add3A_47 : vector<16xi32>
      %gather3A_389 = tpu.vector_load_idx %arg5[%add3A_388] : memref<12800xi32, #tpu.memory_space<vmem>>[vector<16xi32>], vector<16xi32>,
      %mul3A_390 = arith.constant 16 : i32
      %mul3A_391 = arith.muli %add3A_354, %mul3A_390 : i32
      %swap3A_392 = arith.index_cast %mul3A_391 : i32 to index
      %swap3A_393 = tpu.vector_load %arg6[%swap3A_392] {strides = array<i32>} : memref<12800xi32, #tpu.memory_space<vmem>>, vector<16xi32>,
      tpu.vector_store %arg6[%swap3A_392], %gather3A_389 {strides = array<i32>} : memref<12800xi32, #tpu.memory_space<vmem>>, vector<16xi32>,
      %mul3A_394 = arith.constant 8 : i32
      %mul3A_395 = arith.muli %scan3A_94, %mul3A_394 : i32
      %add3A_396 = arith.constant 7 : i32
      %add3A_397 = arith.addi %mul3A_395, %add3A_396 : i32
      %jit3A_398 = arith.constant 32 : i32
      %div3A_399 = arith.divsi %add3A_397, %jit3A_398 : i32
      %sign3A_400 = arith.constant 0 : i32
      %sign3A_401 = arith.cmpi sgt, %add3A_397, %sign3A_400 : i32
      %sign3A_402 = arith.extui %sign3A_401 : i1 to i32
      %sign3A_403 = arith.constant 0 : i32
      %sign3A_404 = arith.cmpi slt, %add3A_397, %sign3A_403 : i32
      %sign3A_405 = arith.extui %sign3A_404 : i1 to i32
      %sign3A_406 = arith.subi %sign3A_402, %sign3A_405 : i32
      %sign3A_407 = arith.constant 0 : i32
      %sign3A_408 = arith.cmpi sgt, %jit3A_398, %sign3A_407 : i32
      %sign3A_409 = arith.extui %sign3A_408 : i1 to i32
      %sign3A_410 = arith.constant 0 : i32
      %sign3A_411 = arith.cmpi slt, %jit3A_398, %sign3A_410 : i32
      %sign3A_412 = arith.extui %sign3A_411 : i1 to i32
      %sign3A_413 = arith.subi %sign3A_409, %sign3A_412 : i32
      %ne3A_414 = arith.cmpi ne, %sign3A_406, %sign3A_413 : i32
      %rem3A_415 = arith.remsi %add3A_397, %jit3A_398 : i32
      %ne3A_416 = arith.constant 0 : i32
      %ne3A_417 = arith.cmpi ne, %rem3A_415, %ne3A_416 : i32
      %and3A_418 = arith.andi %ne3A_414, %ne3A_417 : i1
      %sub3A_419 = arith.constant 1 : i32
      %sub3A_420 = arith.subi %div3A_399, %sub3A_419 : i32
      %select_n3A_421 = arith.select %and3A_418, %sub3A_420, %div3A_399 : i32
      %mul3A_422 = arith.constant 32 : i32
      %mul3A_423 = arith.muli %select_n3A_421, %mul3A_422 : i32
      %sub3A_424 = arith.subi %add3A_397, %mul3A_423 : i32
      %mul3A_425 = arith.constant 512 : i32
      %mul3A_426 = arith.muli %select_n3A_421, %mul3A_425 : i32
      %mul3A_427 = arith.constant 8 : i32
      %mul3A_428 = arith.muli %mul3A_427, %sub3A_424 : i32
      %add3A_429 = arith.addi %mul3A_426, %mul3A_428 : i32
      %add3A_430 = vector.broadcast %add3A_429 : i32 to vector<16xi32>
      %add3A_431 = arith.addi %add3A_430, %add3A_47 : vector<16xi32>
      %gather3A_432 = tpu.vector_load_idx %arg5[%add3A_431] : memref<12800xi32, #tpu.memory_space<vmem>>[vector<16xi32>], vector<16xi32>,
      %mul3A_433 = arith.constant 16 : i32
      %mul3A_434 = arith.muli %add3A_397, %mul3A_433 : i32
      %swap3A_435 = arith.index_cast %mul3A_434 : i32 to index
      %swap3A_436 = tpu.vector_load %arg6[%swap3A_435] {strides = array<i32>} : memref<12800xi32, #tpu.memory_space<vmem>>, vector<16xi32>,
      tpu.vector_store %arg6[%swap3A_435], %gather3A_432 {strides = array<i32>} : memref<12800xi32, #tpu.memory_space<vmem>>, vector<16xi32>,
    }
    %scan3A_52 = arith.constant 100 : i32
    %scan3A_53 = arith.constant 0 : i32
    %scan3A_54 = arith.constant 0 : i32
    %scan3A_55 = arith.constant 25 : i32
    %scan3A_56 = arith.addi %scan3A_54, %scan3A_55 : i32
    %scan3A_57 = arith.constant 1 : i32
    scf.for %scan3A_94 = %scan3A_54 to %scan3A_56 step %scan3A_57  : i32 {
      %jit3A_95 = arith.constant 2 : i32
      %eq3A_96 = arith.constant 0 : i32
      %eq3A_97 = arith.cmpi eq, %jit3A_95, %eq3A_96 : i32
      %jit3A_98 = arith.constant 1 : i32
      %select_n3A_99 = arith.select %eq3A_97, %jit3A_98, %jit3A_95 : i32
      %rem3A_100 = arith.remsi %scan3A_94, %select_n3A_99 : i32
      %ne3A_101 = arith.constant 0 : i32
      %ne3A_102 = arith.cmpi ne, %rem3A_100, %ne3A_101 : i32
      %lt3A_103 = arith.constant 0 : i32
      %lt3A_104 = arith.cmpi slt, %rem3A_100, %lt3A_103 : i32
      %lt3A_105 = arith.constant 0 : i32
      %lt3A_106 = arith.cmpi slt, %select_n3A_99, %lt3A_105 : i32
      %ne3A_107 = arith.xori %lt3A_104, %lt3A_106 : i1
      %and3A_108 = arith.andi %ne3A_107, %ne3A_102 : i1
      %add3A_109 = arith.addi %rem3A_100, %select_n3A_99 : i32
      %select_n3A_110 = arith.select %and3A_108, %add3A_109, %rem3A_100 : i32
      %ge3A = arith.constant 2 : i32
      %ge3A_111 = arith.cmpi sge, %scan3A_94, %ge3A : i32
      %convert_element_type3A = arith.extui %ge3A_111 : i1 to i32
      %cond3A = arith.constant 0 : i32
      %cond3A_112 = arith.cmpi ne, %convert_element_type3A, %cond3A : i32
      scf.if %cond3A_112 {
        %sub3A_216 = arith.constant 2 : i32
        %sub3A_217 = arith.subi %scan3A_94, %sub3A_216 : i32
        %dma_wait3A_218 = arith.constant 0 : i32
        %dma_wait3A_219 = arith.constant 0 : i32
        %dma_wait3A_220 = tpu.memref_slice %arg7[%select_n3A_110, %dma_wait3A_218, %dma_wait3A_219] : memref<2x512x64xf32, #tpu.memory_space<vmem>> -> memref<1x512x64xf32, #tpu.memory_space<vmem>>
        %dma_wait3A_221 = tpu.memref_squeeze %dma_wait3A_220 : memref<1x512x64xf32, #tpu.memory_space<vmem>> -> memref<512x64xf32, #tpu.memory_space<vmem>>
        %dma_wait3A_222 = arith.constant 0 : i32
        %dma_wait3A_223 = arith.constant 0 : i32
        %dma_wait3A_224 = tpu.memref_slice %arg4[%add3A, %sub3A_217, %dma_wait3A_222, %dma_wait3A_223] : memref<32x25x512x64xf32, #tpu.memory_space<hbm>> -> memref<1x1x512x64xf32, #tpu.memory_space<hbm>>
        %dma_wait3A_225 = tpu.memref_squeeze %dma_wait3A_224 : memref<1x1x512x64xf32, #tpu.memory_space<hbm>> -> memref<512x64xf32, #tpu.memory_space<hbm>>
        %dma_wait3A_226 = arith.constant 0 : i32
        %dma_wait3A_227 = arith.constant 0 : i32
        %dma_wait3A_228 = tpu.memref_slice %arg4[%add3A, %sub3A_217, %dma_wait3A_226, %dma_wait3A_227] : memref<32x25x512x64xf32, #tpu.memory_space<hbm>> -> memref<1x1x512x64xf32, #tpu.memory_space<hbm>>
        %dma_wait3A_229 = tpu.memref_squeeze %dma_wait3A_228 : memref<1x1x512x64xf32, #tpu.memory_space<hbm>> -> memref<512x64xf32, #tpu.memory_space<hbm>>
        %dma_wait3A_230 = arith.constant 0 : i32
        %dma_wait3A_231 = arith.constant 0 : i32
        %dma_wait3A_232 = tpu.memref_slice %arg7[%select_n3A_110, %dma_wait3A_230, %dma_wait3A_231] : memref<2x512x64xf32, #tpu.memory_space<vmem>> -> memref<1x512x64xf32, #tpu.memory_space<vmem>>
        %dma_wait3A_233 = tpu.memref_squeeze %dma_wait3A_232 : memref<1x512x64xf32, #tpu.memory_space<vmem>> -> memref<512x64xf32, #tpu.memory_space<vmem>>
        tpu.wait_dma2 semaphore(%arg9 : memref<!tpu.dma_semaphore, #tpu.memory_space<semaphore_mem>>) src(%dma_wait3A_233 : memref<512x64xf32, #tpu.memory_space<vmem>>) dst(%dma_wait3A_229 : memref<512x64xf32, #tpu.memory_space<hbm>>)
      } else {
      }
      %mul3A_113 = arith.constant 4 : i32
      %mul3A_114 = arith.muli %scan3A_94, %mul3A_113 : i32
      %add3A_115 = arith.constant 0 : i32
      %add3A_116 = arith.addi %mul3A_114, %add3A_115 : i32
      %mul3A_117 = arith.constant 128 : i32
      %mul3A_118 = arith.muli %add3A_116, %mul3A_117 : i32
      %dma_start3A = arith.constant 0 : i32
      %dma_start3A_119 = arith.constant 0 : i32
      %dma_start3A_120 = tpu.memref_slice %arg7[%select_n3A_110, %dma_start3A, %dma_start3A_119] : memref<2x512x64xf32, #tpu.memory_space<vmem>> -> memref<1x128x64xf32, #tpu.memory_space<vmem>>
      %dma_start3A_121 = tpu.memref_squeeze %dma_start3A_120 : memref<1x128x64xf32, #tpu.memory_space<vmem>> -> memref<128x64xf32, #tpu.memory_space<vmem>>
      %dma_start3A_122 = tpu.memref_slice %arg6[%mul3A_118] : memref<12800xi32, #tpu.memory_space<vmem>> -> memref<128xi32, #tpu.memory_space<vmem>>
      %dma_start3A_123 = arith.constant 0 : i32
      %dma_start3A_124 = arith.constant 0 : i32
      %dma_start3A_125 = tpu.memref_slice %arg2[%dma_start3A_123, %dma_start3A_124] : memref<1015808x64xf32, #tpu.memory_space<hbm>> -> memref<1015808x64xf32, #tpu.memory_space<hbm>>
      tpu.enqueue_indirect_dma source(%dma_start3A_125 : memref<1015808x64xf32, #tpu.memory_space<hbm>>) target(%dma_start3A_121 : memref<128x64xf32, #tpu.memory_space<vmem>>) offsets(%dma_start3A_122 : memref<128xi32, #tpu.memory_space<vmem>>) semaphore(%arg8 : memref<!tpu.dma_semaphore, #tpu.memory_space<semaphore_mem>>)
      %mul3A_126 = arith.constant 4 : i32
      %mul3A_127 = arith.muli %scan3A_94, %mul3A_126 : i32
      %add3A_128 = arith.constant 1 : i32
      %add3A_129 = arith.addi %mul3A_127, %add3A_128 : i32
      %mul3A_130 = arith.constant 128 : i32
      %mul3A_131 = arith.muli %add3A_129, %mul3A_130 : i32
      %dma_start3A_132 = arith.constant 128 : i32
      %dma_start3A_133 = arith.constant 0 : i32
      %dma_start3A_134 = tpu.memref_slice %arg7[%select_n3A_110, %dma_start3A_132, %dma_start3A_133] : memref<2x512x64xf32, #tpu.memory_space<vmem>> -> memref<1x128x64xf32, #tpu.memory_space<vmem>>
      %dma_start3A_135 = tpu.memref_squeeze %dma_start3A_134 : memref<1x128x64xf32, #tpu.memory_space<vmem>> -> memref<128x64xf32, #tpu.memory_space<vmem>>
      %dma_start3A_136 = tpu.memref_slice %arg6[%mul3A_131] : memref<12800xi32, #tpu.memory_space<vmem>> -> memref<128xi32, #tpu.memory_space<vmem>>
      %dma_start3A_137 = arith.constant 0 : i32
      %dma_start3A_138 = arith.constant 0 : i32
      %dma_start3A_139 = tpu.memref_slice %arg2[%dma_start3A_137, %dma_start3A_138] : memref<1015808x64xf32, #tpu.memory_space<hbm>> -> memref<1015808x64xf32, #tpu.memory_space<hbm>>
      tpu.enqueue_indirect_dma source(%dma_start3A_139 : memref<1015808x64xf32, #tpu.memory_space<hbm>>) target(%dma_start3A_135 : memref<128x64xf32, #tpu.memory_space<vmem>>) offsets(%dma_start3A_136 : memref<128xi32, #tpu.memory_space<vmem>>) semaphore(%arg8 : memref<!tpu.dma_semaphore, #tpu.memory_space<semaphore_mem>>)
      %mul3A_140 = arith.constant 4 : i32
      %mul3A_141 = arith.muli %scan3A_94, %mul3A_140 : i32
      %add3A_142 = arith.constant 2 : i32
      %add3A_143 = arith.addi %mul3A_141, %add3A_142 : i32
      %mul3A_144 = arith.constant 128 : i32
      %mul3A_145 = arith.muli %add3A_143, %mul3A_144 : i32
      %dma_start3A_146 = arith.constant 256 : i32
      %dma_start3A_147 = arith.constant 0 : i32
      %dma_start3A_148 = tpu.memref_slice %arg7[%select_n3A_110, %dma_start3A_146, %dma_start3A_147] : memref<2x512x64xf32, #tpu.memory_space<vmem>> -> memref<1x128x64xf32, #tpu.memory_space<vmem>>
      %dma_start3A_149 = tpu.memref_squeeze %dma_start3A_148 : memref<1x128x64xf32, #tpu.memory_space<vmem>> -> memref<128x64xf32, #tpu.memory_space<vmem>>
      %dma_start3A_150 = tpu.memref_slice %arg6[%mul3A_145] : memref<12800xi32, #tpu.memory_space<vmem>> -> memref<128xi32, #tpu.memory_space<vmem>>
      %dma_start3A_151 = arith.constant 0 : i32
      %dma_start3A_152 = arith.constant 0 : i32
      %dma_start3A_153 = tpu.memref_slice %arg2[%dma_start3A_151, %dma_start3A_152] : memref<1015808x64xf32, #tpu.memory_space<hbm>> -> memref<1015808x64xf32, #tpu.memory_space<hbm>>
      tpu.enqueue_indirect_dma source(%dma_start3A_153 : memref<1015808x64xf32, #tpu.memory_space<hbm>>) target(%dma_start3A_149 : memref<128x64xf32, #tpu.memory_space<vmem>>) offsets(%dma_start3A_150 : memref<128xi32, #tpu.memory_space<vmem>>) semaphore(%arg8 : memref<!tpu.dma_semaphore, #tpu.memory_space<semaphore_mem>>)
      %mul3A_154 = arith.constant 4 : i32
      %mul3A_155 = arith.muli %scan3A_94, %mul3A_154 : i32
      %add3A_156 = arith.constant 3 : i32
      %add3A_157 = arith.addi %mul3A_155, %add3A_156 : i32
      %mul3A_158 = arith.constant 128 : i32
      %mul3A_159 = arith.muli %add3A_157, %mul3A_158 : i32
      %dma_start3A_160 = arith.constant 384 : i32
      %dma_start3A_161 = arith.constant 0 : i32
      %dma_start3A_162 = tpu.memref_slice %arg7[%select_n3A_110, %dma_start3A_160, %dma_start3A_161] : memref<2x512x64xf32, #tpu.memory_space<vmem>> -> memref<1x128x64xf32, #tpu.memory_space<vmem>>
      %dma_start3A_163 = tpu.memref_squeeze %dma_start3A_162 : memref<1x128x64xf32, #tpu.memory_space<vmem>> -> memref<128x64xf32, #tpu.memory_space<vmem>>
      %dma_start3A_164 = tpu.memref_slice %arg6[%mul3A_159] : memref<12800xi32, #tpu.memory_space<vmem>> -> memref<128xi32, #tpu.memory_space<vmem>>
      %dma_start3A_165 = arith.constant 0 : i32
      %dma_start3A_166 = arith.constant 0 : i32
      %dma_start3A_167 = tpu.memref_slice %arg2[%dma_start3A_165, %dma_start3A_166] : memref<1015808x64xf32, #tpu.memory_space<hbm>> -> memref<1015808x64xf32, #tpu.memory_space<hbm>>
      tpu.enqueue_indirect_dma source(%dma_start3A_167 : memref<1015808x64xf32, #tpu.memory_space<hbm>>) target(%dma_start3A_163 : memref<128x64xf32, #tpu.memory_space<vmem>>) offsets(%dma_start3A_164 : memref<128xi32, #tpu.memory_space<vmem>>) semaphore(%arg8 : memref<!tpu.dma_semaphore, #tpu.memory_space<semaphore_mem>>)
      %dma_wait3A_168 = arith.constant 0 : i32
      %dma_wait3A_169 = arith.constant 0 : i32
      %dma_wait3A_170 = tpu.memref_slice %arg7[%select_n3A_110, %dma_wait3A_168, %dma_wait3A_169] : memref<2x512x64xf32, #tpu.memory_space<vmem>> -> memref<1x128x64xf32, #tpu.memory_space<vmem>>
      %dma_wait3A_171 = tpu.memref_squeeze %dma_wait3A_170 : memref<1x128x64xf32, #tpu.memory_space<vmem>> -> memref<128x64xf32, #tpu.memory_space<vmem>>
      %dma_wait3A_172 = tpu.memref_slice %arg6[%mul3A_118] : memref<12800xi32, #tpu.memory_space<vmem>> -> memref<128xi32, #tpu.memory_space<vmem>>
      %dma_wait3A_173 = arith.constant 0 : i32
      %dma_wait3A_174 = arith.constant 0 : i32
      %dma_wait3A_175 = tpu.memref_slice %arg2[%dma_wait3A_173, %dma_wait3A_174] : memref<1015808x64xf32, #tpu.memory_space<hbm>> -> memref<1015808x64xf32, #tpu.memory_space<hbm>>
      tpu.wait_indirect_dma semaphore(%arg8 : memref<!tpu.dma_semaphore, #tpu.memory_space<semaphore_mem>>) src(%dma_wait3A_175 : memref<1015808x64xf32, #tpu.memory_space<hbm>>) dst(%dma_wait3A_171 : memref<128x64xf32, #tpu.memory_space<vmem>>)
      %dma_wait3A_176 = arith.constant 128 : i32
      %dma_wait3A_177 = arith.constant 0 : i32
      %dma_wait3A_178 = tpu.memref_slice %arg7[%select_n3A_110, %dma_wait3A_176, %dma_wait3A_177] : memref<2x512x64xf32, #tpu.memory_space<vmem>> -> memref<1x128x64xf32, #tpu.memory_space<vmem>>
      %dma_wait3A_179 = tpu.memref_squeeze %dma_wait3A_178 : memref<1x128x64xf32, #tpu.memory_space<vmem>> -> memref<128x64xf32, #tpu.memory_space<vmem>>
      %dma_wait3A_180 = tpu.memref_slice %arg6[%mul3A_131] : memref<12800xi32, #tpu.memory_space<vmem>> -> memref<128xi32, #tpu.memory_space<vmem>>
      %dma_wait3A_181 = arith.constant 0 : i32
      %dma_wait3A_182 = arith.constant 0 : i32
      %dma_wait3A_183 = tpu.memref_slice %arg2[%dma_wait3A_181, %dma_wait3A_182] : memref<1015808x64xf32, #tpu.memory_space<hbm>> -> memref<1015808x64xf32, #tpu.memory_space<hbm>>
      tpu.wait_indirect_dma semaphore(%arg8 : memref<!tpu.dma_semaphore, #tpu.memory_space<semaphore_mem>>) src(%dma_wait3A_183 : memref<1015808x64xf32, #tpu.memory_space<hbm>>) dst(%dma_wait3A_179 : memref<128x64xf32, #tpu.memory_space<vmem>>)
      %dma_wait3A_184 = arith.constant 256 : i32
      %dma_wait3A_185 = arith.constant 0 : i32
      %dma_wait3A_186 = tpu.memref_slice %arg7[%select_n3A_110, %dma_wait3A_184, %dma_wait3A_185] : memref<2x512x64xf32, #tpu.memory_space<vmem>> -> memref<1x128x64xf32, #tpu.memory_space<vmem>>
      %dma_wait3A_187 = tpu.memref_squeeze %dma_wait3A_186 : memref<1x128x64xf32, #tpu.memory_space<vmem>> -> memref<128x64xf32, #tpu.memory_space<vmem>>
      %dma_wait3A_188 = tpu.memref_slice %arg6[%mul3A_145] : memref<12800xi32, #tpu.memory_space<vmem>> -> memref<128xi32, #tpu.memory_space<vmem>>
      %dma_wait3A_189 = arith.constant 0 : i32
      %dma_wait3A_190 = arith.constant 0 : i32
      %dma_wait3A_191 = tpu.memref_slice %arg2[%dma_wait3A_189, %dma_wait3A_190] : memref<1015808x64xf32, #tpu.memory_space<hbm>> -> memref<1015808x64xf32, #tpu.memory_space<hbm>>
      tpu.wait_indirect_dma semaphore(%arg8 : memref<!tpu.dma_semaphore, #tpu.memory_space<semaphore_mem>>) src(%dma_wait3A_191 : memref<1015808x64xf32, #tpu.memory_space<hbm>>) dst(%dma_wait3A_187 : memref<128x64xf32, #tpu.memory_space<vmem>>)
      %dma_wait3A_192 = arith.constant 384 : i32
      %dma_wait3A_193 = arith.constant 0 : i32
      %dma_wait3A_194 = tpu.memref_slice %arg7[%select_n3A_110, %dma_wait3A_192, %dma_wait3A_193] : memref<2x512x64xf32, #tpu.memory_space<vmem>> -> memref<1x128x64xf32, #tpu.memory_space<vmem>>
      %dma_wait3A_195 = tpu.memref_squeeze %dma_wait3A_194 : memref<1x128x64xf32, #tpu.memory_space<vmem>> -> memref<128x64xf32, #tpu.memory_space<vmem>>
      %dma_wait3A_196 = tpu.memref_slice %arg6[%mul3A_159] : memref<12800xi32, #tpu.memory_space<vmem>> -> memref<128xi32, #tpu.memory_space<vmem>>
      %dma_wait3A_197 = arith.constant 0 : i32
      %dma_wait3A_198 = arith.constant 0 : i32
      %dma_wait3A_199 = tpu.memref_slice %arg2[%dma_wait3A_197, %dma_wait3A_198] : memref<1015808x64xf32, #tpu.memory_space<hbm>> -> memref<1015808x64xf32, #tpu.memory_space<hbm>>
      tpu.wait_indirect_dma semaphore(%arg8 : memref<!tpu.dma_semaphore, #tpu.memory_space<semaphore_mem>>) src(%dma_wait3A_199 : memref<1015808x64xf32, #tpu.memory_space<hbm>>) dst(%dma_wait3A_195 : memref<128x64xf32, #tpu.memory_space<vmem>>)
      %dma_start3A_200 = arith.constant 0 : i32
      %dma_start3A_201 = arith.constant 0 : i32
      %dma_start3A_202 = tpu.memref_slice %arg7[%select_n3A_110, %dma_start3A_200, %dma_start3A_201] : memref<2x512x64xf32, #tpu.memory_space<vmem>> -> memref<1x512x64xf32, #tpu.memory_space<vmem>>
      %dma_start3A_203 = tpu.memref_squeeze %dma_start3A_202 : memref<1x512x64xf32, #tpu.memory_space<vmem>> -> memref<512x64xf32, #tpu.memory_space<vmem>>
      %dma_start3A_204 = arith.constant 0 : i32
      %dma_start3A_205 = arith.constant 0 : i32
      %dma_start3A_206 = tpu.memref_slice %arg4[%add3A, %scan3A_94, %dma_start3A_204, %dma_start3A_205] : memref<32x25x512x64xf32, #tpu.memory_space<hbm>> -> memref<1x1x512x64xf32, #tpu.memory_space<hbm>>
      %dma_start3A_207 = tpu.memref_squeeze %dma_start3A_206 : memref<1x1x512x64xf32, #tpu.memory_space<hbm>> -> memref<512x64xf32, #tpu.memory_space<hbm>>
      %dma_start3A_208 = arith.constant 0 : i32
      %dma_start3A_209 = arith.constant 0 : i32
      %dma_start3A_210 = tpu.memref_slice %arg4[%add3A, %scan3A_94, %dma_start3A_208, %dma_start3A_209] : memref<32x25x512x64xf32, #tpu.memory_space<hbm>> -> memref<1x1x512x64xf32, #tpu.memory_space<hbm>>
      %dma_start3A_211 = tpu.memref_squeeze %dma_start3A_210 : memref<1x1x512x64xf32, #tpu.memory_space<hbm>> -> memref<512x64xf32, #tpu.memory_space<hbm>>
      %dma_start3A_212 = arith.constant 0 : i32
      %dma_start3A_213 = arith.constant 0 : i32
      %dma_start3A_214 = tpu.memref_slice %arg7[%select_n3A_110, %dma_start3A_212, %dma_start3A_213] : memref<2x512x64xf32, #tpu.memory_space<vmem>> -> memref<1x512x64xf32, #tpu.memory_space<vmem>>
      %dma_start3A_215 = tpu.memref_squeeze %dma_start3A_214 : memref<1x512x64xf32, #tpu.memory_space<vmem>> -> memref<512x64xf32, #tpu.memory_space<vmem>>
      tpu.enqueue_dma source(%dma_start3A_215 : memref<512x64xf32, #tpu.memory_space<vmem>>) target(%dma_start3A_211 : memref<512x64xf32, #tpu.memory_space<hbm>>) target_semaphore(%arg9 : memref<!tpu.dma_semaphore, #tpu.memory_space<semaphore_mem>>)
    }
    %scan3A_58 = arith.constant 25 : i32
    %dma_wait3A = arith.constant 0 : i32
    %dma_wait3A_59 = arith.constant 23 : i32
    %dma_wait3A_60 = arith.constant 0 : i32
    %dma_wait3A_61 = arith.constant 0 : i32
    %dma_wait3A_62 = tpu.memref_slice %arg7[%dma_wait3A, %dma_wait3A_60, %dma_wait3A_61] : memref<2x512x64xf32, #tpu.memory_space<vmem>> -> memref<1x512x64xf32, #tpu.memory_space<vmem>>
    %dma_wait3A_63 = tpu.memref_squeeze %dma_wait3A_62 : memref<1x512x64xf32, #tpu.memory_space<vmem>> -> memref<512x64xf32, #tpu.memory_space<vmem>>
    %dma_wait3A_64 = arith.constant 0 : i32
    %dma_wait3A_65 = arith.constant 0 : i32
    %dma_wait3A_66 = tpu.memref_slice %arg4[%add3A, %dma_wait3A_59, %dma_wait3A_64, %dma_wait3A_65] : memref<32x25x512x64xf32, #tpu.memory_space<hbm>> -> memref<1x1x512x64xf32, #tpu.memory_space<hbm>>
    %dma_wait3A_67 = tpu.memref_squeeze %dma_wait3A_66 : memref<1x1x512x64xf32, #tpu.memory_space<hbm>> -> memref<512x64xf32, #tpu.memory_space<hbm>>
    %dma_wait3A_68 = arith.constant 0 : i32
    %dma_wait3A_69 = arith.constant 0 : i32
    %dma_wait3A_70 = tpu.memref_slice %arg4[%add3A, %dma_wait3A_59, %dma_wait3A_68, %dma_wait3A_69] : memref<32x25x512x64xf32, #tpu.memory_space<hbm>> -> memref<1x1x512x64xf32, #tpu.memory_space<hbm>>
    %dma_wait3A_71 = tpu.memref_squeeze %dma_wait3A_70 : memref<1x1x512x64xf32, #tpu.memory_space<hbm>> -> memref<512x64xf32, #tpu.memory_space<hbm>>
    %dma_wait3A_72 = arith.constant 0 : i32
    %dma_wait3A_73 = arith.constant 0 : i32
    %dma_wait3A_74 = tpu.memref_slice %arg7[%dma_wait3A, %dma_wait3A_72, %dma_wait3A_73] : memref<2x512x64xf32, #tpu.memory_space<vmem>> -> memref<1x512x64xf32, #tpu.memory_space<vmem>>
    %dma_wait3A_75 = tpu.memref_squeeze %dma_wait3A_74 : memref<1x512x64xf32, #tpu.memory_space<vmem>> -> memref<512x64xf32, #tpu.memory_space<vmem>>
    tpu.wait_dma2 semaphore(%arg9 : memref<!tpu.dma_semaphore, #tpu.memory_space<semaphore_mem>>) src(%dma_wait3A_75 : memref<512x64xf32, #tpu.memory_space<vmem>>) dst(%dma_wait3A_71 : memref<512x64xf32, #tpu.memory_space<hbm>>)
    %dma_wait3A_76 = arith.constant 1 : i32
    %dma_wait3A_77 = arith.constant 24 : i32
    %dma_wait3A_78 = arith.constant 0 : i32
    %dma_wait3A_79 = arith.constant 0 : i32
    %dma_wait3A_80 = tpu.memref_slice %arg7[%dma_wait3A_76, %dma_wait3A_78, %dma_wait3A_79] : memref<2x512x64xf32, #tpu.memory_space<vmem>> -> memref<1x512x64xf32, #tpu.memory_space<vmem>>
    %dma_wait3A_81 = tpu.memref_squeeze %dma_wait3A_80 : memref<1x512x64xf32, #tpu.memory_space<vmem>> -> memref<512x64xf32, #tpu.memory_space<vmem>>
    %dma_wait3A_82 = arith.constant 0 : i32
    %dma_wait3A_83 = arith.constant 0 : i32
    %dma_wait3A_84 = tpu.memref_slice %arg4[%add3A, %dma_wait3A_77, %dma_wait3A_82, %dma_wait3A_83] : memref<32x25x512x64xf32, #tpu.memory_space<hbm>> -> memref<1x1x512x64xf32, #tpu.memory_space<hbm>>
    %dma_wait3A_85 = tpu.memref_squeeze %dma_wait3A_84 : memref<1x1x512x64xf32, #tpu.memory_space<hbm>> -> memref<512x64xf32, #tpu.memory_space<hbm>>
    %dma_wait3A_86 = arith.constant 0 : i32
    %dma_wait3A_87 = arith.constant 0 : i32
    %dma_wait3A_88 = tpu.memref_slice %arg4[%add3A, %dma_wait3A_77, %dma_wait3A_86, %dma_wait3A_87] : memref<32x25x512x64xf32, #tpu.memory_space<hbm>> -> memref<1x1x512x64xf32, #tpu.memory_space<hbm>>
    %dma_wait3A_89 = tpu.memref_squeeze %dma_wait3A_88 : memref<1x1x512x64xf32, #tpu.memory_space<hbm>> -> memref<512x64xf32, #tpu.memory_space<hbm>>
    %dma_wait3A_90 = arith.constant 0 : i32
    %dma_wait3A_91 = arith.constant 0 : i32
    %dma_wait3A_92 = tpu.memref_slice %arg7[%dma_wait3A_76, %dma_wait3A_90, %dma_wait3A_91] : memref<2x512x64xf32, #tpu.memory_space<vmem>> -> memref<1x512x64xf32, #tpu.memory_space<vmem>>
    %dma_wait3A_93 = tpu.memref_squeeze %dma_wait3A_92 : memref<1x512x64xf32, #tpu.memory_space<vmem>> -> memref<512x64xf32, #tpu.memory_space<vmem>>
    tpu.wait_dma2 semaphore(%arg9 : memref<!tpu.dma_semaphore, #tpu.memory_space<semaphore_mem>>) src(%dma_wait3A_93 : memref<512x64xf32, #tpu.memory_space<vmem>>) dst(%dma_wait3A_89 : memref<512x64xf32, #tpu.memory_space<hbm>>)
    return
  }
}

module attributes {stable_mosaic.version = 14 : i64} {
  func.func @_pack_body(%arg0: i32, %arg1: memref<64x32768xf32, #tpu.memory_space<vmem>>, %arg2: memref<16384x128xf32, #tpu.memory_space<vmem>>) attributes {dimension_semantics = [#tpu.dimension_semantics<arbitrary>], iteration_bounds = array<i64: 31>, scalar_prefetch = 0 : i64, scratch_operands = 0 : i64, tpu.core_type = #tpu.core_type<tc>, window_params = [{transform_indices = @transform_0, window_bounds = array<i64: 64, 32768>}, {transform_indices = @transform_1, window_bounds = array<i64: 16384, 128>}]} {
    %get3A = arith.constant 0 : index
    %get3A_0 = arith.constant 0 : index
    %get3A_1 = vector.load %arg1[%get3A, %get3A_0] : memref<64x32768xf32, #tpu.memory_space<vmem>>, vector<64x32768xf32>
    %slice3A = vector.extract_strided_slice %get3A_1 {offsets = [0, 0], sizes = [64, 16384], strides = [1, 1]} : vector<64x32768xf32> to vector<64x16384xf32>
    %slice3A_2 = vector.extract_strided_slice %get3A_1 {offsets = [0, 16384], sizes = [64, 16384], strides = [1, 1]} : vector<64x32768xf32> to vector<64x16384xf32>
    %concatenate3A = tpu.concatenate %slice3A, %slice3A_2 in 0 : vector<64x16384xf32>, vector<64x16384xf32> -> vector<128x16384xf32>
    %transpose3A = tpu.transpose %concatenate3A, [1, 0] : vector<128x16384xf32> -> vector<16384x128xf32>
    %swap3A = arith.constant 0 : index
    %swap3A_3 = arith.constant 0 : index
    %swap3A_4 = vector.load %arg2[%swap3A, %swap3A_3] : memref<16384x128xf32, #tpu.memory_space<vmem>>, vector<16384x128xf32>
    tpu.vector_store %arg2[%swap3A, %swap3A_3], %transpose3A {strides = array<i32>} : memref<16384x128xf32, #tpu.memory_space<vmem>>, vector<16384x128xf32>,
    return
  }
  func.func @transform_0(%arg0: i32) -> (i32, i32) {
    %c0_i32 = arith.constant 0 : i32
    %c0_i32_0 = arith.constant 0 : i32
    return %c0_i32, %arg0 : i32, i32
  }
  func.func @transform_1(%arg0: i32) -> (i32, i32) {
    %c0_i32 = arith.constant 0 : i32
    %c0_i32_0 = arith.constant 0 : i32
    return %arg0, %c0_i32 : i32, i32
  }
}

module attributes {stable_mosaic.version = 14 : i64} {
  func.func @_unpack_body(%arg0: i32, %arg1: memref<8192x128xf32, #tpu.memory_space<vmem>>, %arg2: memref<64x16384xf32, #tpu.memory_space<vmem>>) attributes {dimension_semantics = [#tpu.dimension_semantics<arbitrary>], iteration_bounds = array<i64: 25>, scalar_prefetch = 0 : i64, scratch_operands = 0 : i64, tpu.core_type = #tpu.core_type<tc>, window_params = [{transform_indices = @transform_0, window_bounds = array<i64: 8192, 128>}, {transform_indices = @transform_1, window_bounds = array<i64: 64, 16384>}]} {
    %get3A = arith.constant 0 : index
    %get3A_0 = arith.constant 0 : index
    %get3A_1 = vector.load %arg1[%get3A, %get3A_0] : memref<8192x128xf32, #tpu.memory_space<vmem>>, vector<8192x128xf32>
    %transpose3A = tpu.transpose %get3A_1, [1, 0] : vector<8192x128xf32> -> vector<128x8192xf32>
    %slice3A = vector.extract_strided_slice %transpose3A {offsets = [0, 0], sizes = [64, 256], strides = [1, 1]} : vector<128x8192xf32> to vector<64x256xf32>
    %swap3A = arith.constant 0 : index
    %swap3A_2 = arith.constant 0 : index
    %swap3A_3 = vector.load %arg2[%swap3A, %swap3A_2] : memref<64x16384xf32, #tpu.memory_space<vmem>>, vector<64x256xf32>
    tpu.vector_store %arg2[%swap3A, %swap3A_2], %slice3A {strides = array<i32>} : memref<64x16384xf32, #tpu.memory_space<vmem>>, vector<64x256xf32>,
    %slice3A_4 = vector.extract_strided_slice %transpose3A {offsets = [64, 0], sizes = [64, 256], strides = [1, 1]} : vector<128x8192xf32> to vector<64x256xf32>
    %swap3A_5 = arith.constant 0 : index
    %swap3A_6 = arith.constant 256 : index
    %swap3A_7 = vector.load %arg2[%swap3A_5, %swap3A_6] : memref<64x16384xf32, #tpu.memory_space<vmem>>, vector<64x256xf32>
    tpu.vector_store %arg2[%swap3A_5, %swap3A_6], %slice3A_4 {strides = array<i32>} : memref<64x16384xf32, #tpu.memory_space<vmem>>, vector<64x256xf32>,
    %slice3A_8 = vector.extract_strided_slice %transpose3A {offsets = [0, 256], sizes = [64, 256], strides = [1, 1]} : vector<128x8192xf32> to vector<64x256xf32>
    %swap3A_9 = arith.constant 0 : index
    %swap3A_10 = arith.constant 512 : index
    %swap3A_11 = vector.load %arg2[%swap3A_9, %swap3A_10] : memref<64x16384xf32, #tpu.memory_space<vmem>>, vector<64x256xf32>
    tpu.vector_store %arg2[%swap3A_9, %swap3A_10], %slice3A_8 {strides = array<i32>} : memref<64x16384xf32, #tpu.memory_space<vmem>>, vector<64x256xf32>,
    %slice3A_12 = vector.extract_strided_slice %transpose3A {offsets = [64, 256], sizes = [64, 256], strides = [1, 1]} : vector<128x8192xf32> to vector<64x256xf32>
    %swap3A_13 = arith.constant 0 : index
    %swap3A_14 = arith.constant 768 : index
    %swap3A_15 = vector.load %arg2[%swap3A_13, %swap3A_14] : memref<64x16384xf32, #tpu.memory_space<vmem>>, vector<64x256xf32>
    tpu.vector_store %arg2[%swap3A_13, %swap3A_14], %slice3A_12 {strides = array<i32>} : memref<64x16384xf32, #tpu.memory_space<vmem>>, vector<64x256xf32>,
    %slice3A_16 = vector.extract_strided_slice %transpose3A {offsets = [0, 512], sizes = [64, 256], strides = [1, 1]} : vector<128x8192xf32> to vector<64x256xf32>
    %swap3A_17 = arith.constant 0 : index
    %swap3A_18 = arith.constant 1024 : index
    %swap3A_19 = vector.load %arg2[%swap3A_17, %swap3A_18] : memref<64x16384xf32, #tpu.memory_space<vmem>>, vector<64x256xf32>
    tpu.vector_store %arg2[%swap3A_17, %swap3A_18], %slice3A_16 {strides = array<i32>} : memref<64x16384xf32, #tpu.memory_space<vmem>>, vector<64x256xf32>,
    %slice3A_20 = vector.extract_strided_slice %transpose3A {offsets = [64, 512], sizes = [64, 256], strides = [1, 1]} : vector<128x8192xf32> to vector<64x256xf32>
    %swap3A_21 = arith.constant 0 : index
    %swap3A_22 = arith.constant 1280 : index
    %swap3A_23 = vector.load %arg2[%swap3A_21, %swap3A_22] : memref<64x16384xf32, #tpu.memory_space<vmem>>, vector<64x256xf32>
    tpu.vector_store %arg2[%swap3A_21, %swap3A_22], %slice3A_20 {strides = array<i32>} : memref<64x16384xf32, #tpu.memory_space<vmem>>, vector<64x256xf32>,
    %slice3A_24 = vector.extract_strided_slice %transpose3A {offsets = [0, 768], sizes = [64, 256], strides = [1, 1]} : vector<128x8192xf32> to vector<64x256xf32>
    %swap3A_25 = arith.constant 0 : index
    %swap3A_26 = arith.constant 1536 : index
    %swap3A_27 = vector.load %arg2[%swap3A_25, %swap3A_26] : memref<64x16384xf32, #tpu.memory_space<vmem>>, vector<64x256xf32>
    tpu.vector_store %arg2[%swap3A_25, %swap3A_26], %slice3A_24 {strides = array<i32>} : memref<64x16384xf32, #tpu.memory_space<vmem>>, vector<64x256xf32>,
    %slice3A_28 = vector.extract_strided_slice %transpose3A {offsets = [64, 768], sizes = [64, 256], strides = [1, 1]} : vector<128x8192xf32> to vector<64x256xf32>
    %swap3A_29 = arith.constant 0 : index
    %swap3A_30 = arith.constant 1792 : index
    %swap3A_31 = vector.load %arg2[%swap3A_29, %swap3A_30] : memref<64x16384xf32, #tpu.memory_space<vmem>>, vector<64x256xf32>
    tpu.vector_store %arg2[%swap3A_29, %swap3A_30], %slice3A_28 {strides = array<i32>} : memref<64x16384xf32, #tpu.memory_space<vmem>>, vector<64x256xf32>,
    %slice3A_32 = vector.extract_strided_slice %transpose3A {offsets = [0, 1024], sizes = [64, 256], strides = [1, 1]} : vector<128x8192xf32> to vector<64x256xf32>
    %swap3A_33 = arith.constant 0 : index
    %swap3A_34 = arith.constant 2048 : index
    %swap3A_35 = vector.load %arg2[%swap3A_33, %swap3A_34] : memref<64x16384xf32, #tpu.memory_space<vmem>>, vector<64x256xf32>
    tpu.vector_store %arg2[%swap3A_33, %swap3A_34], %slice3A_32 {strides = array<i32>} : memref<64x16384xf32, #tpu.memory_space<vmem>>, vector<64x256xf32>,
    %slice3A_36 = vector.extract_strided_slice %transpose3A {offsets = [64, 1024], sizes = [64, 256], strides = [1, 1]} : vector<128x8192xf32> to vector<64x256xf32>
    %swap3A_37 = arith.constant 0 : index
    %swap3A_38 = arith.constant 2304 : index
    %swap3A_39 = vector.load %arg2[%swap3A_37, %swap3A_38] : memref<64x16384xf32, #tpu.memory_space<vmem>>, vector<64x256xf32>
    tpu.vector_store %arg2[%swap3A_37, %swap3A_38], %slice3A_36 {strides = array<i32>} : memref<64x16384xf32, #tpu.memory_space<vmem>>, vector<64x256xf32>,
    %slice3A_40 = vector.extract_strided_slice %transpose3A {offsets = [0, 1280], sizes = [64, 256], strides = [1, 1]} : vector<128x8192xf32> to vector<64x256xf32>
    %swap3A_41 = arith.constant 0 : index
    %swap3A_42 = arith.constant 2560 : index
    %swap3A_43 = vector.load %arg2[%swap3A_41, %swap3A_42] : memref<64x16384xf32, #tpu.memory_space<vmem>>, vector<64x256xf32>
    tpu.vector_store %arg2[%swap3A_41, %swap3A_42], %slice3A_40 {strides = array<i32>} : memref<64x16384xf32, #tpu.memory_space<vmem>>, vector<64x256xf32>,
    %slice3A_44 = vector.extract_strided_slice %transpose3A {offsets = [64, 1280], sizes = [64, 256], strides = [1, 1]} : vector<128x8192xf32> to vector<64x256xf32>
    %swap3A_45 = arith.constant 0 : index
    %swap3A_46 = arith.constant 2816 : index
    %swap3A_47 = vector.load %arg2[%swap3A_45, %swap3A_46] : memref<64x16384xf32, #tpu.memory_space<vmem>>, vector<64x256xf32>
    tpu.vector_store %arg2[%swap3A_45, %swap3A_46], %slice3A_44 {strides = array<i32>} : memref<64x16384xf32, #tpu.memory_space<vmem>>, vector<64x256xf32>,
    %slice3A_48 = vector.extract_strided_slice %transpose3A {offsets = [0, 1536], sizes = [64, 256], strides = [1, 1]} : vector<128x8192xf32> to vector<64x256xf32>
    %swap3A_49 = arith.constant 0 : index
    %swap3A_50 = arith.constant 3072 : index
    %swap3A_51 = vector.load %arg2[%swap3A_49, %swap3A_50] : memref<64x16384xf32, #tpu.memory_space<vmem>>, vector<64x256xf32>
    tpu.vector_store %arg2[%swap3A_49, %swap3A_50], %slice3A_48 {strides = array<i32>} : memref<64x16384xf32, #tpu.memory_space<vmem>>, vector<64x256xf32>,
    %slice3A_52 = vector.extract_strided_slice %transpose3A {offsets = [64, 1536], sizes = [64, 256], strides = [1, 1]} : vector<128x8192xf32> to vector<64x256xf32>
    %swap3A_53 = arith.constant 0 : index
    %swap3A_54 = arith.constant 3328 : index
    %swap3A_55 = vector.load %arg2[%swap3A_53, %swap3A_54] : memref<64x16384xf32, #tpu.memory_space<vmem>>, vector<64x256xf32>
    tpu.vector_store %arg2[%swap3A_53, %swap3A_54], %slice3A_52 {strides = array<i32>} : memref<64x16384xf32, #tpu.memory_space<vmem>>, vector<64x256xf32>,
    %slice3A_56 = vector.extract_strided_slice %transpose3A {offsets = [0, 1792], sizes = [64, 256], strides = [1, 1]} : vector<128x8192xf32> to vector<64x256xf32>
    %swap3A_57 = arith.constant 0 : index
    %swap3A_58 = arith.constant 3584 : index
    %swap3A_59 = vector.load %arg2[%swap3A_57, %swap3A_58] : memref<64x16384xf32, #tpu.memory_space<vmem>>, vector<64x256xf32>
    tpu.vector_store %arg2[%swap3A_57, %swap3A_58], %slice3A_56 {strides = array<i32>} : memref<64x16384xf32, #tpu.memory_space<vmem>>, vector<64x256xf32>,
    %slice3A_60 = vector.extract_strided_slice %transpose3A {offsets = [64, 1792], sizes = [64, 256], strides = [1, 1]} : vector<128x8192xf32> to vector<64x256xf32>
    %swap3A_61 = arith.constant 0 : index
    %swap3A_62 = arith.constant 3840 : index
    %swap3A_63 = vector.load %arg2[%swap3A_61, %swap3A_62] : memref<64x16384xf32, #tpu.memory_space<vmem>>, vector<64x256xf32>
    tpu.vector_store %arg2[%swap3A_61, %swap3A_62], %slice3A_60 {strides = array<i32>} : memref<64x16384xf32, #tpu.memory_space<vmem>>, vector<64x256xf32>,
    %slice3A_64 = vector.extract_strided_slice %transpose3A {offsets = [0, 2048], sizes = [64, 256], strides = [1, 1]} : vector<128x8192xf32> to vector<64x256xf32>
    %swap3A_65 = arith.constant 0 : index
    %swap3A_66 = arith.constant 4096 : index
    %swap3A_67 = vector.load %arg2[%swap3A_65, %swap3A_66] : memref<64x16384xf32, #tpu.memory_space<vmem>>, vector<64x256xf32>
    tpu.vector_store %arg2[%swap3A_65, %swap3A_66], %slice3A_64 {strides = array<i32>} : memref<64x16384xf32, #tpu.memory_space<vmem>>, vector<64x256xf32>,
    %slice3A_68 = vector.extract_strided_slice %transpose3A {offsets = [64, 2048], sizes = [64, 256], strides = [1, 1]} : vector<128x8192xf32> to vector<64x256xf32>
    %swap3A_69 = arith.constant 0 : index
    %swap3A_70 = arith.constant 4352 : index
    %swap3A_71 = vector.load %arg2[%swap3A_69, %swap3A_70] : memref<64x16384xf32, #tpu.memory_space<vmem>>, vector<64x256xf32>
    tpu.vector_store %arg2[%swap3A_69, %swap3A_70], %slice3A_68 {strides = array<i32>} : memref<64x16384xf32, #tpu.memory_space<vmem>>, vector<64x256xf32>,
    %slice3A_72 = vector.extract_strided_slice %transpose3A {offsets = [0, 2304], sizes = [64, 256], strides = [1, 1]} : vector<128x8192xf32> to vector<64x256xf32>
    %swap3A_73 = arith.constant 0 : index
    %swap3A_74 = arith.constant 4608 : index
    %swap3A_75 = vector.load %arg2[%swap3A_73, %swap3A_74] : memref<64x16384xf32, #tpu.memory_space<vmem>>, vector<64x256xf32>
    tpu.vector_store %arg2[%swap3A_73, %swap3A_74], %slice3A_72 {strides = array<i32>} : memref<64x16384xf32, #tpu.memory_space<vmem>>, vector<64x256xf32>,
    %slice3A_76 = vector.extract_strided_slice %transpose3A {offsets = [64, 2304], sizes = [64, 256], strides = [1, 1]} : vector<128x8192xf32> to vector<64x256xf32>
    %swap3A_77 = arith.constant 0 : index
    %swap3A_78 = arith.constant 4864 : index
    %swap3A_79 = vector.load %arg2[%swap3A_77, %swap3A_78] : memref<64x16384xf32, #tpu.memory_space<vmem>>, vector<64x256xf32>
    tpu.vector_store %arg2[%swap3A_77, %swap3A_78], %slice3A_76 {strides = array<i32>} : memref<64x16384xf32, #tpu.memory_space<vmem>>, vector<64x256xf32>,
    %slice3A_80 = vector.extract_strided_slice %transpose3A {offsets = [0, 2560], sizes = [64, 256], strides = [1, 1]} : vector<128x8192xf32> to vector<64x256xf32>
    %swap3A_81 = arith.constant 0 : index
    %swap3A_82 = arith.constant 5120 : index
    %swap3A_83 = vector.load %arg2[%swap3A_81, %swap3A_82] : memref<64x16384xf32, #tpu.memory_space<vmem>>, vector<64x256xf32>
    tpu.vector_store %arg2[%swap3A_81, %swap3A_82], %slice3A_80 {strides = array<i32>} : memref<64x16384xf32, #tpu.memory_space<vmem>>, vector<64x256xf32>,
    %slice3A_84 = vector.extract_strided_slice %transpose3A {offsets = [64, 2560], sizes = [64, 256], strides = [1, 1]} : vector<128x8192xf32> to vector<64x256xf32>
    %swap3A_85 = arith.constant 0 : index
    %swap3A_86 = arith.constant 5376 : index
    %swap3A_87 = vector.load %arg2[%swap3A_85, %swap3A_86] : memref<64x16384xf32, #tpu.memory_space<vmem>>, vector<64x256xf32>
    tpu.vector_store %arg2[%swap3A_85, %swap3A_86], %slice3A_84 {strides = array<i32>} : memref<64x16384xf32, #tpu.memory_space<vmem>>, vector<64x256xf32>,
    %slice3A_88 = vector.extract_strided_slice %transpose3A {offsets = [0, 2816], sizes = [64, 256], strides = [1, 1]} : vector<128x8192xf32> to vector<64x256xf32>
    %swap3A_89 = arith.constant 0 : index
    %swap3A_90 = arith.constant 5632 : index
    %swap3A_91 = vector.load %arg2[%swap3A_89, %swap3A_90] : memref<64x16384xf32, #tpu.memory_space<vmem>>, vector<64x256xf32>
    tpu.vector_store %arg2[%swap3A_89, %swap3A_90], %slice3A_88 {strides = array<i32>} : memref<64x16384xf32, #tpu.memory_space<vmem>>, vector<64x256xf32>,
    %slice3A_92 = vector.extract_strided_slice %transpose3A {offsets = [64, 2816], sizes = [64, 256], strides = [1, 1]} : vector<128x8192xf32> to vector<64x256xf32>
    %swap3A_93 = arith.constant 0 : index
    %swap3A_94 = arith.constant 5888 : index
    %swap3A_95 = vector.load %arg2[%swap3A_93, %swap3A_94] : memref<64x16384xf32, #tpu.memory_space<vmem>>, vector<64x256xf32>
    tpu.vector_store %arg2[%swap3A_93, %swap3A_94], %slice3A_92 {strides = array<i32>} : memref<64x16384xf32, #tpu.memory_space<vmem>>, vector<64x256xf32>,
    %slice3A_96 = vector.extract_strided_slice %transpose3A {offsets = [0, 3072], sizes = [64, 256], strides = [1, 1]} : vector<128x8192xf32> to vector<64x256xf32>
    %swap3A_97 = arith.constant 0 : index
    %swap3A_98 = arith.constant 6144 : index
    %swap3A_99 = vector.load %arg2[%swap3A_97, %swap3A_98] : memref<64x16384xf32, #tpu.memory_space<vmem>>, vector<64x256xf32>
    tpu.vector_store %arg2[%swap3A_97, %swap3A_98], %slice3A_96 {strides = array<i32>} : memref<64x16384xf32, #tpu.memory_space<vmem>>, vector<64x256xf32>,
    %slice3A_100 = vector.extract_strided_slice %transpose3A {offsets = [64, 3072], sizes = [64, 256], strides = [1, 1]} : vector<128x8192xf32> to vector<64x256xf32>
    %swap3A_101 = arith.constant 0 : index
    %swap3A_102 = arith.constant 6400 : index
    %swap3A_103 = vector.load %arg2[%swap3A_101, %swap3A_102] : memref<64x16384xf32, #tpu.memory_space<vmem>>, vector<64x256xf32>
    tpu.vector_store %arg2[%swap3A_101, %swap3A_102], %slice3A_100 {strides = array<i32>} : memref<64x16384xf32, #tpu.memory_space<vmem>>, vector<64x256xf32>,
    %slice3A_104 = vector.extract_strided_slice %transpose3A {offsets = [0, 3328], sizes = [64, 256], strides = [1, 1]} : vector<128x8192xf32> to vector<64x256xf32>
    %swap3A_105 = arith.constant 0 : index
    %swap3A_106 = arith.constant 6656 : index
    %swap3A_107 = vector.load %arg2[%swap3A_105, %swap3A_106] : memref<64x16384xf32, #tpu.memory_space<vmem>>, vector<64x256xf32>
    tpu.vector_store %arg2[%swap3A_105, %swap3A_106], %slice3A_104 {strides = array<i32>} : memref<64x16384xf32, #tpu.memory_space<vmem>>, vector<64x256xf32>,
    %slice3A_108 = vector.extract_strided_slice %transpose3A {offsets = [64, 3328], sizes = [64, 256], strides = [1, 1]} : vector<128x8192xf32> to vector<64x256xf32>
    %swap3A_109 = arith.constant 0 : index
    %swap3A_110 = arith.constant 6912 : index
    %swap3A_111 = vector.load %arg2[%swap3A_109, %swap3A_110] : memref<64x16384xf32, #tpu.memory_space<vmem>>, vector<64x256xf32>
    tpu.vector_store %arg2[%swap3A_109, %swap3A_110], %slice3A_108 {strides = array<i32>} : memref<64x16384xf32, #tpu.memory_space<vmem>>, vector<64x256xf32>,
    %slice3A_112 = vector.extract_strided_slice %transpose3A {offsets = [0, 3584], sizes = [64, 256], strides = [1, 1]} : vector<128x8192xf32> to vector<64x256xf32>
    %swap3A_113 = arith.constant 0 : index
    %swap3A_114 = arith.constant 7168 : index
    %swap3A_115 = vector.load %arg2[%swap3A_113, %swap3A_114] : memref<64x16384xf32, #tpu.memory_space<vmem>>, vector<64x256xf32>
    tpu.vector_store %arg2[%swap3A_113, %swap3A_114], %slice3A_112 {strides = array<i32>} : memref<64x16384xf32, #tpu.memory_space<vmem>>, vector<64x256xf32>,
    %slice3A_116 = vector.extract_strided_slice %transpose3A {offsets = [64, 3584], sizes = [64, 256], strides = [1, 1]} : vector<128x8192xf32> to vector<64x256xf32>
    %swap3A_117 = arith.constant 0 : index
    %swap3A_118 = arith.constant 7424 : index
    %swap3A_119 = vector.load %arg2[%swap3A_117, %swap3A_118] : memref<64x16384xf32, #tpu.memory_space<vmem>>, vector<64x256xf32>
    tpu.vector_store %arg2[%swap3A_117, %swap3A_118], %slice3A_116 {strides = array<i32>} : memref<64x16384xf32, #tpu.memory_space<vmem>>, vector<64x256xf32>,
    %slice3A_120 = vector.extract_strided_slice %transpose3A {offsets = [0, 3840], sizes = [64, 256], strides = [1, 1]} : vector<128x8192xf32> to vector<64x256xf32>
    %swap3A_121 = arith.constant 0 : index
    %swap3A_122 = arith.constant 7680 : index
    %swap3A_123 = vector.load %arg2[%swap3A_121, %swap3A_122] : memref<64x16384xf32, #tpu.memory_space<vmem>>, vector<64x256xf32>
    tpu.vector_store %arg2[%swap3A_121, %swap3A_122], %slice3A_120 {strides = array<i32>} : memref<64x16384xf32, #tpu.memory_space<vmem>>, vector<64x256xf32>,
    %slice3A_124 = vector.extract_strided_slice %transpose3A {offsets = [64, 3840], sizes = [64, 256], strides = [1, 1]} : vector<128x8192xf32> to vector<64x256xf32>
    %swap3A_125 = arith.constant 0 : index
    %swap3A_126 = arith.constant 7936 : index
    %swap3A_127 = vector.load %arg2[%swap3A_125, %swap3A_126] : memref<64x16384xf32, #tpu.memory_space<vmem>>, vector<64x256xf32>
    tpu.vector_store %arg2[%swap3A_125, %swap3A_126], %slice3A_124 {strides = array<i32>} : memref<64x16384xf32, #tpu.memory_space<vmem>>, vector<64x256xf32>,
    %slice3A_128 = vector.extract_strided_slice %transpose3A {offsets = [0, 4096], sizes = [64, 256], strides = [1, 1]} : vector<128x8192xf32> to vector<64x256xf32>
    %swap3A_129 = arith.constant 0 : index
    %swap3A_130 = arith.constant 8192 : index
    %swap3A_131 = vector.load %arg2[%swap3A_129, %swap3A_130] : memref<64x16384xf32, #tpu.memory_space<vmem>>, vector<64x256xf32>
    tpu.vector_store %arg2[%swap3A_129, %swap3A_130], %slice3A_128 {strides = array<i32>} : memref<64x16384xf32, #tpu.memory_space<vmem>>, vector<64x256xf32>,
    %slice3A_132 = vector.extract_strided_slice %transpose3A {offsets = [64, 4096], sizes = [64, 256], strides = [1, 1]} : vector<128x8192xf32> to vector<64x256xf32>
    %swap3A_133 = arith.constant 0 : index
    %swap3A_134 = arith.constant 8448 : index
    %swap3A_135 = vector.load %arg2[%swap3A_133, %swap3A_134] : memref<64x16384xf32, #tpu.memory_space<vmem>>, vector<64x256xf32>
    tpu.vector_store %arg2[%swap3A_133, %swap3A_134], %slice3A_132 {strides = array<i32>} : memref<64x16384xf32, #tpu.memory_space<vmem>>, vector<64x256xf32>,
    %slice3A_136 = vector.extract_strided_slice %transpose3A {offsets = [0, 4352], sizes = [64, 256], strides = [1, 1]} : vector<128x8192xf32> to vector<64x256xf32>
    %swap3A_137 = arith.constant 0 : index
    %swap3A_138 = arith.constant 8704 : index
    %swap3A_139 = vector.load %arg2[%swap3A_137, %swap3A_138] : memref<64x16384xf32, #tpu.memory_space<vmem>>, vector<64x256xf32>
    tpu.vector_store %arg2[%swap3A_137, %swap3A_138], %slice3A_136 {strides = array<i32>} : memref<64x16384xf32, #tpu.memory_space<vmem>>, vector<64x256xf32>,
    %slice3A_140 = vector.extract_strided_slice %transpose3A {offsets = [64, 4352], sizes = [64, 256], strides = [1, 1]} : vector<128x8192xf32> to vector<64x256xf32>
    %swap3A_141 = arith.constant 0 : index
    %swap3A_142 = arith.constant 8960 : index
    %swap3A_143 = vector.load %arg2[%swap3A_141, %swap3A_142] : memref<64x16384xf32, #tpu.memory_space<vmem>>, vector<64x256xf32>
    tpu.vector_store %arg2[%swap3A_141, %swap3A_142], %slice3A_140 {strides = array<i32>} : memref<64x16384xf32, #tpu.memory_space<vmem>>, vector<64x256xf32>,
    %slice3A_144 = vector.extract_strided_slice %transpose3A {offsets = [0, 4608], sizes = [64, 256], strides = [1, 1]} : vector<128x8192xf32> to vector<64x256xf32>
    %swap3A_145 = arith.constant 0 : index
    %swap3A_146 = arith.constant 9216 : index
    %swap3A_147 = vector.load %arg2[%swap3A_145, %swap3A_146] : memref<64x16384xf32, #tpu.memory_space<vmem>>, vector<64x256xf32>
    tpu.vector_store %arg2[%swap3A_145, %swap3A_146], %slice3A_144 {strides = array<i32>} : memref<64x16384xf32, #tpu.memory_space<vmem>>, vector<64x256xf32>,
    %slice3A_148 = vector.extract_strided_slice %transpose3A {offsets = [64, 4608], sizes = [64, 256], strides = [1, 1]} : vector<128x8192xf32> to vector<64x256xf32>
    %swap3A_149 = arith.constant 0 : index
    %swap3A_150 = arith.constant 9472 : index
    %swap3A_151 = vector.load %arg2[%swap3A_149, %swap3A_150] : memref<64x16384xf32, #tpu.memory_space<vmem>>, vector<64x256xf32>
    tpu.vector_store %arg2[%swap3A_149, %swap3A_150], %slice3A_148 {strides = array<i32>} : memref<64x16384xf32, #tpu.memory_space<vmem>>, vector<64x256xf32>,
    %slice3A_152 = vector.extract_strided_slice %transpose3A {offsets = [0, 4864], sizes = [64, 256], strides = [1, 1]} : vector<128x8192xf32> to vector<64x256xf32>
    %swap3A_153 = arith.constant 0 : index
    %swap3A_154 = arith.constant 9728 : index
    %swap3A_155 = vector.load %arg2[%swap3A_153, %swap3A_154] : memref<64x16384xf32, #tpu.memory_space<vmem>>, vector<64x256xf32>
    tpu.vector_store %arg2[%swap3A_153, %swap3A_154], %slice3A_152 {strides = array<i32>} : memref<64x16384xf32, #tpu.memory_space<vmem>>, vector<64x256xf32>,
    %slice3A_156 = vector.extract_strided_slice %transpose3A {offsets = [64, 4864], sizes = [64, 256], strides = [1, 1]} : vector<128x8192xf32> to vector<64x256xf32>
    %swap3A_157 = arith.constant 0 : index
    %swap3A_158 = arith.constant 9984 : index
    %swap3A_159 = vector.load %arg2[%swap3A_157, %swap3A_158] : memref<64x16384xf32, #tpu.memory_space<vmem>>, vector<64x256xf32>
    tpu.vector_store %arg2[%swap3A_157, %swap3A_158], %slice3A_156 {strides = array<i32>} : memref<64x16384xf32, #tpu.memory_space<vmem>>, vector<64x256xf32>,
    %slice3A_160 = vector.extract_strided_slice %transpose3A {offsets = [0, 5120], sizes = [64, 256], strides = [1, 1]} : vector<128x8192xf32> to vector<64x256xf32>
    %swap3A_161 = arith.constant 0 : index
    %swap3A_162 = arith.constant 10240 : index
    %swap3A_163 = vector.load %arg2[%swap3A_161, %swap3A_162] : memref<64x16384xf32, #tpu.memory_space<vmem>>, vector<64x256xf32>
    tpu.vector_store %arg2[%swap3A_161, %swap3A_162], %slice3A_160 {strides = array<i32>} : memref<64x16384xf32, #tpu.memory_space<vmem>>, vector<64x256xf32>,
    %slice3A_164 = vector.extract_strided_slice %transpose3A {offsets = [64, 5120], sizes = [64, 256], strides = [1, 1]} : vector<128x8192xf32> to vector<64x256xf32>
    %swap3A_165 = arith.constant 0 : index
    %swap3A_166 = arith.constant 10496 : index
    %swap3A_167 = vector.load %arg2[%swap3A_165, %swap3A_166] : memref<64x16384xf32, #tpu.memory_space<vmem>>, vector<64x256xf32>
    tpu.vector_store %arg2[%swap3A_165, %swap3A_166], %slice3A_164 {strides = array<i32>} : memref<64x16384xf32, #tpu.memory_space<vmem>>, vector<64x256xf32>,
    %slice3A_168 = vector.extract_strided_slice %transpose3A {offsets = [0, 5376], sizes = [64, 256], strides = [1, 1]} : vector<128x8192xf32> to vector<64x256xf32>
    %swap3A_169 = arith.constant 0 : index
    %swap3A_170 = arith.constant 10752 : index
    %swap3A_171 = vector.load %arg2[%swap3A_169, %swap3A_170] : memref<64x16384xf32, #tpu.memory_space<vmem>>, vector<64x256xf32>
    tpu.vector_store %arg2[%swap3A_169, %swap3A_170], %slice3A_168 {strides = array<i32>} : memref<64x16384xf32, #tpu.memory_space<vmem>>, vector<64x256xf32>,
    %slice3A_172 = vector.extract_strided_slice %transpose3A {offsets = [64, 5376], sizes = [64, 256], strides = [1, 1]} : vector<128x8192xf32> to vector<64x256xf32>
    %swap3A_173 = arith.constant 0 : index
    %swap3A_174 = arith.constant 11008 : index
    %swap3A_175 = vector.load %arg2[%swap3A_173, %swap3A_174] : memref<64x16384xf32, #tpu.memory_space<vmem>>, vector<64x256xf32>
    tpu.vector_store %arg2[%swap3A_173, %swap3A_174], %slice3A_172 {strides = array<i32>} : memref<64x16384xf32, #tpu.memory_space<vmem>>, vector<64x256xf32>,
    %slice3A_176 = vector.extract_strided_slice %transpose3A {offsets = [0, 5632], sizes = [64, 256], strides = [1, 1]} : vector<128x8192xf32> to vector<64x256xf32>
    %swap3A_177 = arith.constant 0 : index
    %swap3A_178 = arith.constant 11264 : index
    %swap3A_179 = vector.load %arg2[%swap3A_177, %swap3A_178] : memref<64x16384xf32, #tpu.memory_space<vmem>>, vector<64x256xf32>
    tpu.vector_store %arg2[%swap3A_177, %swap3A_178], %slice3A_176 {strides = array<i32>} : memref<64x16384xf32, #tpu.memory_space<vmem>>, vector<64x256xf32>,
    %slice3A_180 = vector.extract_strided_slice %transpose3A {offsets = [64, 5632], sizes = [64, 256], strides = [1, 1]} : vector<128x8192xf32> to vector<64x256xf32>
    %swap3A_181 = arith.constant 0 : index
    %swap3A_182 = arith.constant 11520 : index
    %swap3A_183 = vector.load %arg2[%swap3A_181, %swap3A_182] : memref<64x16384xf32, #tpu.memory_space<vmem>>, vector<64x256xf32>
    tpu.vector_store %arg2[%swap3A_181, %swap3A_182], %slice3A_180 {strides = array<i32>} : memref<64x16384xf32, #tpu.memory_space<vmem>>, vector<64x256xf32>,
    %slice3A_184 = vector.extract_strided_slice %transpose3A {offsets = [0, 5888], sizes = [64, 256], strides = [1, 1]} : vector<128x8192xf32> to vector<64x256xf32>
    %swap3A_185 = arith.constant 0 : index
    %swap3A_186 = arith.constant 11776 : index
    %swap3A_187 = vector.load %arg2[%swap3A_185, %swap3A_186] : memref<64x16384xf32, #tpu.memory_space<vmem>>, vector<64x256xf32>
    tpu.vector_store %arg2[%swap3A_185, %swap3A_186], %slice3A_184 {strides = array<i32>} : memref<64x16384xf32, #tpu.memory_space<vmem>>, vector<64x256xf32>,
    %slice3A_188 = vector.extract_strided_slice %transpose3A {offsets = [64, 5888], sizes = [64, 256], strides = [1, 1]} : vector<128x8192xf32> to vector<64x256xf32>
    %swap3A_189 = arith.constant 0 : index
    %swap3A_190 = arith.constant 12032 : index
    %swap3A_191 = vector.load %arg2[%swap3A_189, %swap3A_190] : memref<64x16384xf32, #tpu.memory_space<vmem>>, vector<64x256xf32>
    tpu.vector_store %arg2[%swap3A_189, %swap3A_190], %slice3A_188 {strides = array<i32>} : memref<64x16384xf32, #tpu.memory_space<vmem>>, vector<64x256xf32>,
    %slice3A_192 = vector.extract_strided_slice %transpose3A {offsets = [0, 6144], sizes = [64, 256], strides = [1, 1]} : vector<128x8192xf32> to vector<64x256xf32>
    %swap3A_193 = arith.constant 0 : index
    %swap3A_194 = arith.constant 12288 : index
    %swap3A_195 = vector.load %arg2[%swap3A_193, %swap3A_194] : memref<64x16384xf32, #tpu.memory_space<vmem>>, vector<64x256xf32>
    tpu.vector_store %arg2[%swap3A_193, %swap3A_194], %slice3A_192 {strides = array<i32>} : memref<64x16384xf32, #tpu.memory_space<vmem>>, vector<64x256xf32>,
    %slice3A_196 = vector.extract_strided_slice %transpose3A {offsets = [64, 6144], sizes = [64, 256], strides = [1, 1]} : vector<128x8192xf32> to vector<64x256xf32>
    %swap3A_197 = arith.constant 0 : index
    %swap3A_198 = arith.constant 12544 : index
    %swap3A_199 = vector.load %arg2[%swap3A_197, %swap3A_198] : memref<64x16384xf32, #tpu.memory_space<vmem>>, vector<64x256xf32>
    tpu.vector_store %arg2[%swap3A_197, %swap3A_198], %slice3A_196 {strides = array<i32>} : memref<64x16384xf32, #tpu.memory_space<vmem>>, vector<64x256xf32>,
    %slice3A_200 = vector.extract_strided_slice %transpose3A {offsets = [0, 6400], sizes = [64, 256], strides = [1, 1]} : vector<128x8192xf32> to vector<64x256xf32>
    %swap3A_201 = arith.constant 0 : index
    %swap3A_202 = arith.constant 12800 : index
    %swap3A_203 = vector.load %arg2[%swap3A_201, %swap3A_202] : memref<64x16384xf32, #tpu.memory_space<vmem>>, vector<64x256xf32>
    tpu.vector_store %arg2[%swap3A_201, %swap3A_202], %slice3A_200 {strides = array<i32>} : memref<64x16384xf32, #tpu.memory_space<vmem>>, vector<64x256xf32>,
    %slice3A_204 = vector.extract_strided_slice %transpose3A {offsets = [64, 6400], sizes = [64, 256], strides = [1, 1]} : vector<128x8192xf32> to vector<64x256xf32>
    %swap3A_205 = arith.constant 0 : index
    %swap3A_206 = arith.constant 13056 : index
    %swap3A_207 = vector.load %arg2[%swap3A_205, %swap3A_206] : memref<64x16384xf32, #tpu.memory_space<vmem>>, vector<64x256xf32>
    tpu.vector_store %arg2[%swap3A_205, %swap3A_206], %slice3A_204 {strides = array<i32>} : memref<64x16384xf32, #tpu.memory_space<vmem>>, vector<64x256xf32>,
    %slice3A_208 = vector.extract_strided_slice %transpose3A {offsets = [0, 6656], sizes = [64, 256], strides = [1, 1]} : vector<128x8192xf32> to vector<64x256xf32>
    %swap3A_209 = arith.constant 0 : index
    %swap3A_210 = arith.constant 13312 : index
    %swap3A_211 = vector.load %arg2[%swap3A_209, %swap3A_210] : memref<64x16384xf32, #tpu.memory_space<vmem>>, vector<64x256xf32>
    tpu.vector_store %arg2[%swap3A_209, %swap3A_210], %slice3A_208 {strides = array<i32>} : memref<64x16384xf32, #tpu.memory_space<vmem>>, vector<64x256xf32>,
    %slice3A_212 = vector.extract_strided_slice %transpose3A {offsets = [64, 6656], sizes = [64, 256], strides = [1, 1]} : vector<128x8192xf32> to vector<64x256xf32>
    %swap3A_213 = arith.constant 0 : index
    %swap3A_214 = arith.constant 13568 : index
    %swap3A_215 = vector.load %arg2[%swap3A_213, %swap3A_214] : memref<64x16384xf32, #tpu.memory_space<vmem>>, vector<64x256xf32>
    tpu.vector_store %arg2[%swap3A_213, %swap3A_214], %slice3A_212 {strides = array<i32>} : memref<64x16384xf32, #tpu.memory_space<vmem>>, vector<64x256xf32>,
    %slice3A_216 = vector.extract_strided_slice %transpose3A {offsets = [0, 6912], sizes = [64, 256], strides = [1, 1]} : vector<128x8192xf32> to vector<64x256xf32>
    %swap3A_217 = arith.constant 0 : index
    %swap3A_218 = arith.constant 13824 : index
    %swap3A_219 = vector.load %arg2[%swap3A_217, %swap3A_218] : memref<64x16384xf32, #tpu.memory_space<vmem>>, vector<64x256xf32>
    tpu.vector_store %arg2[%swap3A_217, %swap3A_218], %slice3A_216 {strides = array<i32>} : memref<64x16384xf32, #tpu.memory_space<vmem>>, vector<64x256xf32>,
    %slice3A_220 = vector.extract_strided_slice %transpose3A {offsets = [64, 6912], sizes = [64, 256], strides = [1, 1]} : vector<128x8192xf32> to vector<64x256xf32>
    %swap3A_221 = arith.constant 0 : index
    %swap3A_222 = arith.constant 14080 : index
    %swap3A_223 = vector.load %arg2[%swap3A_221, %swap3A_222] : memref<64x16384xf32, #tpu.memory_space<vmem>>, vector<64x256xf32>
    tpu.vector_store %arg2[%swap3A_221, %swap3A_222], %slice3A_220 {strides = array<i32>} : memref<64x16384xf32, #tpu.memory_space<vmem>>, vector<64x256xf32>,
    %slice3A_224 = vector.extract_strided_slice %transpose3A {offsets = [0, 7168], sizes = [64, 256], strides = [1, 1]} : vector<128x8192xf32> to vector<64x256xf32>
    %swap3A_225 = arith.constant 0 : index
    %swap3A_226 = arith.constant 14336 : index
    %swap3A_227 = vector.load %arg2[%swap3A_225, %swap3A_226] : memref<64x16384xf32, #tpu.memory_space<vmem>>, vector<64x256xf32>
    tpu.vector_store %arg2[%swap3A_225, %swap3A_226], %slice3A_224 {strides = array<i32>} : memref<64x16384xf32, #tpu.memory_space<vmem>>, vector<64x256xf32>,
    %slice3A_228 = vector.extract_strided_slice %transpose3A {offsets = [64, 7168], sizes = [64, 256], strides = [1, 1]} : vector<128x8192xf32> to vector<64x256xf32>
    %swap3A_229 = arith.constant 0 : index
    %swap3A_230 = arith.constant 14592 : index
    %swap3A_231 = vector.load %arg2[%swap3A_229, %swap3A_230] : memref<64x16384xf32, #tpu.memory_space<vmem>>, vector<64x256xf32>
    tpu.vector_store %arg2[%swap3A_229, %swap3A_230], %slice3A_228 {strides = array<i32>} : memref<64x16384xf32, #tpu.memory_space<vmem>>, vector<64x256xf32>,
    %slice3A_232 = vector.extract_strided_slice %transpose3A {offsets = [0, 7424], sizes = [64, 256], strides = [1, 1]} : vector<128x8192xf32> to vector<64x256xf32>
    %swap3A_233 = arith.constant 0 : index
    %swap3A_234 = arith.constant 14848 : index
    %swap3A_235 = vector.load %arg2[%swap3A_233, %swap3A_234] : memref<64x16384xf32, #tpu.memory_space<vmem>>, vector<64x256xf32>
    tpu.vector_store %arg2[%swap3A_233, %swap3A_234], %slice3A_232 {strides = array<i32>} : memref<64x16384xf32, #tpu.memory_space<vmem>>, vector<64x256xf32>,
    %slice3A_236 = vector.extract_strided_slice %transpose3A {offsets = [64, 7424], sizes = [64, 256], strides = [1, 1]} : vector<128x8192xf32> to vector<64x256xf32>
    %swap3A_237 = arith.constant 0 : index
    %swap3A_238 = arith.constant 15104 : index
    %swap3A_239 = vector.load %arg2[%swap3A_237, %swap3A_238] : memref<64x16384xf32, #tpu.memory_space<vmem>>, vector<64x256xf32>
    tpu.vector_store %arg2[%swap3A_237, %swap3A_238], %slice3A_236 {strides = array<i32>} : memref<64x16384xf32, #tpu.memory_space<vmem>>, vector<64x256xf32>,
    %slice3A_240 = vector.extract_strided_slice %transpose3A {offsets = [0, 7680], sizes = [64, 256], strides = [1, 1]} : vector<128x8192xf32> to vector<64x256xf32>
    %swap3A_241 = arith.constant 0 : index
    %swap3A_242 = arith.constant 15360 : index
    %swap3A_243 = vector.load %arg2[%swap3A_241, %swap3A_242] : memref<64x16384xf32, #tpu.memory_space<vmem>>, vector<64x256xf32>
    tpu.vector_store %arg2[%swap3A_241, %swap3A_242], %slice3A_240 {strides = array<i32>} : memref<64x16384xf32, #tpu.memory_space<vmem>>, vector<64x256xf32>,
    %slice3A_244 = vector.extract_strided_slice %transpose3A {offsets = [64, 7680], sizes = [64, 256], strides = [1, 1]} : vector<128x8192xf32> to vector<64x256xf32>
    %swap3A_245 = arith.constant 0 : index
    %swap3A_246 = arith.constant 15616 : index
    %swap3A_247 = vector.load %arg2[%swap3A_245, %swap3A_246] : memref<64x16384xf32, #tpu.memory_space<vmem>>, vector<64x256xf32>
    tpu.vector_store %arg2[%swap3A_245, %swap3A_246], %slice3A_244 {strides = array<i32>} : memref<64x16384xf32, #tpu.memory_space<vmem>>, vector<64x256xf32>,
    %slice3A_248 = vector.extract_strided_slice %transpose3A {offsets = [0, 7936], sizes = [64, 256], strides = [1, 1]} : vector<128x8192xf32> to vector<64x256xf32>
    %swap3A_249 = arith.constant 0 : index
    %swap3A_250 = arith.constant 15872 : index
    %swap3A_251 = vector.load %arg2[%swap3A_249, %swap3A_250] : memref<64x16384xf32, #tpu.memory_space<vmem>>, vector<64x256xf32>
    tpu.vector_store %arg2[%swap3A_249, %swap3A_250], %slice3A_248 {strides = array<i32>} : memref<64x16384xf32, #tpu.memory_space<vmem>>, vector<64x256xf32>,
    %slice3A_252 = vector.extract_strided_slice %transpose3A {offsets = [64, 7936], sizes = [64, 256], strides = [1, 1]} : vector<128x8192xf32> to vector<64x256xf32>
    %swap3A_253 = arith.constant 0 : index
    %swap3A_254 = arith.constant 16128 : index
    %swap3A_255 = vector.load %arg2[%swap3A_253, %swap3A_254] : memref<64x16384xf32, #tpu.memory_space<vmem>>, vector<64x256xf32>
    tpu.vector_store %arg2[%swap3A_253, %swap3A_254], %slice3A_252 {strides = array<i32>} : memref<64x16384xf32, #tpu.memory_space<vmem>>, vector<64x256xf32>,
    return
  }
  func.func @transform_0(%arg0: i32) -> (i32, i32) {
    %c0_i32 = arith.constant 0 : i32
    %c0_i32_0 = arith.constant 0 : i32
    return %arg0, %c0_i32 : i32, i32
  }
  func.func @transform_1(%arg0: i32) -> (i32, i32) {
    %c0_i32 = arith.constant 0 : i32
    %c0_i32_0 = arith.constant 0 : i32
    return %c0_i32, %arg0 : i32, i32
  }
}

module attributes {stable_mosaic.version = 14 : i64} {
  func.func @_unpack_right_body(%arg0: i32, %arg1: memref<8192x128xf32, #tpu.memory_space<vmem>>, %arg2: memref<8x128xf32, #tpu.memory_space<vmem>>, %arg3: memref<64x16384xf32, #tpu.memory_space<vmem>>) attributes {dimension_semantics = [#tpu.dimension_semantics<arbitrary>], iteration_bounds = array<i64: 25>, scalar_prefetch = 0 : i64, scratch_operands = 0 : i64, tpu.core_type = #tpu.core_type<tc>, window_params = [{transform_indices = @transform_0, window_bounds = array<i64: 8192, 128>}, {transform_indices = @transform_1, window_bounds = array<i64: 8, 128>}, {transform_indices = @transform_2, window_bounds = array<i64: 64, 16384>}]} {
    %get3A = arith.constant 0 : index
    %get3A_0 = arith.constant 0 : index
    %get3A_1 = vector.load %arg1[%get3A, %get3A_0] : memref<8192x128xf32, #tpu.memory_space<vmem>>, vector<8192x128xf32>
    %transpose3A = tpu.transpose %get3A_1, [1, 0] : vector<8192x128xf32> -> vector<128x8192xf32>
    %slice3A = vector.extract_strided_slice %transpose3A {offsets = [0, 0], sizes = [64, 256], strides = [1, 1]} : vector<128x8192xf32> to vector<64x256xf32>
    %swap3A = arith.constant 0 : index
    %swap3A_2 = arith.constant 0 : index
    %swap3A_3 = vector.load %arg3[%swap3A, %swap3A_2] : memref<64x16384xf32, #tpu.memory_space<vmem>>, vector<64x256xf32>
    tpu.vector_store %arg3[%swap3A, %swap3A_2], %slice3A {strides = array<i32>} : memref<64x16384xf32, #tpu.memory_space<vmem>>, vector<64x256xf32>,
    %slice3A_4 = vector.extract_strided_slice %transpose3A {offsets = [64, 0], sizes = [64, 256], strides = [1, 1]} : vector<128x8192xf32> to vector<64x256xf32>
    %swap3A_5 = arith.constant 0 : index
    %swap3A_6 = arith.constant 256 : index
    %swap3A_7 = vector.load %arg3[%swap3A_5, %swap3A_6] : memref<64x16384xf32, #tpu.memory_space<vmem>>, vector<64x256xf32>
    tpu.vector_store %arg3[%swap3A_5, %swap3A_6], %slice3A_4 {strides = array<i32>} : memref<64x16384xf32, #tpu.memory_space<vmem>>, vector<64x256xf32>,
    %slice3A_8 = vector.extract_strided_slice %transpose3A {offsets = [0, 256], sizes = [64, 256], strides = [1, 1]} : vector<128x8192xf32> to vector<64x256xf32>
    %swap3A_9 = arith.constant 0 : index
    %swap3A_10 = arith.constant 512 : index
    %swap3A_11 = vector.load %arg3[%swap3A_9, %swap3A_10] : memref<64x16384xf32, #tpu.memory_space<vmem>>, vector<64x256xf32>
    tpu.vector_store %arg3[%swap3A_9, %swap3A_10], %slice3A_8 {strides = array<i32>} : memref<64x16384xf32, #tpu.memory_space<vmem>>, vector<64x256xf32>,
    %slice3A_12 = vector.extract_strided_slice %transpose3A {offsets = [64, 256], sizes = [64, 256], strides = [1, 1]} : vector<128x8192xf32> to vector<64x256xf32>
    %swap3A_13 = arith.constant 0 : index
    %swap3A_14 = arith.constant 768 : index
    %swap3A_15 = vector.load %arg3[%swap3A_13, %swap3A_14] : memref<64x16384xf32, #tpu.memory_space<vmem>>, vector<64x256xf32>
    tpu.vector_store %arg3[%swap3A_13, %swap3A_14], %slice3A_12 {strides = array<i32>} : memref<64x16384xf32, #tpu.memory_space<vmem>>, vector<64x256xf32>,
    %slice3A_16 = vector.extract_strided_slice %transpose3A {offsets = [0, 512], sizes = [64, 256], strides = [1, 1]} : vector<128x8192xf32> to vector<64x256xf32>
    %swap3A_17 = arith.constant 0 : index
    %swap3A_18 = arith.constant 1024 : index
    %swap3A_19 = vector.load %arg3[%swap3A_17, %swap3A_18] : memref<64x16384xf32, #tpu.memory_space<vmem>>, vector<64x256xf32>
    tpu.vector_store %arg3[%swap3A_17, %swap3A_18], %slice3A_16 {strides = array<i32>} : memref<64x16384xf32, #tpu.memory_space<vmem>>, vector<64x256xf32>,
    %slice3A_20 = vector.extract_strided_slice %transpose3A {offsets = [64, 512], sizes = [64, 256], strides = [1, 1]} : vector<128x8192xf32> to vector<64x256xf32>
    %swap3A_21 = arith.constant 0 : index
    %swap3A_22 = arith.constant 1280 : index
    %swap3A_23 = vector.load %arg3[%swap3A_21, %swap3A_22] : memref<64x16384xf32, #tpu.memory_space<vmem>>, vector<64x256xf32>
    tpu.vector_store %arg3[%swap3A_21, %swap3A_22], %slice3A_20 {strides = array<i32>} : memref<64x16384xf32, #tpu.memory_space<vmem>>, vector<64x256xf32>,
    %slice3A_24 = vector.extract_strided_slice %transpose3A {offsets = [0, 768], sizes = [64, 256], strides = [1, 1]} : vector<128x8192xf32> to vector<64x256xf32>
    %swap3A_25 = arith.constant 0 : index
    %swap3A_26 = arith.constant 1536 : index
    %swap3A_27 = vector.load %arg3[%swap3A_25, %swap3A_26] : memref<64x16384xf32, #tpu.memory_space<vmem>>, vector<64x256xf32>
    tpu.vector_store %arg3[%swap3A_25, %swap3A_26], %slice3A_24 {strides = array<i32>} : memref<64x16384xf32, #tpu.memory_space<vmem>>, vector<64x256xf32>,
    %slice3A_28 = vector.extract_strided_slice %transpose3A {offsets = [64, 768], sizes = [64, 256], strides = [1, 1]} : vector<128x8192xf32> to vector<64x256xf32>
    %swap3A_29 = arith.constant 0 : index
    %swap3A_30 = arith.constant 1792 : index
    %swap3A_31 = vector.load %arg3[%swap3A_29, %swap3A_30] : memref<64x16384xf32, #tpu.memory_space<vmem>>, vector<64x256xf32>
    tpu.vector_store %arg3[%swap3A_29, %swap3A_30], %slice3A_28 {strides = array<i32>} : memref<64x16384xf32, #tpu.memory_space<vmem>>, vector<64x256xf32>,
    %slice3A_32 = vector.extract_strided_slice %transpose3A {offsets = [0, 1024], sizes = [64, 256], strides = [1, 1]} : vector<128x8192xf32> to vector<64x256xf32>
    %swap3A_33 = arith.constant 0 : index
    %swap3A_34 = arith.constant 2048 : index
    %swap3A_35 = vector.load %arg3[%swap3A_33, %swap3A_34] : memref<64x16384xf32, #tpu.memory_space<vmem>>, vector<64x256xf32>
    tpu.vector_store %arg3[%swap3A_33, %swap3A_34], %slice3A_32 {strides = array<i32>} : memref<64x16384xf32, #tpu.memory_space<vmem>>, vector<64x256xf32>,
    %slice3A_36 = vector.extract_strided_slice %transpose3A {offsets = [64, 1024], sizes = [64, 256], strides = [1, 1]} : vector<128x8192xf32> to vector<64x256xf32>
    %swap3A_37 = arith.constant 0 : index
    %swap3A_38 = arith.constant 2304 : index
    %swap3A_39 = vector.load %arg3[%swap3A_37, %swap3A_38] : memref<64x16384xf32, #tpu.memory_space<vmem>>, vector<64x256xf32>
    tpu.vector_store %arg3[%swap3A_37, %swap3A_38], %slice3A_36 {strides = array<i32>} : memref<64x16384xf32, #tpu.memory_space<vmem>>, vector<64x256xf32>,
    %slice3A_40 = vector.extract_strided_slice %transpose3A {offsets = [0, 1280], sizes = [64, 256], strides = [1, 1]} : vector<128x8192xf32> to vector<64x256xf32>
    %swap3A_41 = arith.constant 0 : index
    %swap3A_42 = arith.constant 2560 : index
    %swap3A_43 = vector.load %arg3[%swap3A_41, %swap3A_42] : memref<64x16384xf32, #tpu.memory_space<vmem>>, vector<64x256xf32>
    tpu.vector_store %arg3[%swap3A_41, %swap3A_42], %slice3A_40 {strides = array<i32>} : memref<64x16384xf32, #tpu.memory_space<vmem>>, vector<64x256xf32>,
    %slice3A_44 = vector.extract_strided_slice %transpose3A {offsets = [64, 1280], sizes = [64, 256], strides = [1, 1]} : vector<128x8192xf32> to vector<64x256xf32>
    %swap3A_45 = arith.constant 0 : index
    %swap3A_46 = arith.constant 2816 : index
    %swap3A_47 = vector.load %arg3[%swap3A_45, %swap3A_46] : memref<64x16384xf32, #tpu.memory_space<vmem>>, vector<64x256xf32>
    tpu.vector_store %arg3[%swap3A_45, %swap3A_46], %slice3A_44 {strides = array<i32>} : memref<64x16384xf32, #tpu.memory_space<vmem>>, vector<64x256xf32>,
    %slice3A_48 = vector.extract_strided_slice %transpose3A {offsets = [0, 1536], sizes = [64, 256], strides = [1, 1]} : vector<128x8192xf32> to vector<64x256xf32>
    %swap3A_49 = arith.constant 0 : index
    %swap3A_50 = arith.constant 3072 : index
    %swap3A_51 = vector.load %arg3[%swap3A_49, %swap3A_50] : memref<64x16384xf32, #tpu.memory_space<vmem>>, vector<64x256xf32>
    tpu.vector_store %arg3[%swap3A_49, %swap3A_50], %slice3A_48 {strides = array<i32>} : memref<64x16384xf32, #tpu.memory_space<vmem>>, vector<64x256xf32>,
    %slice3A_52 = vector.extract_strided_slice %transpose3A {offsets = [64, 1536], sizes = [64, 256], strides = [1, 1]} : vector<128x8192xf32> to vector<64x256xf32>
    %swap3A_53 = arith.constant 0 : index
    %swap3A_54 = arith.constant 3328 : index
    %swap3A_55 = vector.load %arg3[%swap3A_53, %swap3A_54] : memref<64x16384xf32, #tpu.memory_space<vmem>>, vector<64x256xf32>
    tpu.vector_store %arg3[%swap3A_53, %swap3A_54], %slice3A_52 {strides = array<i32>} : memref<64x16384xf32, #tpu.memory_space<vmem>>, vector<64x256xf32>,
    %slice3A_56 = vector.extract_strided_slice %transpose3A {offsets = [0, 1792], sizes = [64, 256], strides = [1, 1]} : vector<128x8192xf32> to vector<64x256xf32>
    %swap3A_57 = arith.constant 0 : index
    %swap3A_58 = arith.constant 3584 : index
    %swap3A_59 = vector.load %arg3[%swap3A_57, %swap3A_58] : memref<64x16384xf32, #tpu.memory_space<vmem>>, vector<64x256xf32>
    tpu.vector_store %arg3[%swap3A_57, %swap3A_58], %slice3A_56 {strides = array<i32>} : memref<64x16384xf32, #tpu.memory_space<vmem>>, vector<64x256xf32>,
    %slice3A_60 = vector.extract_strided_slice %transpose3A {offsets = [64, 1792], sizes = [64, 256], strides = [1, 1]} : vector<128x8192xf32> to vector<64x256xf32>
    %swap3A_61 = arith.constant 0 : index
    %swap3A_62 = arith.constant 3840 : index
    %swap3A_63 = vector.load %arg3[%swap3A_61, %swap3A_62] : memref<64x16384xf32, #tpu.memory_space<vmem>>, vector<64x256xf32>
    tpu.vector_store %arg3[%swap3A_61, %swap3A_62], %slice3A_60 {strides = array<i32>} : memref<64x16384xf32, #tpu.memory_space<vmem>>, vector<64x256xf32>,
    %slice3A_64 = vector.extract_strided_slice %transpose3A {offsets = [0, 2048], sizes = [64, 256], strides = [1, 1]} : vector<128x8192xf32> to vector<64x256xf32>
    %swap3A_65 = arith.constant 0 : index
    %swap3A_66 = arith.constant 4096 : index
    %swap3A_67 = vector.load %arg3[%swap3A_65, %swap3A_66] : memref<64x16384xf32, #tpu.memory_space<vmem>>, vector<64x256xf32>
    tpu.vector_store %arg3[%swap3A_65, %swap3A_66], %slice3A_64 {strides = array<i32>} : memref<64x16384xf32, #tpu.memory_space<vmem>>, vector<64x256xf32>,
    %slice3A_68 = vector.extract_strided_slice %transpose3A {offsets = [64, 2048], sizes = [64, 256], strides = [1, 1]} : vector<128x8192xf32> to vector<64x256xf32>
    %swap3A_69 = arith.constant 0 : index
    %swap3A_70 = arith.constant 4352 : index
    %swap3A_71 = vector.load %arg3[%swap3A_69, %swap3A_70] : memref<64x16384xf32, #tpu.memory_space<vmem>>, vector<64x256xf32>
    tpu.vector_store %arg3[%swap3A_69, %swap3A_70], %slice3A_68 {strides = array<i32>} : memref<64x16384xf32, #tpu.memory_space<vmem>>, vector<64x256xf32>,
    %slice3A_72 = vector.extract_strided_slice %transpose3A {offsets = [0, 2304], sizes = [64, 256], strides = [1, 1]} : vector<128x8192xf32> to vector<64x256xf32>
    %swap3A_73 = arith.constant 0 : index
    %swap3A_74 = arith.constant 4608 : index
    %swap3A_75 = vector.load %arg3[%swap3A_73, %swap3A_74] : memref<64x16384xf32, #tpu.memory_space<vmem>>, vector<64x256xf32>
    tpu.vector_store %arg3[%swap3A_73, %swap3A_74], %slice3A_72 {strides = array<i32>} : memref<64x16384xf32, #tpu.memory_space<vmem>>, vector<64x256xf32>,
    %slice3A_76 = vector.extract_strided_slice %transpose3A {offsets = [64, 2304], sizes = [64, 256], strides = [1, 1]} : vector<128x8192xf32> to vector<64x256xf32>
    %swap3A_77 = arith.constant 0 : index
    %swap3A_78 = arith.constant 4864 : index
    %swap3A_79 = vector.load %arg3[%swap3A_77, %swap3A_78] : memref<64x16384xf32, #tpu.memory_space<vmem>>, vector<64x256xf32>
    tpu.vector_store %arg3[%swap3A_77, %swap3A_78], %slice3A_76 {strides = array<i32>} : memref<64x16384xf32, #tpu.memory_space<vmem>>, vector<64x256xf32>,
    %slice3A_80 = vector.extract_strided_slice %transpose3A {offsets = [0, 2560], sizes = [64, 256], strides = [1, 1]} : vector<128x8192xf32> to vector<64x256xf32>
    %swap3A_81 = arith.constant 0 : index
    %swap3A_82 = arith.constant 5120 : index
    %swap3A_83 = vector.load %arg3[%swap3A_81, %swap3A_82] : memref<64x16384xf32, #tpu.memory_space<vmem>>, vector<64x256xf32>
    tpu.vector_store %arg3[%swap3A_81, %swap3A_82], %slice3A_80 {strides = array<i32>} : memref<64x16384xf32, #tpu.memory_space<vmem>>, vector<64x256xf32>,
    %slice3A_84 = vector.extract_strided_slice %transpose3A {offsets = [64, 2560], sizes = [64, 256], strides = [1, 1]} : vector<128x8192xf32> to vector<64x256xf32>
    %swap3A_85 = arith.constant 0 : index
    %swap3A_86 = arith.constant 5376 : index
    %swap3A_87 = vector.load %arg3[%swap3A_85, %swap3A_86] : memref<64x16384xf32, #tpu.memory_space<vmem>>, vector<64x256xf32>
    tpu.vector_store %arg3[%swap3A_85, %swap3A_86], %slice3A_84 {strides = array<i32>} : memref<64x16384xf32, #tpu.memory_space<vmem>>, vector<64x256xf32>,
    %slice3A_88 = vector.extract_strided_slice %transpose3A {offsets = [0, 2816], sizes = [64, 256], strides = [1, 1]} : vector<128x8192xf32> to vector<64x256xf32>
    %swap3A_89 = arith.constant 0 : index
    %swap3A_90 = arith.constant 5632 : index
    %swap3A_91 = vector.load %arg3[%swap3A_89, %swap3A_90] : memref<64x16384xf32, #tpu.memory_space<vmem>>, vector<64x256xf32>
    tpu.vector_store %arg3[%swap3A_89, %swap3A_90], %slice3A_88 {strides = array<i32>} : memref<64x16384xf32, #tpu.memory_space<vmem>>, vector<64x256xf32>,
    %slice3A_92 = vector.extract_strided_slice %transpose3A {offsets = [64, 2816], sizes = [64, 256], strides = [1, 1]} : vector<128x8192xf32> to vector<64x256xf32>
    %swap3A_93 = arith.constant 0 : index
    %swap3A_94 = arith.constant 5888 : index
    %swap3A_95 = vector.load %arg3[%swap3A_93, %swap3A_94] : memref<64x16384xf32, #tpu.memory_space<vmem>>, vector<64x256xf32>
    tpu.vector_store %arg3[%swap3A_93, %swap3A_94], %slice3A_92 {strides = array<i32>} : memref<64x16384xf32, #tpu.memory_space<vmem>>, vector<64x256xf32>,
    %slice3A_96 = vector.extract_strided_slice %transpose3A {offsets = [0, 3072], sizes = [64, 256], strides = [1, 1]} : vector<128x8192xf32> to vector<64x256xf32>
    %swap3A_97 = arith.constant 0 : index
    %swap3A_98 = arith.constant 6144 : index
    %swap3A_99 = vector.load %arg3[%swap3A_97, %swap3A_98] : memref<64x16384xf32, #tpu.memory_space<vmem>>, vector<64x256xf32>
    tpu.vector_store %arg3[%swap3A_97, %swap3A_98], %slice3A_96 {strides = array<i32>} : memref<64x16384xf32, #tpu.memory_space<vmem>>, vector<64x256xf32>,
    %slice3A_100 = vector.extract_strided_slice %transpose3A {offsets = [64, 3072], sizes = [64, 256], strides = [1, 1]} : vector<128x8192xf32> to vector<64x256xf32>
    %swap3A_101 = arith.constant 0 : index
    %swap3A_102 = arith.constant 6400 : index
    %swap3A_103 = vector.load %arg3[%swap3A_101, %swap3A_102] : memref<64x16384xf32, #tpu.memory_space<vmem>>, vector<64x256xf32>
    tpu.vector_store %arg3[%swap3A_101, %swap3A_102], %slice3A_100 {strides = array<i32>} : memref<64x16384xf32, #tpu.memory_space<vmem>>, vector<64x256xf32>,
    %slice3A_104 = vector.extract_strided_slice %transpose3A {offsets = [0, 3328], sizes = [64, 256], strides = [1, 1]} : vector<128x8192xf32> to vector<64x256xf32>
    %swap3A_105 = arith.constant 0 : index
    %swap3A_106 = arith.constant 6656 : index
    %swap3A_107 = vector.load %arg3[%swap3A_105, %swap3A_106] : memref<64x16384xf32, #tpu.memory_space<vmem>>, vector<64x256xf32>
    tpu.vector_store %arg3[%swap3A_105, %swap3A_106], %slice3A_104 {strides = array<i32>} : memref<64x16384xf32, #tpu.memory_space<vmem>>, vector<64x256xf32>,
    %slice3A_108 = vector.extract_strided_slice %transpose3A {offsets = [64, 3328], sizes = [64, 256], strides = [1, 1]} : vector<128x8192xf32> to vector<64x256xf32>
    %swap3A_109 = arith.constant 0 : index
    %swap3A_110 = arith.constant 6912 : index
    %swap3A_111 = vector.load %arg3[%swap3A_109, %swap3A_110] : memref<64x16384xf32, #tpu.memory_space<vmem>>, vector<64x256xf32>
    tpu.vector_store %arg3[%swap3A_109, %swap3A_110], %slice3A_108 {strides = array<i32>} : memref<64x16384xf32, #tpu.memory_space<vmem>>, vector<64x256xf32>,
    %slice3A_112 = vector.extract_strided_slice %transpose3A {offsets = [0, 3584], sizes = [64, 256], strides = [1, 1]} : vector<128x8192xf32> to vector<64x256xf32>
    %swap3A_113 = arith.constant 0 : index
    %swap3A_114 = arith.constant 7168 : index
    %swap3A_115 = vector.load %arg3[%swap3A_113, %swap3A_114] : memref<64x16384xf32, #tpu.memory_space<vmem>>, vector<64x256xf32>
    tpu.vector_store %arg3[%swap3A_113, %swap3A_114], %slice3A_112 {strides = array<i32>} : memref<64x16384xf32, #tpu.memory_space<vmem>>, vector<64x256xf32>,
    %slice3A_116 = vector.extract_strided_slice %transpose3A {offsets = [64, 3584], sizes = [64, 256], strides = [1, 1]} : vector<128x8192xf32> to vector<64x256xf32>
    %swap3A_117 = arith.constant 0 : index
    %swap3A_118 = arith.constant 7424 : index
    %swap3A_119 = vector.load %arg3[%swap3A_117, %swap3A_118] : memref<64x16384xf32, #tpu.memory_space<vmem>>, vector<64x256xf32>
    tpu.vector_store %arg3[%swap3A_117, %swap3A_118], %slice3A_116 {strides = array<i32>} : memref<64x16384xf32, #tpu.memory_space<vmem>>, vector<64x256xf32>,
    %slice3A_120 = vector.extract_strided_slice %transpose3A {offsets = [0, 3840], sizes = [64, 256], strides = [1, 1]} : vector<128x8192xf32> to vector<64x256xf32>
    %swap3A_121 = arith.constant 0 : index
    %swap3A_122 = arith.constant 7680 : index
    %swap3A_123 = vector.load %arg3[%swap3A_121, %swap3A_122] : memref<64x16384xf32, #tpu.memory_space<vmem>>, vector<64x256xf32>
    tpu.vector_store %arg3[%swap3A_121, %swap3A_122], %slice3A_120 {strides = array<i32>} : memref<64x16384xf32, #tpu.memory_space<vmem>>, vector<64x256xf32>,
    %slice3A_124 = vector.extract_strided_slice %transpose3A {offsets = [64, 3840], sizes = [64, 256], strides = [1, 1]} : vector<128x8192xf32> to vector<64x256xf32>
    %swap3A_125 = arith.constant 0 : index
    %swap3A_126 = arith.constant 7936 : index
    %swap3A_127 = vector.load %arg3[%swap3A_125, %swap3A_126] : memref<64x16384xf32, #tpu.memory_space<vmem>>, vector<64x256xf32>
    tpu.vector_store %arg3[%swap3A_125, %swap3A_126], %slice3A_124 {strides = array<i32>} : memref<64x16384xf32, #tpu.memory_space<vmem>>, vector<64x256xf32>,
    %slice3A_128 = vector.extract_strided_slice %transpose3A {offsets = [0, 4096], sizes = [64, 256], strides = [1, 1]} : vector<128x8192xf32> to vector<64x256xf32>
    %swap3A_129 = arith.constant 0 : index
    %swap3A_130 = arith.constant 8192 : index
    %swap3A_131 = vector.load %arg3[%swap3A_129, %swap3A_130] : memref<64x16384xf32, #tpu.memory_space<vmem>>, vector<64x256xf32>
    tpu.vector_store %arg3[%swap3A_129, %swap3A_130], %slice3A_128 {strides = array<i32>} : memref<64x16384xf32, #tpu.memory_space<vmem>>, vector<64x256xf32>,
    %slice3A_132 = vector.extract_strided_slice %transpose3A {offsets = [64, 4096], sizes = [64, 256], strides = [1, 1]} : vector<128x8192xf32> to vector<64x256xf32>
    %swap3A_133 = arith.constant 0 : index
    %swap3A_134 = arith.constant 8448 : index
    %swap3A_135 = vector.load %arg3[%swap3A_133, %swap3A_134] : memref<64x16384xf32, #tpu.memory_space<vmem>>, vector<64x256xf32>
    tpu.vector_store %arg3[%swap3A_133, %swap3A_134], %slice3A_132 {strides = array<i32>} : memref<64x16384xf32, #tpu.memory_space<vmem>>, vector<64x256xf32>,
    %slice3A_136 = vector.extract_strided_slice %transpose3A {offsets = [0, 4352], sizes = [64, 256], strides = [1, 1]} : vector<128x8192xf32> to vector<64x256xf32>
    %swap3A_137 = arith.constant 0 : index
    %swap3A_138 = arith.constant 8704 : index
    %swap3A_139 = vector.load %arg3[%swap3A_137, %swap3A_138] : memref<64x16384xf32, #tpu.memory_space<vmem>>, vector<64x256xf32>
    tpu.vector_store %arg3[%swap3A_137, %swap3A_138], %slice3A_136 {strides = array<i32>} : memref<64x16384xf32, #tpu.memory_space<vmem>>, vector<64x256xf32>,
    %slice3A_140 = vector.extract_strided_slice %transpose3A {offsets = [64, 4352], sizes = [64, 256], strides = [1, 1]} : vector<128x8192xf32> to vector<64x256xf32>
    %swap3A_141 = arith.constant 0 : index
    %swap3A_142 = arith.constant 8960 : index
    %swap3A_143 = vector.load %arg3[%swap3A_141, %swap3A_142] : memref<64x16384xf32, #tpu.memory_space<vmem>>, vector<64x256xf32>
    tpu.vector_store %arg3[%swap3A_141, %swap3A_142], %slice3A_140 {strides = array<i32>} : memref<64x16384xf32, #tpu.memory_space<vmem>>, vector<64x256xf32>,
    %slice3A_144 = vector.extract_strided_slice %transpose3A {offsets = [0, 4608], sizes = [64, 256], strides = [1, 1]} : vector<128x8192xf32> to vector<64x256xf32>
    %swap3A_145 = arith.constant 0 : index
    %swap3A_146 = arith.constant 9216 : index
    %swap3A_147 = vector.load %arg3[%swap3A_145, %swap3A_146] : memref<64x16384xf32, #tpu.memory_space<vmem>>, vector<64x256xf32>
    tpu.vector_store %arg3[%swap3A_145, %swap3A_146], %slice3A_144 {strides = array<i32>} : memref<64x16384xf32, #tpu.memory_space<vmem>>, vector<64x256xf32>,
    %slice3A_148 = vector.extract_strided_slice %transpose3A {offsets = [64, 4608], sizes = [64, 256], strides = [1, 1]} : vector<128x8192xf32> to vector<64x256xf32>
    %swap3A_149 = arith.constant 0 : index
    %swap3A_150 = arith.constant 9472 : index
    %swap3A_151 = vector.load %arg3[%swap3A_149, %swap3A_150] : memref<64x16384xf32, #tpu.memory_space<vmem>>, vector<64x256xf32>
    tpu.vector_store %arg3[%swap3A_149, %swap3A_150], %slice3A_148 {strides = array<i32>} : memref<64x16384xf32, #tpu.memory_space<vmem>>, vector<64x256xf32>,
    %slice3A_152 = vector.extract_strided_slice %transpose3A {offsets = [0, 4864], sizes = [64, 256], strides = [1, 1]} : vector<128x8192xf32> to vector<64x256xf32>
    %swap3A_153 = arith.constant 0 : index
    %swap3A_154 = arith.constant 9728 : index
    %swap3A_155 = vector.load %arg3[%swap3A_153, %swap3A_154] : memref<64x16384xf32, #tpu.memory_space<vmem>>, vector<64x256xf32>
    tpu.vector_store %arg3[%swap3A_153, %swap3A_154], %slice3A_152 {strides = array<i32>} : memref<64x16384xf32, #tpu.memory_space<vmem>>, vector<64x256xf32>,
    %slice3A_156 = vector.extract_strided_slice %transpose3A {offsets = [64, 4864], sizes = [64, 256], strides = [1, 1]} : vector<128x8192xf32> to vector<64x256xf32>
    %swap3A_157 = arith.constant 0 : index
    %swap3A_158 = arith.constant 9984 : index
    %swap3A_159 = vector.load %arg3[%swap3A_157, %swap3A_158] : memref<64x16384xf32, #tpu.memory_space<vmem>>, vector<64x256xf32>
    tpu.vector_store %arg3[%swap3A_157, %swap3A_158], %slice3A_156 {strides = array<i32>} : memref<64x16384xf32, #tpu.memory_space<vmem>>, vector<64x256xf32>,
    %slice3A_160 = vector.extract_strided_slice %transpose3A {offsets = [0, 5120], sizes = [64, 256], strides = [1, 1]} : vector<128x8192xf32> to vector<64x256xf32>
    %swap3A_161 = arith.constant 0 : index
    %swap3A_162 = arith.constant 10240 : index
    %swap3A_163 = vector.load %arg3[%swap3A_161, %swap3A_162] : memref<64x16384xf32, #tpu.memory_space<vmem>>, vector<64x256xf32>
    tpu.vector_store %arg3[%swap3A_161, %swap3A_162], %slice3A_160 {strides = array<i32>} : memref<64x16384xf32, #tpu.memory_space<vmem>>, vector<64x256xf32>,
    %slice3A_164 = vector.extract_strided_slice %transpose3A {offsets = [64, 5120], sizes = [64, 256], strides = [1, 1]} : vector<128x8192xf32> to vector<64x256xf32>
    %swap3A_165 = arith.constant 0 : index
    %swap3A_166 = arith.constant 10496 : index
    %swap3A_167 = vector.load %arg3[%swap3A_165, %swap3A_166] : memref<64x16384xf32, #tpu.memory_space<vmem>>, vector<64x256xf32>
    tpu.vector_store %arg3[%swap3A_165, %swap3A_166], %slice3A_164 {strides = array<i32>} : memref<64x16384xf32, #tpu.memory_space<vmem>>, vector<64x256xf32>,
    %slice3A_168 = vector.extract_strided_slice %transpose3A {offsets = [0, 5376], sizes = [64, 256], strides = [1, 1]} : vector<128x8192xf32> to vector<64x256xf32>
    %swap3A_169 = arith.constant 0 : index
    %swap3A_170 = arith.constant 10752 : index
    %swap3A_171 = vector.load %arg3[%swap3A_169, %swap3A_170] : memref<64x16384xf32, #tpu.memory_space<vmem>>, vector<64x256xf32>
    tpu.vector_store %arg3[%swap3A_169, %swap3A_170], %slice3A_168 {strides = array<i32>} : memref<64x16384xf32, #tpu.memory_space<vmem>>, vector<64x256xf32>,
    %slice3A_172 = vector.extract_strided_slice %transpose3A {offsets = [64, 5376], sizes = [64, 256], strides = [1, 1]} : vector<128x8192xf32> to vector<64x256xf32>
    %swap3A_173 = arith.constant 0 : index
    %swap3A_174 = arith.constant 11008 : index
    %swap3A_175 = vector.load %arg3[%swap3A_173, %swap3A_174] : memref<64x16384xf32, #tpu.memory_space<vmem>>, vector<64x256xf32>
    tpu.vector_store %arg3[%swap3A_173, %swap3A_174], %slice3A_172 {strides = array<i32>} : memref<64x16384xf32, #tpu.memory_space<vmem>>, vector<64x256xf32>,
    %slice3A_176 = vector.extract_strided_slice %transpose3A {offsets = [0, 5632], sizes = [64, 256], strides = [1, 1]} : vector<128x8192xf32> to vector<64x256xf32>
    %swap3A_177 = arith.constant 0 : index
    %swap3A_178 = arith.constant 11264 : index
    %swap3A_179 = vector.load %arg3[%swap3A_177, %swap3A_178] : memref<64x16384xf32, #tpu.memory_space<vmem>>, vector<64x256xf32>
    tpu.vector_store %arg3[%swap3A_177, %swap3A_178], %slice3A_176 {strides = array<i32>} : memref<64x16384xf32, #tpu.memory_space<vmem>>, vector<64x256xf32>,
    %slice3A_180 = vector.extract_strided_slice %transpose3A {offsets = [64, 5632], sizes = [64, 256], strides = [1, 1]} : vector<128x8192xf32> to vector<64x256xf32>
    %swap3A_181 = arith.constant 0 : index
    %swap3A_182 = arith.constant 11520 : index
    %swap3A_183 = vector.load %arg3[%swap3A_181, %swap3A_182] : memref<64x16384xf32, #tpu.memory_space<vmem>>, vector<64x256xf32>
    tpu.vector_store %arg3[%swap3A_181, %swap3A_182], %slice3A_180 {strides = array<i32>} : memref<64x16384xf32, #tpu.memory_space<vmem>>, vector<64x256xf32>,
    %slice3A_184 = vector.extract_strided_slice %transpose3A {offsets = [0, 5888], sizes = [64, 256], strides = [1, 1]} : vector<128x8192xf32> to vector<64x256xf32>
    %swap3A_185 = arith.constant 0 : index
    %swap3A_186 = arith.constant 11776 : index
    %swap3A_187 = vector.load %arg3[%swap3A_185, %swap3A_186] : memref<64x16384xf32, #tpu.memory_space<vmem>>, vector<64x256xf32>
    tpu.vector_store %arg3[%swap3A_185, %swap3A_186], %slice3A_184 {strides = array<i32>} : memref<64x16384xf32, #tpu.memory_space<vmem>>, vector<64x256xf32>,
    %slice3A_188 = vector.extract_strided_slice %transpose3A {offsets = [64, 5888], sizes = [64, 256], strides = [1, 1]} : vector<128x8192xf32> to vector<64x256xf32>
    %swap3A_189 = arith.constant 0 : index
    %swap3A_190 = arith.constant 12032 : index
    %swap3A_191 = vector.load %arg3[%swap3A_189, %swap3A_190] : memref<64x16384xf32, #tpu.memory_space<vmem>>, vector<64x256xf32>
    tpu.vector_store %arg3[%swap3A_189, %swap3A_190], %slice3A_188 {strides = array<i32>} : memref<64x16384xf32, #tpu.memory_space<vmem>>, vector<64x256xf32>,
    %slice3A_192 = vector.extract_strided_slice %transpose3A {offsets = [0, 6144], sizes = [64, 256], strides = [1, 1]} : vector<128x8192xf32> to vector<64x256xf32>
    %swap3A_193 = arith.constant 0 : index
    %swap3A_194 = arith.constant 12288 : index
    %swap3A_195 = vector.load %arg3[%swap3A_193, %swap3A_194] : memref<64x16384xf32, #tpu.memory_space<vmem>>, vector<64x256xf32>
    tpu.vector_store %arg3[%swap3A_193, %swap3A_194], %slice3A_192 {strides = array<i32>} : memref<64x16384xf32, #tpu.memory_space<vmem>>, vector<64x256xf32>,
    %slice3A_196 = vector.extract_strided_slice %transpose3A {offsets = [64, 6144], sizes = [64, 256], strides = [1, 1]} : vector<128x8192xf32> to vector<64x256xf32>
    %swap3A_197 = arith.constant 0 : index
    %swap3A_198 = arith.constant 12544 : index
    %swap3A_199 = vector.load %arg3[%swap3A_197, %swap3A_198] : memref<64x16384xf32, #tpu.memory_space<vmem>>, vector<64x256xf32>
    tpu.vector_store %arg3[%swap3A_197, %swap3A_198], %slice3A_196 {strides = array<i32>} : memref<64x16384xf32, #tpu.memory_space<vmem>>, vector<64x256xf32>,
    %slice3A_200 = vector.extract_strided_slice %transpose3A {offsets = [0, 6400], sizes = [64, 256], strides = [1, 1]} : vector<128x8192xf32> to vector<64x256xf32>
    %swap3A_201 = arith.constant 0 : index
    %swap3A_202 = arith.constant 12800 : index
    %swap3A_203 = vector.load %arg3[%swap3A_201, %swap3A_202] : memref<64x16384xf32, #tpu.memory_space<vmem>>, vector<64x256xf32>
    tpu.vector_store %arg3[%swap3A_201, %swap3A_202], %slice3A_200 {strides = array<i32>} : memref<64x16384xf32, #tpu.memory_space<vmem>>, vector<64x256xf32>,
    %slice3A_204 = vector.extract_strided_slice %transpose3A {offsets = [64, 6400], sizes = [64, 256], strides = [1, 1]} : vector<128x8192xf32> to vector<64x256xf32>
    %swap3A_205 = arith.constant 0 : index
    %swap3A_206 = arith.constant 13056 : index
    %swap3A_207 = vector.load %arg3[%swap3A_205, %swap3A_206] : memref<64x16384xf32, #tpu.memory_space<vmem>>, vector<64x256xf32>
    tpu.vector_store %arg3[%swap3A_205, %swap3A_206], %slice3A_204 {strides = array<i32>} : memref<64x16384xf32, #tpu.memory_space<vmem>>, vector<64x256xf32>,
    %slice3A_208 = vector.extract_strided_slice %transpose3A {offsets = [0, 6656], sizes = [64, 256], strides = [1, 1]} : vector<128x8192xf32> to vector<64x256xf32>
    %swap3A_209 = arith.constant 0 : index
    %swap3A_210 = arith.constant 13312 : index
    %swap3A_211 = vector.load %arg3[%swap3A_209, %swap3A_210] : memref<64x16384xf32, #tpu.memory_space<vmem>>, vector<64x256xf32>
    tpu.vector_store %arg3[%swap3A_209, %swap3A_210], %slice3A_208 {strides = array<i32>} : memref<64x16384xf32, #tpu.memory_space<vmem>>, vector<64x256xf32>,
    %slice3A_212 = vector.extract_strided_slice %transpose3A {offsets = [64, 6656], sizes = [64, 256], strides = [1, 1]} : vector<128x8192xf32> to vector<64x256xf32>
    %swap3A_213 = arith.constant 0 : index
    %swap3A_214 = arith.constant 13568 : index
    %swap3A_215 = vector.load %arg3[%swap3A_213, %swap3A_214] : memref<64x16384xf32, #tpu.memory_space<vmem>>, vector<64x256xf32>
    tpu.vector_store %arg3[%swap3A_213, %swap3A_214], %slice3A_212 {strides = array<i32>} : memref<64x16384xf32, #tpu.memory_space<vmem>>, vector<64x256xf32>,
    %slice3A_216 = vector.extract_strided_slice %transpose3A {offsets = [0, 6912], sizes = [64, 256], strides = [1, 1]} : vector<128x8192xf32> to vector<64x256xf32>
    %swap3A_217 = arith.constant 0 : index
    %swap3A_218 = arith.constant 13824 : index
    %swap3A_219 = vector.load %arg3[%swap3A_217, %swap3A_218] : memref<64x16384xf32, #tpu.memory_space<vmem>>, vector<64x256xf32>
    tpu.vector_store %arg3[%swap3A_217, %swap3A_218], %slice3A_216 {strides = array<i32>} : memref<64x16384xf32, #tpu.memory_space<vmem>>, vector<64x256xf32>,
    %slice3A_220 = vector.extract_strided_slice %transpose3A {offsets = [64, 6912], sizes = [64, 256], strides = [1, 1]} : vector<128x8192xf32> to vector<64x256xf32>
    %swap3A_221 = arith.constant 0 : index
    %swap3A_222 = arith.constant 14080 : index
    %swap3A_223 = vector.load %arg3[%swap3A_221, %swap3A_222] : memref<64x16384xf32, #tpu.memory_space<vmem>>, vector<64x256xf32>
    tpu.vector_store %arg3[%swap3A_221, %swap3A_222], %slice3A_220 {strides = array<i32>} : memref<64x16384xf32, #tpu.memory_space<vmem>>, vector<64x256xf32>,
    %slice3A_224 = vector.extract_strided_slice %transpose3A {offsets = [0, 7168], sizes = [64, 256], strides = [1, 1]} : vector<128x8192xf32> to vector<64x256xf32>
    %swap3A_225 = arith.constant 0 : index
    %swap3A_226 = arith.constant 14336 : index
    %swap3A_227 = vector.load %arg3[%swap3A_225, %swap3A_226] : memref<64x16384xf32, #tpu.memory_space<vmem>>, vector<64x256xf32>
    tpu.vector_store %arg3[%swap3A_225, %swap3A_226], %slice3A_224 {strides = array<i32>} : memref<64x16384xf32, #tpu.memory_space<vmem>>, vector<64x256xf32>,
    %slice3A_228 = vector.extract_strided_slice %transpose3A {offsets = [64, 7168], sizes = [64, 256], strides = [1, 1]} : vector<128x8192xf32> to vector<64x256xf32>
    %swap3A_229 = arith.constant 0 : index
    %swap3A_230 = arith.constant 14592 : index
    %swap3A_231 = vector.load %arg3[%swap3A_229, %swap3A_230] : memref<64x16384xf32, #tpu.memory_space<vmem>>, vector<64x256xf32>
    tpu.vector_store %arg3[%swap3A_229, %swap3A_230], %slice3A_228 {strides = array<i32>} : memref<64x16384xf32, #tpu.memory_space<vmem>>, vector<64x256xf32>,
    %slice3A_232 = vector.extract_strided_slice %transpose3A {offsets = [0, 7424], sizes = [64, 256], strides = [1, 1]} : vector<128x8192xf32> to vector<64x256xf32>
    %swap3A_233 = arith.constant 0 : index
    %swap3A_234 = arith.constant 14848 : index
    %swap3A_235 = vector.load %arg3[%swap3A_233, %swap3A_234] : memref<64x16384xf32, #tpu.memory_space<vmem>>, vector<64x256xf32>
    tpu.vector_store %arg3[%swap3A_233, %swap3A_234], %slice3A_232 {strides = array<i32>} : memref<64x16384xf32, #tpu.memory_space<vmem>>, vector<64x256xf32>,
    %slice3A_236 = vector.extract_strided_slice %transpose3A {offsets = [64, 7424], sizes = [64, 256], strides = [1, 1]} : vector<128x8192xf32> to vector<64x256xf32>
    %swap3A_237 = arith.constant 0 : index
    %swap3A_238 = arith.constant 15104 : index
    %swap3A_239 = vector.load %arg3[%swap3A_237, %swap3A_238] : memref<64x16384xf32, #tpu.memory_space<vmem>>, vector<64x256xf32>
    tpu.vector_store %arg3[%swap3A_237, %swap3A_238], %slice3A_236 {strides = array<i32>} : memref<64x16384xf32, #tpu.memory_space<vmem>>, vector<64x256xf32>,
    %slice3A_240 = vector.extract_strided_slice %transpose3A {offsets = [0, 7680], sizes = [64, 256], strides = [1, 1]} : vector<128x8192xf32> to vector<64x256xf32>
    %swap3A_241 = arith.constant 0 : index
    %swap3A_242 = arith.constant 15360 : index
    %swap3A_243 = vector.load %arg3[%swap3A_241, %swap3A_242] : memref<64x16384xf32, #tpu.memory_space<vmem>>, vector<64x256xf32>
    tpu.vector_store %arg3[%swap3A_241, %swap3A_242], %slice3A_240 {strides = array<i32>} : memref<64x16384xf32, #tpu.memory_space<vmem>>, vector<64x256xf32>,
    %slice3A_244 = vector.extract_strided_slice %transpose3A {offsets = [64, 7680], sizes = [64, 256], strides = [1, 1]} : vector<128x8192xf32> to vector<64x256xf32>
    %swap3A_245 = arith.constant 0 : index
    %swap3A_246 = arith.constant 15616 : index
    %swap3A_247 = vector.load %arg3[%swap3A_245, %swap3A_246] : memref<64x16384xf32, #tpu.memory_space<vmem>>, vector<64x256xf32>
    tpu.vector_store %arg3[%swap3A_245, %swap3A_246], %slice3A_244 {strides = array<i32>} : memref<64x16384xf32, #tpu.memory_space<vmem>>, vector<64x256xf32>,
    %slice3A_248 = vector.extract_strided_slice %transpose3A {offsets = [0, 7936], sizes = [64, 256], strides = [1, 1]} : vector<128x8192xf32> to vector<64x256xf32>
    %swap3A_249 = arith.constant 0 : index
    %swap3A_250 = arith.constant 15872 : index
    %swap3A_251 = vector.load %arg3[%swap3A_249, %swap3A_250] : memref<64x16384xf32, #tpu.memory_space<vmem>>, vector<64x256xf32>
    tpu.vector_store %arg3[%swap3A_249, %swap3A_250], %slice3A_248 {strides = array<i32>} : memref<64x16384xf32, #tpu.memory_space<vmem>>, vector<64x256xf32>,
    %slice3A_252 = vector.extract_strided_slice %transpose3A {offsets = [64, 7936], sizes = [64, 256], strides = [1, 1]} : vector<128x8192xf32> to vector<64x256xf32>
    %swap3A_253 = arith.constant 0 : index
    %swap3A_254 = arith.constant 16128 : index
    %swap3A_255 = vector.load %arg3[%swap3A_253, %swap3A_254] : memref<64x16384xf32, #tpu.memory_space<vmem>>, vector<64x256xf32>
    tpu.vector_store %arg3[%swap3A_253, %swap3A_254], %slice3A_252 {strides = array<i32>} : memref<64x16384xf32, #tpu.memory_space<vmem>>, vector<64x256xf32>,
    return
  }
  func.func @transform_0(%arg0: i32) -> (i32, i32) {
    %c0_i32 = arith.constant 0 : i32
    %c0_i32_0 = arith.constant 0 : i32
    return %arg0, %c0_i32 : i32, i32
  }
  func.func @transform_1(%arg0: i32) -> (i32, i32) {
    %c0_i32 = arith.constant 0 : i32
    %c0_i32_0 = arith.constant 0 : i32
    %c0_i32_1 = arith.constant 0 : i32
    return %c0_i32, %c0_i32_0 : i32, i32
  }
  func.func @transform_2(%arg0: i32) -> (i32, i32) {
    %add3A = arith.constant 25 : i32
    %add3A_0 = arith.addi %arg0, %add3A : i32
    %c0_i32 = arith.constant 0 : i32
    %c0_i32_1 = arith.constant 0 : i32
    return %c0_i32, %add3A_0 : i32, i32
  }
}

</mosaic_0001>

<sc_bundles>
// kernel: kernel.10.cloned.1.call-start
scs
__scs_entry_jumppad:
0x0: {  	(pc) =	sbr.rel $0x88, $3  }
0x1: {  	(tag) =	ssettag $0x0;
	lr =	simm.s32 $0x1  }
0x2: {  	[smem:$0x3F9F] =	sst lr;
	_ =	strace $0xD0000000  }
0x3: {  	_ = 	snop  }
0x4: {  	_ = 	snop  }
0x5: {  	_ = 	snop  }
0x6: {  	_ = 	snop  }
0x7: {  	_ = 	snop  }
__scs_overlays_trampoline_lowered:
0x8: {  	[smem:$0x3FAE] =	sst s0  }
0x9: {  	[smem:$0x3FAF] =	sst s1  }
0xa: {  	[smem:$0x3FB0] =	sst s2  }
0xb: {  	[smem:$0x3FB1] =	sst s3  }
0xc: {  	[smem:$0x3FB2] =	sst s4  }
0xd: {  	[smem:$0x3FB3] =	sst s5  }
0xe: {  	[smem:$0x3FB4] =	sst s6  }
0xf: {  	[smem:$0x3FB5] =	sst s7  }
0x10: {  	[smem:$0x3FB6] =	sst s8  }
0x11: {  	[smem:$0x3FB7] =	sst s9;
	s0 =	simm.s32 @!p0 $0x0  }
0x12: {  	s1 =	sld [smem:$0x3F9D];
	s0 =	simm.s32 @p0 $0x1  }
0x13: {  	[smem:$0x3FB8] =	sst s0;
	s0 =	simm.s32 @!p1 $0x0  }
0x14: {  	s2 =	sld [smem:$0x3F9C];
	s0 =	simm.s32 @p1 $0x1  }
0x15: {  	[smem:$0x3FB9] =	sst s0;
	s0 =	simm.s32 @!p2 $0x0  }
0x16: {  	s3 =	sld [smem:$0x3FDB];
	s0 =	simm.s32 @p2 $0x1  }
0x17: {  	s4 =	simm.s32 $0x1BF5;
	[smem:$0x3FBB] =	sst s0  }
0x18: {  	s0 =	sld [smem:$0x3F9E];
	_ =	swait.ge [sflag:s4], $0x0  }
0x19: {  	s7 =	sld [smem:$0x3F9F]  }
0x1a: {  	s8 =	sadd.s32 $0xFFFFE003, lr  }
0x1b: {  	s9 =	sadd.s32 $0xFFFFFEF7, lr;
	s5 =	simm.s32 $0xFFFFFFFF;
	p2 =	slt.u32 s8, $0xFFFFF086  }
0x1c: {  	p1 =	slt.u32 s9, $0xF7A;
	s5 =	simm.s32 @!p2 $0x0  }
0x1d: {  	s5 =	simm.s32 @p1 $0x1;
	p0 =	seq.s32 s7, s2  }
0x1e: {  	s7 =	smul.u32 @!p0 $0xF7A, s2;
	p2 =	seq.s32 @!p0 s5, $0x0  }
0x1f: {  	s9 =	smul.u32 $0xF7A, s1;
	s8 =	simm.s32 @!p0 $0x1BF5;
	p2 =	por !p2, p0  }
0x20: {  	[sflag:s8] =	ssyncset.s32 @!p0 $0xFFFFF086;
	s6 =	sadd.s32 @!p0 s3, s7;
	s7 =	simm.s32 @!p0 $0x108  }
0x21: {  	s3 =	sadd.s32 s3, s9;
	s6 =	sadd.s32 @!p0 $0x88, s6;
	s7 =	simm.s32 @p2 $0x1082  }
0x22: {  	[simem:s7], [sflag:s8] =	dma.local @!p0 [hbm:s6], $0xF7A  }
0x23: {  	s9 =	sor.u32 $0xD0000000, s2;
	s6 =	simm.s32 $0x108;
	_ =	swait.ge @!p0 [sflag:s8], $0x0  }
0x24: {  	s3 =	sadd.s32 $0x88, s3;
	s6 =	simm.s32 @!p1 $0x1082;
	[sflag:s4] =	ssyncset.s32 $0xFFFFF086  }
0x25: {  	[simem:s6], [sflag:s4] =	dma.local [hbm:s3], $0xF7A  }
0x26: {  	[smem:$0x3F9F] =	sst s1;
	(tag) =	ssettag s2;
	_ =	strace s9  }
0x27: {  	s1 =	sld [smem:$0x3FAF]  }
0x28: {  	s2 =	sld [smem:$0x3FB0]  }
0x29: {  	s4 =	sld [smem:$0x3FB2]  }
0x2a: {  	p0 =	seq.s32 s5, $0x0;
	s5 =	sld [smem:$0x3FB3]  }
0x2b: {  	s6 =	sld [smem:$0x3FB4]  }
0x2c: {  	s7 =	sld [smem:$0x3FB5]  }
0x2d: {  	s3 =	simm.s32 $0x108;
	s8 =	sld [smem:$0x3FB6]  }
0x2e: {  	s3 =	simm.s32 @!p0 $0x1082;
	s9 =	sld [smem:$0x3FB7]  }
0x2f: {  	lr =	sadd.s32 s0, s3;
	s0 =	sld [smem:$0x3FAE]  }
0x30: {  	s3 =	sld [smem:$0x3FB1]  }
0x31: {  	[smem:$0x3FBA] =	sst s10  }
0x32: {  	s10 =	sld [smem:$0x3FB8];
	_ =	sdelay $0x3  }
0x33: {  	p0 =	seq.s32 s10, $0x1;
	s10 =	sld [smem:$0x3FBA];
	_ =	sdelay $0x3  }
0x34: {  	[smem:$0x3FBA] =	sst s10  }
0x35: {  	s10 =	sld [smem:$0x3FB9];
	_ =	sdelay $0x3  }
0x36: {  	p1 =	seq.s32 s10, $0x1;
	s10 =	sld [smem:$0x3FBA];
	_ =	sdelay $0x3  }
0x37: {  	[smem:$0x3FBA] =	sst s10  }
0x38: {  	s10 =	sld [smem:$0x3FBB]  }
0x39: {  	_ = 	snop;
	(pc) =	sbr.ind lr, $3  }
0x3a: {  	_ = 	snop  }
0x3b: {  	_ = 	snop  }
0x3c: {  	p2 =	seq.s32 s10, $0x1;
	s10 =	sld [smem:$0x3FBA]  }
0x3d: {  	_ =	shalt  }
0x3e: {  	_ =	shalt  }
0x3f: {  	_ =	shalt  }
0x40: {  	_ =	shalt  }
0x41: {  	_ =	shalt  }
0x42: {  	_ =	shalt  }
0x43: {  	_ =	shalt  }
0x44: {  	_ =	shalt  }
0x45: {  	_ =	shalt  }
0x46: {  	_ =	shalt  }
0x47: {  	_ =	shalt  }
0x48: {  	_ =	shalt  }
0x49: {  	_ =	shalt  }
0x4a: {  	_ =	shalt  }
0x4b: {  	_ =	shalt  }
0x4c: {  	_ =	shalt  }
0x4d: {  	_ =	shalt  }
0x4e: {  	_ =	shalt  }
0x4f: {  	_ =	shalt  }
0x50: {  	_ =	shalt  }
0x51: {  	_ =	shalt  }
0x52: {  	_ =	shalt  }
0x53: {  	_ =	shalt  }
0x54: {  	_ =	shalt  }
0x55: {  	_ =	shalt  }
0x56: {  	_ =	shalt  }
0x57: {  	_ =	shalt  }
0x58: {  	_ =	shalt  }
0x59: {  	_ =	shalt  }
0x5a: {  	_ =	shalt  }
0x5b: {  	_ =	shalt  }
0x5c: {  	_ =	shalt  }
0x5d: {  	_ =	shalt  }
0x5e: {  	_ =	shalt  }
0x5f: {  	_ =	shalt  }
0x60: {  	_ =	shalt  }
0x61: {  	_ =	shalt  }
0x62: {  	_ =	shalt  }
0x63: {  	_ =	shalt  }
0x64: {  	_ =	shalt  }
0x65: {  	_ =	shalt  }
0x66: {  	_ =	shalt  }
0x67: {  	_ =	shalt  }
0x68: {  	_ =	shalt  }
0x69: {  	_ =	shalt  }
0x6a: {  	_ =	shalt  }
0x6b: {  	_ =	shalt  }
0x6c: {  	_ =	shalt  }
0x6d: {  	_ =	shalt  }
0x6e: {  	_ =	shalt  }
0x6f: {  	_ =	shalt  }
0x70: {  	_ =	shalt  }
0x71: {  	_ =	shalt  }
0x72: {  	_ =	shalt  }
0x73: {  	_ =	shalt  }
0x74: {  	_ =	shalt  }
0x75: {  	_ =	shalt  }
0x76: {  	_ =	shalt  }
0x77: {  	_ =	shalt  }
0x78: {  	_ =	shalt  }
0x79: {  	_ =	shalt  }
0x7a: {  	_ =	shalt  }
0x7b: {  	_ =	shalt  }
0x7c: {  	_ =	shalt  }
0x7d: {  	_ =	shalt  }
0x7e: {  	_ =	shalt  }
0x7f: {  	_ =	shalt  }
0x80: {  	_ =	shalt  }
0x81: {  	_ =	shalt  }
0x82: {  	_ =	shalt  }
0x83: {  	_ =	shalt  }
0x84: {  	_ =	shalt  }
0x85: {  	_ =	shalt  }
0x86: {  	_ =	shalt  }
0x87: {  	_ =	shalt  }
.Lfunc_end0:
.L_simem_size_0:
called_computation.1_lowered:
.L_overlay_start_0:
0x88: {  	s2 =	sld [smem:$0x3FD9]  }
0x89: {  	s3 =	sld [smem:$0x3FFE];
	_ =	sdelay $0x1  }
0x8a: {  	s1 =	srdreg.scid  }
0x8b: {  	s0 =	sand.u32 $0x1, s1  }
0x8c: {  	s17 =	sshll.u32 s0, $0xA;
	s2 =	sadd.s32 s3, s2  }
0x8d: {  	s2 =	sadd.s32 s2, s17  }
0x8e: {  	[smem:$0x3FC6] =	sst s2  }
0x8f: {  	_ = 	snop  }
0x90: {  	(tm) =	ssettm $0x1  }
0x91: {  	s18 =	sld [smem:$0x3FFB];
	_ =	sdelay $0x3  }
0x92: {  	_ =	strace s18  }
0x93: {  	s2 =	sld [smem:$0x3FFC];
	_ =	sdelay $0x3  }
0x94: {  	_ =	strace s2  }
0x95: {  	s2 =	sld [smem:$0x3FFD];
	_ =	sdelay $0x3  }
0x96: {  	_ =	strace s2  }
0x97: {  	_ =	strace $0x8FFFFFFF  }
0x98: {  	s19 =	sld [smem:$0x3FDB];
	_ =	sdelay $0x1  }
0x99: {  	s20 =	simm.s32 $_scs_section_size  }
0x9a: {  	s4 =	simm.s32 $_size__tile_overlayer_lowered;
	s5 =	simm.s32 $_tile_overlayer_lowered  }
0x9b: {  	s6 =	simm.s32 $0x1BFF;
	s21 =	sshll.u32 s5, $0x1;
	s3 =	sadd.s32 s20, s19  }
0x9c: {  	s22 =	simm.s32 $0x0;
	s4 =	sshll.u32 s4, $0x1;
	s5 =	sadd.s32 s21, s3  }
0x9d: {  	[timem:s22], [sflag:s6] =	dma.local [hbm:s5], s4  }
0x9e: {  	_ =	swait.ge [sflag:s6], s4  }
0x9f: {  	s4 =	ssub.s32 $0x0, s4;
	[sflag:s6] =	ssyncset.done $0x0  }
0xa0: {  	[sflag:s6] =	ssyncadd.s32 s4;
	_ =	sdelay $0x1  }
0xa1: {  	s23 =	simm.s32 $0x1B8B  }
0xa2: {  	_ =	swait.ge [sflag:s23], $0x1  }
0xa3: {  	[sflag:s23] =	ssyncset.done $0x0  }
0xa4: {  	[sflag:s23] =	ssyncadd.s32 $0xFFFFFFFF  }
0xa5: {  	s4 =	sld [smem:$0x0]  }
0xa6: {  	s5 =	sand.u32 $0xFFFFFFFE, s1  }
0xa7: {  	p0 =	sne.s32 s1, s5  }
0xa8: {  	s5 =	sshll.u32 @p0 s5, $0xE  }
0xa9: {  	s5 =	sadd.s32 @p0 $0x11B8D, s5;
	s6 =	sshll.u32 @p0 s4, $0x11  }
0xaa: {  	s5 =	sor.u32 @p0 s6, s5  }
0xab: {  	[sflag:s5] =	ssyncadd.remote.s32 @p0 $0x1;
	_ =	sdelay $0x1  }
0xac: {  	s5 =	simm.s32 @p0 $0x1B8D  }
0xad: {  	_ =	swait.eq @p0 [sflag:s5], $0x1  }
0xae: {  	[sflag:s5] =	ssyncadd.s32 @p0 $0xFFFFFFFF  }
0xaf: {  	s6 =	sshll.u32 @!p0 s1, $0xE  }
0xb0: {  	s6 =	sor.u32 @!p0 $0x4000, s6;
	s5 =	simm.s32 @!p0 $0x1B8D  }
0xb1: {  	s4 =	sshll.u32 @!p0 s4, $0x11;
	s6 =	sadd.s32 @!p0 $0x11B8D, s6;
	_ =	swait.eq @!p0 [sflag:s5], $0x1  }
0xb2: {  	s4 =	sor.u32 @!p0 s4, s6;
	[sflag:s5] =	ssyncadd.s32 @!p0 $0xFFFFFFFF  }
0xb3: {  	s25 =	simm.s32 $0x1B8E;
	s24 =	sld [smem:$0x3FFE];
	[sflag:s4] =	ssyncadd.remote.s32 @!p0 $0x1  }
0xb4: {  	s26 =	simm.s32 $execute0_lowered;
	[smem:$0x3FD2] =	sst s25  }
0xb5: {  	s5 =	sshll.u32 s26, $0x1;
	_ =	strace $0x80000049;
	[dreg:$0x1] =	wrdreg $0xFFFFFFFF  }
0xb6: {  	s28 =	simm.s32 $_size_execute0_lowered;
	s3 =	sadd.s32 s3, s5;
	[dreg:$0x0] =	wrdreg $0x0  }
0xb7: {  	s5 =	sshll.u32 s28, $0x1;
	[dreg:$0x2] =	wrdreg s3  }
0xb8: {  	[dreg:$0x3] =	wrdreg s5  }
0xb9: {  	[dreg:$0x4] =	wrdreg $0xC0  }
0xba: {  	_ =	task [dreg:s22], $0x5FFFF  }
0xbb: {  	[dreg:$0x1] =	wrdreg $0xFFFFFFFF  }
0xbc: {  	[dreg:$0x0] =	wrdreg $0x60  }
0xbd: {  	[dreg:$0x2] =	wrdreg s24  }
0xbe: {  	[dreg:$0x3] =	wrdreg $0xA  }
0xbf: {  	_ =	task.clear_ibuf [dreg:s22], $0x4FFFF;
	_ =	strace $0x90000049  }
0xc0: {  	s29 =	simm.s32 $0xA;
	_ =	strace $0x8000004B  }
0xc1: {  	_ =	swait.ge [sflag:s29], $0x1  }
0xc2: {  	[sflag:s29] =	ssyncadd.s32 $0xFFFFFFFF  }
0xc3: {  	_ =	strace $0x9000004B  }
0xc4: {  	_ =	sfence  }
0xc5: {  	s30 =	sld [smem:$0x0];
	_ =	sdelay $0x2  }
0xc6: {  	s31 =	sshll.u32 s1, $0xD;
	s1 =	sshrl.u32 s1, $0x2  }
0xc7: {  	s4 =	sand.u32 $0x4000, s31;
	s1 =	sadd.s32 s1, s30  }
0xc8: {  	s0 =	sor.u32 s4, s0;
	s1 =	sshll.u32 s1, $0x11  }
0xc9: {  	s0 =	sor.u32 s1, s0  }
0xca: {  	s0 =	sadd.s32 $0x8F2B, s0  }
0xcb: {  	[sflag:s0] =	ssyncadd.remote.s32 $0x1  }
0xcc: {  	_ =	sfence.sel $0xFFFF  }
0xcd: {  	[dreg:$0x0] =	wrdreg $0xFFFFFFFF;
	(pc) =	sbr.abs _section_cstart, $3  }
0xce: {  	[dreg:$0x1] =	wrdreg $0xFFFFFFFF  }
0xcf: {  	_ =	task.clear_ibuf [dreg:s22], $0x2FFFF;
	_ =	strace $0x9FFFFFFF  }
0xd0: {  	(tm) =	ssettm $0x7FFFFFFF  }
0xd1: {  	_ =	shalt  }
tec
execute0_lowered:
.L_overlay_start_1:
0x0: {  	(tag) =	ssettag $0x1  }
0x1: {  	v0 =	vimm.s32 $0x107;
	vm0 =	vcmask $0x300  }
0x2: {  	s0 =	srdreg.scid;
	vm14 =	vcmask $0x704;
	v0 =	vsel vm0, $0x0, v0  }
0x3: {  	s3 =	stileid.u32;
	s4 =	rddreg [dreg:$0x0];
	s2 =	simm.s32 $0x0;
	vm15 =	vcmask $0xB08;
	v0 =	vsel vm14, $0x100, v0  }
0x4: {  	vm4 =	vcmask $0xF0C;
	s9 =	simm.s32 $0x3;
	s10 =	simm.s32 $0x80;
	s12 =	simm.s32 $0x6400;
	v0 =	vsel vm15, $0x1, v0  }
0x5: {  	vm5 =	vcmask $0x1310;
	s18 =	simm.s32 $0xC400;
	s19 =	simm.s32 $0x1;
	s20 =	simm.s32 $0x3400;
	v0 =	vsel vm4, $0x101, v0  }
0x6: {  	vm6 =	vcmask $0x1714;
	s21 =	simm.s32 $0xE400;
	s22 =	simm.s32 $0x3480;
	s23 =	simm.s32 $0x10400;
	v0 =	vsel vm5, $0x2, v0  }
0x7: {  	vm7 =	vcmask $0x1B18;
	s24 =	simm.s32 $0x3500;
	s25 =	simm.s32 $0x12400;
	s28 =	simm.s32 $0x14400;
	v0 =	vsel vm6, $0x102, v0  }
0x8: {  	vm8 =	vcmask $0x1F1C;
	s29 =	simm.s32 $0x2;
	s30 =	simm.s32 $0x0;
	s0 =	sand.u32 $0x1, s0;
	v0 =	vsel vm7, $0x3, v0  }
0x9: {  	vm9 =	vcmask $0x2320;
	s1 =	sshll.u32 s3, $0x1;
	[smem:$0x7FF] =	sst s2;
	s6 =	smul.u32 $0x190000, s3;
	v0 =	vsel vm8, $0x103, v0  }
0xa: {  	vm10 =	vcmask $0x2724;
	s3 =	sadd.s32 $0xE00, s4;
	s1 =	sor.u32 s0, s1;
	s7 =	smul.u32 $0xC8000, s0;
	v0 =	vsel vm9, $0x4, v0  }
0xb: {  	vm11 =	vcmask $0x2B28;
	s8 =	sadd.s32 $0xAF9E00, s4;
	s0 =	ssub.s32 $0x2, s0;
	s5 =	smul.u32 $0x640, s1;
	v0 =	vsel vm10, $0x104, v0  }
0xc: {  	vm12 =	vcmask $0x2F2C;
	_ =	strace $0x8000004A;
	s1 =	smul.u32 $0xC8000, s1;
	s26 =	sshrl.u32 s0, $0x1;
	v0 =	vsel vm11, $0x5, v0  }
0xd: {  	vm13 =	vcmask $0x3330;
	s6 =	sadd.s32 s7, s6;
	s0 =	ssub.s32 s0, s26;
	s26 =	simm.s32 $0x3580;
	v0 =	vsel vm12, $0x105, v0  }
0xe: {  	vm14 =	vcmask $0x3734;
	s5 =	sadd.s32 s5, s4;
	s1 =	sshrl.u32 s1, $0x3;
	s6 =	sadd.s32 $0x10000, s6;
	v0 =	vsel vm13, $0x6, v0  }
0xf: {  	v1 =	vlaneseq.u32;
	vm15 =	vcmask $0x3B38;
	s4 =	sadd.s32 $0xAED600, s5;
	s5 =	sadd.s32 s8, s1;
	s31 =	sshrl.u32 s6, $0x3;
	v0 =	vsel vm14, $0x106, v0  }
0x10: {  	v1 =	vshrl.u32 v1, $0x1;
	s6 =	smax.u32 s0, $0x1;
	s7 =	sadd.s32 $0x1000, s5;
	s8 =	sadd.s32 s31, s8;
	v0 =	vsel vm15, $0x7, v0  }
.LBB2_1:
0x11: {  	s0 =	simm.s32 $0x0  }
0x12: {  	s0 =	sand.u32 $0xFFFFFF00, s0  }
0x13: {  	s0 =	sadd.s32 $0x0, s0  }
0x14: {  	v2 =	vadd.s32 s0, v0  }
0x15: {  	v2 =	vand.u32 $0xFFFFFFC0, v2  }
0x16: {  	v2 =	vor.u32 v1, v2  }
0x17: {  	[tilespmem:s2], [sflag:$0x3] =	stream.linear.gather [hbm4b:s4+s2], $0x3200, $0x38;
	[tilespmem:$0x16400] =	vst v63  }
0x18: {  	_ =	swait.ge [sflag:s9], $0x3200  }
0x19: {  	[sflag:s9] =	ssyncset.done $0x0;
	s1 =	sadd.s32 $0x8, s0  }
0x1a: {  	[sflag:s9] =	ssyncadd.s32 $0xFFFFCE00;
	v3 =	vadd.s32 s1, v0  }
0x1b: {  	v3 =	vand.u32 $0xFFFFFFF8, v3;
	v2 =	vld.idx.msk [tilespmem:v2+s2+$0x0], $0xffff  }
0x1c: {  	v3 =	vor.u32 v1, v3;
	_ =	sdelay $0x2  }
0x1d: {  	s31 =	simm.s32 $0x3240;
	s13 =	sadd.s32 $0x10, s0  }
0x1e: {  	[tilespmem:s31+$0xFFFFFFC0] =	vst v2;
	v2 =	vadd.s32 s13, v0  }
0x1f: {  	v3 =	vld.idx.msk [tilespmem:v3+s2+$0x0], $0xffff;
	v2 =	vand.u32 $0xFFFFFFF8, v2  }
0x20: {  	v2 =	vor.u32 v1, v2;
	_ =	sdelay $0x2  }
0x21: {  	s14 =	sadd.s32 $0x18, s0  }
0x22: {  	[tilespmem:s31+$0xFFFFFFD0] =	vst v3;
	v3 =	vadd.s32 s14, v0  }
0x23: {  	v2 =	vld.idx.msk [tilespmem:v2+s2+$0x0], $0xffff;
	v3 =	vand.u32 $0xFFFFFFF8, v3  }
0x24: {  	v3 =	vor.u32 v1, v3;
	_ =	sdelay $0x2  }
0x25: {  	s15 =	sadd.s32 $0x20, s0  }
0x26: {  	[tilespmem:s31+$0xFFFFFFE0] =	vst v2;
	v2 =	vadd.s32 s15, v0  }
0x27: {  	v3 =	vld.idx.msk [tilespmem:v3+s2+$0x0], $0xffff;
	v2 =	vand.u32 $0xFFFFFFF8, v2  }
0x28: {  	v2 =	vor.u32 v1, v2;
	_ =	sdelay $0x2  }
0x29: {  	s16 =	sadd.s32 $0x28, s0  }
0x2a: {  	[tilespmem:s31+$0xFFFFFFF0] =	vst v3;
	v3 =	vadd.s32 s16, v0  }
0x2b: {  	v2 =	vld.idx.msk [tilespmem:v2+s2+$0x0], $0xffff;
	v3 =	vand.u32 $0xFFFFFFF8, v3  }
0x2c: {  	v3 =	vor.u32 v1, v3;
	_ =	sdelay $0x2  }
0x2d: {  	s17 =	sadd.s32 $0x30, s0  }
0x2e: {  	[tilespmem:s31+$0x0] =	vst v2;
	v2 =	vadd.s32 s17, v0  }
0x2f: {  	v3 =	vld.idx.msk [tilespmem:v3+s2+$0x0], $0xffff;
	v2 =	vand.u32 $0xFFFFFFF8, v2  }
0x30: {  	v2 =	vor.u32 v1, v2;
	_ =	sdelay $0x2  }
0x31: {  	s0 =	sadd.s32 $0x38, s0  }
0x32: {  	v4 =	vadd.s32 s0, v0;
	[tilespmem:s31+$0x10] =	vst v3  }
0x33: {  	v3 =	vand.u32 $0xFFFFFFF8, v4;
	v2 =	vld.idx.msk [tilespmem:v2+s2+$0x0], $0xffff  }
0x34: {  	v3 =	vor.u32 v1, v3  }
0x35: {  	s11 =	simm.s32 $0x80  }
0x36: {  	s1 =	simm.s32 $0x40;
	s0 =	simm.s32 $0x1;
	s13 =	simm.s32 $0x40  }
.LBB2_2:
0x37: {  	p0 =	sne.s32 s11, $0x18C0;
	s13 =	sand.u32 $0xFFFFFF00, s13  }
0x38: {  	s13 =	sadd.s32 s13, s1;
	[tilespmem:s31+$0x20] =	vst v2;
	s1 =	smov.u32 s11  }
0x39: {  	v2 =	vadd.s32 s13, v0;
	v3 =	vld.idx.msk [tilespmem:v3+s2+$0x0], $0xffff  }
0x3a: {  	v2 =	vand.u32 $0xFFFFFFC0, v2  }
0x3b: {  	v2 =	vor.u32 v1, v2;
	_ =	sdelay $0x3  }
0x3c: {  	s14 =	sadd.s32 $0x8, s13;
	[tilespmem:s31+$0x30] =	vst v3  }
0x3d: {  	v3 =	vadd.s32 s14, v0;
	v2 =	vld.idx.msk [tilespmem:v2+s2+$0x0], $0xffff  }
0x3e: {  	v3 =	vand.u32 $0xFFFFFFF8, v3  }
0x3f: {  	v3 =	vor.u32 v1, v3;
	_ =	sdelay $0x2  }
0x40: {  	s31 =	sadd.s32 $0x80, s31  }
0x41: {  	s14 =	sadd.s32 $0x10, s13;
	[tilespmem:s31+$0xFFFFFFC0] =	vst v2  }
0x42: {  	v2 =	vld.idx.msk [tilespmem:v3+s2+$0x0], $0xffff;
	v3 =	vadd.s32 s14, v0  }
0x43: {  	v3 =	vand.u32 $0xFFFFFFF8, v3  }
0x44: {  	v3 =	vor.u32 v1, v3;
	_ =	sdelay $0x3  }
0x45: {  	s14 =	sadd.s32 $0x18, s13;
	[tilespmem:s31+$0xFFFFFFD0] =	vst v2  }
0x46: {  	v2 =	vld.idx.msk [tilespmem:v3+s2+$0x0], $0xffff;
	v3 =	vadd.s32 s14, v0  }
0x47: {  	v3 =	vand.u32 $0xFFFFFFF8, v3  }
0x48: {  	v3 =	vor.u32 v1, v3;
	_ =	sdelay $0x3  }
0x49: {  	s14 =	sadd.s32 $0x20, s13;
	[tilespmem:s31+$0xFFFFFFE0] =	vst v2  }
0x4a: {  	v2 =	vld.idx.msk [tilespmem:v3+s2+$0x0], $0xffff;
	v3 =	vadd.s32 s14, v0  }
0x4b: {  	v3 =	vand.u32 $0xFFFFFFF8, v3  }
0x4c: {  	v3 =	vor.u32 v1, v3;
	_ =	sdelay $0x3  }
0x4d: {  	s14 =	sadd.s32 $0x28, s13;
	[tilespmem:s31+$0xFFFFFFF0] =	vst v2  }
0x4e: {  	v2 =	vld.idx.msk [tilespmem:v3+s2+$0x0], $0xffff;
	v3 =	vadd.s32 s14, v0  }
0x4f: {  	v3 =	vand.u32 $0xFFFFFFF8, v3  }
0x50: {  	v3 =	vor.u32 v1, v3;
	_ =	sdelay $0x3  }
0x51: {  	s14 =	sadd.s32 $0x30, s13;
	[tilespmem:s31+$0x0] =	vst v2  }
0x52: {  	v2 =	vld.idx.msk [tilespmem:v3+s2+$0x0], $0xffff;
	v3 =	vadd.s32 s14, v0  }
0x53: {  	v3 =	vand.u32 $0xFFFFFFF8, v3  }
0x54: {  	v3 =	vor.u32 v1, v3;
	_ =	sdelay $0x3  }
0x55: {  	s13 =	sadd.s32 $0x38, s13;
	[tilespmem:s31+$0x10] =	vst v2  }
.Ltmp0:
0x56: {  	v2 =	vld.idx.msk [tilespmem:v3+s2+$0x0], $0xffff;
	v3 =	vadd.s32 s13, v0;
	(pc) =	sbr.rel @p0 .LBB2_2-.Ltmp0, $4  }
0x57: {  	v3 =	vand.u32 $0xFFFFFFF8, v3  }
0x58: {  	v3 =	vor.u32 v1, v3  }
0x59: {  	s0 =	sadd.s32 $0x1, s0  }
0x5a: {  	s11 =	sadd.s32 $0x40, s11;
	s13 =	sshll.u32 s0, $0x6  }
0x5b: {  	_ = 	snop  }
0x5c: {  	s0 =	sand.u32 $0xFFFFFF00, s13  }
0x5d: {  	s0 =	sadd.s32 s0, s1  }
0x5e: {  	[tilespmem:s31+$0x20] =	vst v2;
	v2 =	vadd.s32 s0, v0  }
0x5f: {  	v3 =	vld.idx.msk [tilespmem:v3+s2+$0x0], $0xffff;
	v2 =	vand.u32 $0xFFFFFFC0, v2  }
0x60: {  	v2 =	vor.u32 v1, v2;
	_ =	sdelay $0x2  }
0x61: {  	s1 =	sadd.s32 $0x8, s0  }
0x62: {  	[tilespmem:s31+$0x30] =	vst v3;
	v3 =	vadd.s32 s1, v0  }
0x63: {  	v3 =	vand.u32 $0xFFFFFFF8, v3;
	v2 =	vld.idx.msk [tilespmem:v2+s2+$0x0], $0xffff  }
0x64: {  	v3 =	vor.u32 v1, v3;
	_ =	sdelay $0x2  }
0x65: {  	s15 =	sadd.s32 $0x80, s31;
	s11 =	sadd.s32 $0x10, s0  }
0x66: {  	[tilespmem:s15+$0xFFFFFFC0] =	vst v2;
	v2 =	vadd.s32 s11, v0  }
0x67: {  	v3 =	vld.idx.msk [tilespmem:v3+s2+$0x0], $0xffff;
	v2 =	vand.u32 $0xFFFFFFF8, v2  }
0x68: {  	v2 =	vor.u32 v1, v2;
	_ =	sdelay $0x2  }
0x69: {  	s16 =	sadd.s32 $0x18, s0  }
0x6a: {  	[tilespmem:s15+$0xFFFFFFD0] =	vst v3;
	v3 =	vadd.s32 s16, v0  }
0x6b: {  	v2 =	vld.idx.msk [tilespmem:v2+s2+$0x0], $0xffff;
	v3 =	vand.u32 $0xFFFFFFF8, v3  }
0x6c: {  	v3 =	vor.u32 v1, v3;
	_ =	sdelay $0x2  }
0x6d: {  	s17 =	sadd.s32 $0x20, s0  }
0x6e: {  	[tilespmem:s15+$0xFFFFFFE0] =	vst v2;
	v2 =	vadd.s32 s17, v0  }
0x6f: {  	v3 =	vld.idx.msk [tilespmem:v3+s2+$0x0], $0xffff;
	v2 =	vand.u32 $0xFFFFFFF8, v2  }
0x70: {  	v2 =	vor.u32 v1, v2;
	_ =	sdelay $0x2  }
0x71: {  	s13 =	sadd.s32 $0x28, s0  }
0x72: {  	[tilespmem:s15+$0xFFFFFFF0] =	vst v3;
	v3 =	vadd.s32 s13, v0  }
0x73: {  	v2 =	vld.idx.msk [tilespmem:v2+s2+$0x0], $0xffff;
	v3 =	vand.u32 $0xFFFFFFF8, v3  }
0x74: {  	v3 =	vor.u32 v1, v3;
	_ =	sdelay $0x2  }
0x75: {  	s14 =	sadd.s32 $0x30, s0  }
0x76: {  	[tilespmem:s15+$0x0] =	vst v2;
	v2 =	vadd.s32 s14, v0  }
0x77: {  	v3 =	vld.idx.msk [tilespmem:v3+s2+$0x0], $0xffff;
	v2 =	vand.u32 $0xFFFFFFF8, v2  }
0x78: {  	v2 =	vor.u32 v1, v2;
	_ =	sdelay $0x2  }
0x79: {  	s0 =	sadd.s32 $0x38, s0  }
0x7a: {  	[tilespmem:s15+$0x10] =	vst v3;
	v3 =	vadd.s32 s0, v0  }
0x7b: {  	v2 =	vld.idx.msk [tilespmem:v2+s2+$0x0], $0xffff;
	v3 =	vand.u32 $0xFFFFFFF8, v3  }
0x7c: {  	v3 =	vor.u32 v1, v3;
	_ =	sdelay $0x3  }
0x7d: {  	[tilespmem:s15+$0x20] =	vst v2  }
0x7e: {  	v2 =	vld.idx.msk [tilespmem:v3+s2+$0x0], $0xffff;
	_ =	sdelay $0x4  }
0x7f: {  	[tilespmem:s15+$0x30] =	vst v2;
	s15 =	simm.s32 $0x3200  }
0x80: {  	[tilespmem:s12], [sflag:$0x1] =	stream.indirect.gather [hbm4b:s3+s10], $0x40, s15, s10, $0xb8;
	[tilespmem:$0x16400] =	vst v63  }
0x81: {  	s16 =	simm.s32 $0x3280;
	s17 =	simm.s32 $0x8400  }
0x82: {  	[tilespmem:s17], [sflag:$0x1] =	stream.indirect.gather [hbm4b:s3+s10], $0x40, s16, s10, $0xb8;
	[tilespmem:$0x16400] =	vst v63  }
0x83: {  	s11 =	simm.s32 $0x3300;
	s13 =	simm.s32 $0xA400  }
0x84: {  	[tilespmem:s13], [sflag:$0x1] =	stream.indirect.gather [hbm4b:s3+s10], $0x40, s11, s10, $0xb8;
	[tilespmem:$0x16400] =	vst v63  }
0x85: {  	s14 =	simm.s32 $0x3380  }
0x86: {  	[tilespmem:s18], [sflag:$0x1] =	stream.indirect.gather [hbm4b:s3+s10], $0x40, s14, s10, $0xb8;
	[tilespmem:$0x16400] =	vst v63  }
0x87: {  	_ =	swait.ge [sflag:s19], $0x2000  }
0x88: {  	[sflag:s19] =	ssyncset.done $0x0  }
0x89: {  	[sflag:s19] =	ssyncadd.s32 $0xFFFFE000  }
0x8a: {  	_ =	swait.ge [sflag:s19], $0x2000  }
0x8b: {  	[sflag:s19] =	ssyncset.done $0x0  }
0x8c: {  	[sflag:s19] =	ssyncadd.s32 $0xFFFFE000  }
0x8d: {  	_ =	swait.ge [sflag:s19], $0x2000  }
0x8e: {  	[sflag:s19] =	ssyncset.done $0x0  }
0x8f: {  	[sflag:s19] =	ssyncadd.s32 $0xFFFFE000  }
0x90: {  	_ =	swait.ge [sflag:s19], $0x2000  }
0x91: {  	[sflag:s19] =	ssyncset.done $0x0  }
0x92: {  	s15 =	simm.s32 $0x0;
	[sflag:s19] =	ssyncadd.s32 $0xFFFFE000  }
0x93: {  	[hbm4b:s5+s15] =	stream.linear.scatter [tilespmem:s12], [sflag:$0x2], $0x8000, $0x38;
	[tilespmem:$0x16400] =	vst v63  }
0x94: {  	_ = 	snop  }
0x95: {  	[tilespmem:s21], [sflag:$0x1] =	stream.indirect.gather [hbm4b:s3+s10], $0x40, s20, s10, $0xb8;
	[tilespmem:$0x16400] =	vst v63  }
0x96: {  	_ = 	snop  }
0x97: {  	[tilespmem:s23], [sflag:$0x1] =	stream.indirect.gather [hbm4b:s3+s10], $0x40, s22, s10, $0xb8;
	[tilespmem:$0x16400] =	vst v63  }
0x98: {  	_ = 	snop  }
0x99: {  	[tilespmem:s25], [sflag:$0x1] =	stream.indirect.gather [hbm4b:s3+s10], $0x40, s24, s10, $0xb8;
	[tilespmem:$0x16400] =	vst v63  }
0x9a: {  	_ = 	snop  }
0x9b: {  	[tilespmem:s28], [sflag:$0x1] =	stream.indirect.gather [hbm4b:s3+s10], $0x40, s26, s10, $0xb8;
	[tilespmem:$0x16400] =	vst v63  }
0x9c: {  	_ =	swait.ge [sflag:s19], $0x2000  }
0x9d: {  	[sflag:s19] =	ssyncset.done $0x0  }
0x9e: {  	[sflag:s19] =	ssyncadd.s32 $0xFFFFE000  }
0x9f: {  	_ =	swait.ge [sflag:s19], $0x2000  }
0xa0: {  	[sflag:s19] =	ssyncset.done $0x0  }
0xa1: {  	[sflag:s19] =	ssyncadd.s32 $0xFFFFE000  }
0xa2: {  	_ =	swait.ge [sflag:s19], $0x2000  }
0xa3: {  	[sflag:s19] =	ssyncset.done $0x0  }
0xa4: {  	[sflag:s19] =	ssyncadd.s32 $0xFFFFE000  }
0xa5: {  	_ =	swait.ge [sflag:s19], $0x2000  }
0xa6: {  	[sflag:s19] =	ssyncset.done $0x0  }
0xa7: {  	[sflag:s19] =	ssyncadd.s32 $0xFFFFE000  }
0xa8: {  	[hbm4b:s7+s15] =	stream.linear.scatter [tilespmem:s21], [sflag:$0x2], $0x8000, $0x38;
	[tilespmem:$0x16400] =	vst v63  }
0xa9: {  	s16 =	simm.s32 $0x10000;
	_ =	swait.ge [sflag:s29], $0x8000  }
0xaa: {  	s1 =	sand.u32 $0x8000, s16;
	[sflag:s29] =	ssyncset.done $0x0  }
0xab: {  	s17 =	simm.s32 $0x3600;
	s0 =	sor.u32 $0x6400, s1;
	[sflag:s29] =	ssyncadd.s32 $0xFFFF8000  }
0xac: {  	[tilespmem:s0], [sflag:$0x1] =	stream.indirect.gather [hbm4b:s3+s10], $0x40, s17, s10, $0xb8;
	[tilespmem:$0x16400] =	vst v63  }
0xad: {  	s13 =	sadd.s32 $0x8400, s1;
	s14 =	simm.s32 $0x3680  }
0xae: {  	[tilespmem:s13], [sflag:$0x1] =	stream.indirect.gather [hbm4b:s3+s10], $0x40, s14, s10, $0xb8;
	[tilespmem:$0x16400] =	vst v63  }
0xaf: {  	s16 =	simm.s32 $0x3700;
	s15 =	sadd.s32 $0xA400, s1  }
0xb0: {  	[tilespmem:s15], [sflag:$0x1] =	stream.indirect.gather [hbm4b:s3+s10], $0x40, s16, s10, $0xb8;
	[tilespmem:$0x16400] =	vst v63  }
0xb1: {  	s1 =	sadd.s32 $0xC400, s1;
	s17 =	simm.s32 $0x3780  }
0xb2: {  	[tilespmem:s1], [sflag:$0x1] =	stream.indirect.gather [hbm4b:s3+s10], $0x40, s17, s10, $0xb8;
	[tilespmem:$0x16400] =	vst v63  }
0xb3: {  	_ =	swait.ge [sflag:s19], $0x2000  }
0xb4: {  	[sflag:s19] =	ssyncset.done $0x0  }
0xb5: {  	[sflag:s19] =	ssyncadd.s32 $0xFFFFE000  }
0xb6: {  	_ =	swait.ge [sflag:s19], $0x2000  }
0xb7: {  	[sflag:s19] =	ssyncset.done $0x0  }
0xb8: {  	[sflag:s19] =	ssyncadd.s32 $0xFFFFE000  }
0xb9: {  	_ =	swait.ge [sflag:s19], $0x2000  }
0xba: {  	[sflag:s19] =	ssyncset.done $0x0  }
0xbb: {  	[sflag:s19] =	ssyncadd.s32 $0xFFFFE000  }
0xbc: {  	_ =	swait.ge [sflag:s19], $0x2000  }
0xbd: {  	s31 =	smov.u32 s8;
	s11 =	sadd.s32 $0x1000, s8;
	[sflag:s19] =	ssyncset.done $0x0  }
0xbe: {  	s13 =	simm.s32 $0x18000;
	s1 =	simm.s32 $0x800;
	[sflag:s19] =	ssyncadd.s32 $0xFFFFE000  }
.LBB2_4:
0xbf: {  	[hbm4b:s31+s2] =	stream.linear.scatter [tilespmem:s0], [sflag:$0x2], $0x8000, $0x38;
	[tilespmem:$0x16400] =	vst v63  }
0xc0: {  	s0 =	smov.u32 s1;
	s31 =	smov.u32 s11  }
0xc1: {  	p0 =	sne.s32 s1, $0xB000;
	s1 =	sadd.s32 $0x800, s1;
	_ =	swait.ge [sflag:s29], $0x8000  }
0xc2: {  	s14 =	sand.u32 $0x8000, s13;
	s15 =	sshra.s32 s0, $0x2;
	[sflag:s29] =	ssyncset.done $0x0  }
0xc3: {  	s0 =	sor.u32 $0x6400, s14;
	s16 =	sadd.s32 $0x3600, s15;
	[sflag:s29] =	ssyncadd.s32 $0xFFFF8000  }
0xc4: {  	[tilespmem:s0], [sflag:$0x1] =	stream.indirect.gather [hbm4b:s3+s10], $0x40, s16, s10, $0xb8;
	[tilespmem:$0x16400] =	vst v63  }
0xc5: {  	s17 =	sadd.s32 $0x3680, s15;
	s16 =	sadd.s32 $0x8400, s14  }
0xc6: {  	[tilespmem:s16], [sflag:$0x1] =	stream.indirect.gather [hbm4b:s3+s10], $0x40, s17, s10, $0xb8;
	[tilespmem:$0x16400] =	vst v63  }
0xc7: {  	s16 =	sadd.s32 $0xA400, s14;
	s17 =	sadd.s32 $0x3700, s15  }
0xc8: {  	[tilespmem:s16], [sflag:$0x1] =	stream.indirect.gather [hbm4b:s3+s10], $0x40, s17, s10, $0xb8;
	[tilespmem:$0x16400] =	vst v63  }
0xc9: {  	s14 =	sadd.s32 $0xC400, s14;
	s15 =	sadd.s32 $0x3780, s15  }
0xca: {  	[tilespmem:s14], [sflag:$0x1] =	stream.indirect.gather [hbm4b:s3+s10], $0x40, s15, s10, $0xb8;
	[tilespmem:$0x16400] =	vst v63  }
0xcb: {  	_ =	swait.ge [sflag:s19], $0x2000  }
0xcc: {  	[sflag:s19] =	ssyncset.done $0x0  }
0xcd: {  	[sflag:s19] =	ssyncadd.s32 $0xFFFFE000  }
0xce: {  	_ =	swait.ge [sflag:s19], $0x2000  }
0xcf: {  	[sflag:s19] =	ssyncset.done $0x0  }
0xd0: {  	[sflag:s19] =	ssyncadd.s32 $0xFFFFE000  }
0xd1: {  	_ =	swait.ge [sflag:s19], $0x2000  }
.Ltmp1:
0xd2: {  	[sflag:s19] =	ssyncset.done $0x0;
	(pc) =	sbr.rel @p0 .LBB2_4-.Ltmp1, $4  }
0xd3: {  	[sflag:s19] =	ssyncadd.s32 $0xFFFFE000  }
0xd4: {  	_ =	swait.ge [sflag:s19], $0x2000  }
0xd5: {  	[sflag:s19] =	ssyncset.done $0x0  }
0xd6: {  	s11 =	sadd.s32 $0x1000, s11;
	s13 =	sadd.s32 $0x8000, s13;
	[sflag:s19] =	ssyncadd.s32 $0xFFFFE000  }
0xd7: {  	[hbm4b:s31+s2] =	stream.linear.scatter [tilespmem:s0], [sflag:$0x2], $0x8000, $0x38;
	[tilespmem:$0x16400] =	vst v63  }
0xd8: {  	s30 =	sadd.s32 $0x1, s30  }
0xd9: {  	_ =	swait.ge [sflag:s29], $0x8000;
	p0 =	sne.s32 s30, s6  }
.Ltmp2:
0xda: {  	[sflag:s29] =	ssyncset.done $0x0;
	(pc) =	sbr.rel @p0 .LBB2_1-.Ltmp2, $4  }
0xdb: {  	[sflag:s29] =	ssyncadd.s32 $0xFFFF8000  }
0xdc: {  	_ =	swait.ge [sflag:s29], $0x8000  }
0xdd: {  	[sflag:s29] =	ssyncset.done $0x0  }
0xde: {  	[sflag:s29] =	ssyncadd.s32 $0xFFFF8000  }
0xdf: {  	_ =	sfence.sel $0x180000  }
0xe0: {  	[bflag:$0x0] =	sbarrier.arrive $0xFFFF  }
0xe1: {  	_ =	strace $0x9000004A  }
0xe2: {  	s0 =	stileid.u32;
	[bflag:$0x2] =	sbarrier.arrive $0xFFFF  }
0xe3: {  	p0 =	sne.s32 s0, $0x0;
	s0 =	rddreg [dreg:$0x1]  }
0xe4: {  	s0 =	sadd.s32 @!p0 $0x100000, s0  }
0xe5: {  	[sflag:s0] =	ssyncadd.tile.s32 @!p0 $0x1;
	_ =	shalt  }
.Lfunc_end2:
_tile_overlayer_lowered:
.L_overlay_start_2:
0xe6: {  	(tag) =	ssettag $0x2  }
0xe7: {  	s0 =	rddreg [dreg:$0x0];
	s2 =	stileid.u32  }
0xe8: {  	s1 =	rddreg [dreg:$0x1];
	p0 =	sne.s32 s2, $0x0  }
0xe9: {  	s3 =	rddreg [dreg:$0x2];
	[bflag:$0x3] =	sbarrier.arrive $0xFFFF;
	s2 =	simm.s32 @!p0 $0x1C03  }
0xea: {  	[timem:s3], [sflag:s2] =	dma.local @!p0 [hbm:s0], s1  }
0xeb: {  	s0 =	simm.s32 @!p0 $0x3  }
0xec: {  	_ =	swait.ge @!p0 [sflag:s0], s1  }
0xed: {  	s1 =	ssub.s32 @!p0 $0x0, s1;
	[sflag:s0] =	ssyncset.done @!p0 $0x0  }
0xee: {  	[sflag:s0] =	ssyncadd.s32 @!p0 s1  }
0xef: {  	[bflag:$0x3] =	sbarrier.arrive $0xFFFF  }
0xf0: {  	_ =	shalt  }

// kernel: kernel.7.cloned.1.call-start
scs
__scs_entry_jumppad:
0x0: {  	(pc) =	sbr.rel $0x88, $3  }
0x1: {  	(tag) =	ssettag $0x0;
	lr =	simm.s32 $0x1  }
0x2: {  	[smem:$0x3F9F] =	sst lr;
	_ =	strace $0xD0000000  }
0x3: {  	_ = 	snop  }
0x4: {  	_ = 	snop  }
0x5: {  	_ = 	snop  }
0x6: {  	_ = 	snop  }
0x7: {  	_ = 	snop  }
__scs_overlays_trampoline_lowered:
0x8: {  	[smem:$0x3FAE] =	sst s0  }
0x9: {  	[smem:$0x3FAF] =	sst s1  }
0xa: {  	[smem:$0x3FB0] =	sst s2  }
0xb: {  	[smem:$0x3FB1] =	sst s3  }
0xc: {  	[smem:$0x3FB2] =	sst s4  }
0xd: {  	[smem:$0x3FB3] =	sst s5  }
0xe: {  	[smem:$0x3FB4] =	sst s6  }
0xf: {  	[smem:$0x3FB5] =	sst s7  }
0x10: {  	[smem:$0x3FB6] =	sst s8  }
0x11: {  	[smem:$0x3FB7] =	sst s9;
	s0 =	simm.s32 @!p0 $0x0  }
0x12: {  	s1 =	sld [smem:$0x3F9D];
	s0 =	simm.s32 @p0 $0x1  }
0x13: {  	[smem:$0x3FB8] =	sst s0;
	s0 =	simm.s32 @!p1 $0x0  }
0x14: {  	s2 =	sld [smem:$0x3F9C];
	s0 =	simm.s32 @p1 $0x1  }
0x15: {  	[smem:$0x3FB9] =	sst s0;
	s0 =	simm.s32 @!p2 $0x0  }
0x16: {  	s3 =	sld [smem:$0x3FDB];
	s0 =	simm.s32 @p2 $0x1  }
0x17: {  	s4 =	simm.s32 $0x1BF5;
	[smem:$0x3FBB] =	sst s0  }
0x18: {  	s0 =	sld [smem:$0x3F9E];
	_ =	swait.ge [sflag:s4], $0x0  }
0x19: {  	s7 =	sld [smem:$0x3F9F]  }
0x1a: {  	s8 =	sadd.s32 $0xFFFFE003, lr  }
0x1b: {  	s9 =	sadd.s32 $0xFFFFFEF7, lr;
	s5 =	simm.s32 $0xFFFFFFFF;
	p2 =	slt.u32 s8, $0xFFFFF086  }
0x1c: {  	p1 =	slt.u32 s9, $0xF7A;
	s5 =	simm.s32 @!p2 $0x0  }
0x1d: {  	s5 =	simm.s32 @p1 $0x1;
	p0 =	seq.s32 s7, s2  }
0x1e: {  	s7 =	smul.u32 @!p0 $0xF7A, s2;
	p2 =	seq.s32 @!p0 s5, $0x0  }
0x1f: {  	s9 =	smul.u32 $0xF7A, s1;
	s8 =	simm.s32 @!p0 $0x1BF5;
	p2 =	por !p2, p0  }
0x20: {  	[sflag:s8] =	ssyncset.s32 @!p0 $0xFFFFF086;
	s6 =	sadd.s32 @!p0 s3, s7;
	s7 =	simm.s32 @!p0 $0x108  }
0x21: {  	s3 =	sadd.s32 s3, s9;
	s6 =	sadd.s32 @!p0 $0x88, s6;
	s7 =	simm.s32 @p2 $0x1082  }
0x22: {  	[simem:s7], [sflag:s8] =	dma.local @!p0 [hbm:s6], $0xF7A  }
0x23: {  	s9 =	sor.u32 $0xD0000000, s2;
	s6 =	simm.s32 $0x108;
	_ =	swait.ge @!p0 [sflag:s8], $0x0  }
0x24: {  	s3 =	sadd.s32 $0x88, s3;
	s6 =	simm.s32 @!p1 $0x1082;
	[sflag:s4] =	ssyncset.s32 $0xFFFFF086  }
0x25: {  	[simem:s6], [sflag:s4] =	dma.local [hbm:s3], $0xF7A  }
0x26: {  	[smem:$0x3F9F] =	sst s1;
	(tag) =	ssettag s2;
	_ =	strace s9  }
0x27: {  	s1 =	sld [smem:$0x3FAF]  }
0x28: {  	s2 =	sld [smem:$0x3FB0]  }
0x29: {  	s4 =	sld [smem:$0x3FB2]  }
0x2a: {  	p0 =	seq.s32 s5, $0x0;
	s5 =	sld [smem:$0x3FB3]  }
0x2b: {  	s6 =	sld [smem:$0x3FB4]  }
0x2c: {  	s7 =	sld [smem:$0x3FB5]  }
0x2d: {  	s3 =	simm.s32 $0x108;
	s8 =	sld [smem:$0x3FB6]  }
0x2e: {  	s3 =	simm.s32 @!p0 $0x1082;
	s9 =	sld [smem:$0x3FB7]  }
0x2f: {  	lr =	sadd.s32 s0, s3;
	s0 =	sld [smem:$0x3FAE]  }
0x30: {  	s3 =	sld [smem:$0x3FB1]  }
0x31: {  	[smem:$0x3FBA] =	sst s10  }
0x32: {  	s10 =	sld [smem:$0x3FB8];
	_ =	sdelay $0x3  }
0x33: {  	p0 =	seq.s32 s10, $0x1;
	s10 =	sld [smem:$0x3FBA];
	_ =	sdelay $0x3  }
0x34: {  	[smem:$0x3FBA] =	sst s10  }
0x35: {  	s10 =	sld [smem:$0x3FB9];
	_ =	sdelay $0x3  }
0x36: {  	p1 =	seq.s32 s10, $0x1;
	s10 =	sld [smem:$0x3FBA];
	_ =	sdelay $0x3  }
0x37: {  	[smem:$0x3FBA] =	sst s10  }
0x38: {  	s10 =	sld [smem:$0x3FBB]  }
0x39: {  	_ = 	snop;
	(pc) =	sbr.ind lr, $3  }
0x3a: {  	_ = 	snop  }
0x3b: {  	_ = 	snop  }
0x3c: {  	p2 =	seq.s32 s10, $0x1;
	s10 =	sld [smem:$0x3FBA]  }
0x3d: {  	_ =	shalt  }
0x3e: {  	_ =	shalt  }
0x3f: {  	_ =	shalt  }
0x40: {  	_ =	shalt  }
0x41: {  	_ =	shalt  }
0x42: {  	_ =	shalt  }
0x43: {  	_ =	shalt  }
0x44: {  	_ =	shalt  }
0x45: {  	_ =	shalt  }
0x46: {  	_ =	shalt  }
0x47: {  	_ =	shalt  }
0x48: {  	_ =	shalt  }
0x49: {  	_ =	shalt  }
0x4a: {  	_ =	shalt  }
0x4b: {  	_ =	shalt  }
0x4c: {  	_ =	shalt  }
0x4d: {  	_ =	shalt  }
0x4e: {  	_ =	shalt  }
0x4f: {  	_ =	shalt  }
0x50: {  	_ =	shalt  }
0x51: {  	_ =	shalt  }
0x52: {  	_ =	shalt  }
0x53: {  	_ =	shalt  }
0x54: {  	_ =	shalt  }
0x55: {  	_ =	shalt  }
0x56: {  	_ =	shalt  }
0x57: {  	_ =	shalt  }
0x58: {  	_ =	shalt  }
0x59: {  	_ =	shalt  }
0x5a: {  	_ =	shalt  }
0x5b: {  	_ =	shalt  }
0x5c: {  	_ =	shalt  }
0x5d: {  	_ =	shalt  }
0x5e: {  	_ =	shalt  }
0x5f: {  	_ =	shalt  }
0x60: {  	_ =	shalt  }
0x61: {  	_ =	shalt  }
0x62: {  	_ =	shalt  }
0x63: {  	_ =	shalt  }
0x64: {  	_ =	shalt  }
0x65: {  	_ =	shalt  }
0x66: {  	_ =	shalt  }
0x67: {  	_ =	shalt  }
0x68: {  	_ =	shalt  }
0x69: {  	_ =	shalt  }
0x6a: {  	_ =	shalt  }
0x6b: {  	_ =	shalt  }
0x6c: {  	_ =	shalt  }
0x6d: {  	_ =	shalt  }
0x6e: {  	_ =	shalt  }
0x6f: {  	_ =	shalt  }
0x70: {  	_ =	shalt  }
0x71: {  	_ =	shalt  }
0x72: {  	_ =	shalt  }
0x73: {  	_ =	shalt  }
0x74: {  	_ =	shalt  }
0x75: {  	_ =	shalt  }
0x76: {  	_ =	shalt  }
0x77: {  	_ =	shalt  }
0x78: {  	_ =	shalt  }
0x79: {  	_ =	shalt  }
0x7a: {  	_ =	shalt  }
0x7b: {  	_ =	shalt  }
0x7c: {  	_ =	shalt  }
0x7d: {  	_ =	shalt  }
0x7e: {  	_ =	shalt  }
0x7f: {  	_ =	shalt  }
0x80: {  	_ =	shalt  }
0x81: {  	_ =	shalt  }
0x82: {  	_ =	shalt  }
0x83: {  	_ =	shalt  }
0x84: {  	_ =	shalt  }
0x85: {  	_ =	shalt  }
0x86: {  	_ =	shalt  }
0x87: {  	_ =	shalt  }
.Lfunc_end0:
.L_simem_size_0:
called_computation_lowered:
.L_overlay_start_0:
0x88: {  	s2 =	sld [smem:$0x3FD9]  }
0x89: {  	s3 =	sld [smem:$0x3FFE];
	_ =	sdelay $0x1  }
0x8a: {  	s1 =	srdreg.scid  }
0x8b: {  	s0 =	sand.u32 $0x1, s1  }
0x8c: {  	s16 =	sshll.u32 s0, $0xA;
	s2 =	sadd.s32 s3, s2  }
0x8d: {  	s2 =	sadd.s32 s2, s16  }
0x8e: {  	[smem:$0x3FC6] =	sst s2  }
0x8f: {  	_ = 	snop  }
0x90: {  	(tm) =	ssettm $0x1  }
0x91: {  	s17 =	sld [smem:$0x3FFB];
	_ =	sdelay $0x3  }
0x92: {  	_ =	strace s17  }
0x93: {  	s2 =	sld [smem:$0x3FFC];
	_ =	sdelay $0x3  }
0x94: {  	_ =	strace s2  }
0x95: {  	s2 =	sld [smem:$0x3FFD];
	_ =	sdelay $0x3  }
0x96: {  	_ =	strace s2  }
0x97: {  	_ =	strace $0x8FFFFFFF  }
0x98: {  	s18 =	sld [smem:$0x3FDB];
	_ =	sdelay $0x1  }
0x99: {  	s19 =	simm.s32 $_scs_section_size  }
0x9a: {  	s4 =	simm.s32 $_size__tile_overlayer_lowered;
	s5 =	simm.s32 $_tile_overlayer_lowered  }
0x9b: {  	s22 =	simm.s32 $0x1BFF;
	s21 =	sshll.u32 s5, $0x1;
	s2 =	sadd.s32 s19, s18  }
0x9c: {  	s6 =	simm.s32 $0x0;
	s20 =	sshll.u32 s4, $0x1;
	s4 =	sadd.s32 s21, s2  }
0x9d: {  	[timem:s6], [sflag:s22] =	dma.local [hbm:s4], s20  }
0x9e: {  	_ =	swait.ge [sflag:s22], s20  }
0x9f: {  	s3 =	ssub.s32 $0x0, s20;
	[sflag:s22] =	ssyncset.done $0x0  }
0xa0: {  	[sflag:s22] =	ssyncadd.s32 s3;
	_ =	sdelay $0x1  }
0xa1: {  	s23 =	simm.s32 $0x1B8B  }
0xa2: {  	_ =	swait.ge [sflag:s23], $0x1  }
0xa3: {  	[sflag:s23] =	ssyncset.done $0x0  }
0xa4: {  	s25 =	simm.s32 $0x1B8E;
	s24 =	sld [smem:$0x3FFE];
	[sflag:s23] =	ssyncadd.s32 $0xFFFFFFFF  }
0xa5: {  	s26 =	simm.s32 $execute0_lowered;
	[smem:$0x3FD2] =	sst s25  }
0xa6: {  	s4 =	sshll.u32 s26, $0x1;
	_ =	strace $0x80000046;
	[dreg:$0x1] =	wrdreg $0xFFFFFFFF  }
0xa7: {  	s28 =	simm.s32 $_size_execute0_lowered;
	s2 =	sadd.s32 s2, s4;
	[dreg:$0x0] =	wrdreg $0x0  }
0xa8: {  	s4 =	sshll.u32 s28, $0x1;
	[dreg:$0x2] =	wrdreg s2  }
0xa9: {  	[dreg:$0x3] =	wrdreg s4  }
0xaa: {  	[dreg:$0x4] =	wrdreg $0xC0  }
0xab: {  	_ =	task [dreg:s6], $0x5FFFF  }
0xac: {  	[dreg:$0x1] =	wrdreg $0xFFFFFFFF  }
0xad: {  	[dreg:$0x0] =	wrdreg $0x60  }
0xae: {  	[dreg:$0x2] =	wrdreg s24  }
0xaf: {  	[dreg:$0x3] =	wrdreg $0x9  }
0xb0: {  	_ =	task.clear_ibuf [dreg:s6], $0x4FFFF;
	_ =	strace $0x90000046  }
0xb1: {  	s29 =	simm.s32 $0x9;
	_ =	strace $0x80000048  }
0xb2: {  	_ =	swait.ge [sflag:s29], $0x1  }
0xb3: {  	[sflag:s29] =	ssyncadd.s32 $0xFFFFFFFF  }
0xb4: {  	_ =	strace $0x90000048  }
0xb5: {  	_ =	sfence  }
0xb6: {  	s30 =	sld [smem:$0x0];
	_ =	sdelay $0x2  }
0xb7: {  	s31 =	sshll.u32 s1, $0xD;
	s1 =	sshrl.u32 s1, $0x2  }
0xb8: {  	s3 =	sand.u32 $0x4000, s31;
	s1 =	sadd.s32 s1, s30  }
0xb9: {  	s0 =	sor.u32 s3, s0;
	s1 =	sshll.u32 s1, $0x11  }
0xba: {  	s0 =	sor.u32 s1, s0  }
0xbb: {  	s0 =	sadd.s32 $0x8F2B, s0  }
0xbc: {  	[sflag:s0] =	ssyncadd.remote.s32 $0x1  }
0xbd: {  	_ =	sfence.sel $0xFFFF  }
0xbe: {  	[dreg:$0x0] =	wrdreg $0xFFFFFFFF;
	(pc) =	sbr.abs _section_cstart, $3  }
0xbf: {  	[dreg:$0x1] =	wrdreg $0xFFFFFFFF  }
0xc0: {  	_ =	task.clear_ibuf [dreg:s6], $0x2FFFF;
	_ =	strace $0x9FFFFFFF  }
0xc1: {  	(tm) =	ssettm $0x7FFFFFFF  }
tec
execute0_lowered:
.L_overlay_start_1:
0x0: {  	(tag) =	ssettag $0x1  }
0x1: {  	v0 =	vimm.s32 $0x107;
	vm0 =	vcmask $0x300  }
0x2: {  	s0 =	srdreg.scid;
	vm14 =	vcmask $0x704;
	v0 =	vsel vm0, $0x0, v0  }
0x3: {  	s3 =	stileid.u32;
	s4 =	rddreg [dreg:$0x0];
	s2 =	simm.s32 $0x0;
	vm15 =	vcmask $0xB08;
	v0 =	vsel vm14, $0x100, v0  }
0x4: {  	vm4 =	vcmask $0xF0C;
	s9 =	simm.s32 $0x3;
	s10 =	simm.s32 $0x80;
	s12 =	simm.s32 $0x6400;
	v0 =	vsel vm15, $0x1, v0  }
0x5: {  	vm5 =	vcmask $0x1310;
	s18 =	simm.s32 $0xC400;
	s19 =	simm.s32 $0x1;
	s20 =	simm.s32 $0x3400;
	v0 =	vsel vm4, $0x101, v0  }
0x6: {  	vm6 =	vcmask $0x1714;
	s21 =	simm.s32 $0xE400;
	s22 =	simm.s32 $0x3480;
	s23 =	simm.s32 $0x10400;
	v0 =	vsel vm5, $0x2, v0  }
0x7: {  	vm7 =	vcmask $0x1B18;
	s24 =	simm.s32 $0x3500;
	s25 =	simm.s32 $0x12400;
	s28 =	simm.s32 $0x14400;
	v0 =	vsel vm6, $0x102, v0  }
0x8: {  	vm8 =	vcmask $0x1F1C;
	s29 =	simm.s32 $0x2;
	s30 =	simm.s32 $0x0;
	s0 =	sand.u32 $0x1, s0;
	v0 =	vsel vm7, $0x3, v0  }
0x9: {  	vm9 =	vcmask $0x2320;
	s1 =	sshll.u32 s3, $0x1;
	[smem:$0x7FF] =	sst s2;
	s6 =	smul.u32 $0x190000, s3;
	v0 =	vsel vm8, $0x103, v0  }
0xa: {  	vm10 =	vcmask $0x2724;
	s3 =	sadd.s32 $0xE00, s4;
	s1 =	sor.u32 s0, s1;
	s7 =	smul.u32 $0xC8000, s0;
	v0 =	vsel vm9, $0x4, v0  }
0xb: {  	vm11 =	vcmask $0x2B28;
	s8 =	sadd.s32 $0x7CD600, s4;
	s0 =	ssub.s32 $0x2, s0;
	s5 =	smul.u32 $0x640, s1;
	v0 =	vsel vm10, $0x104, v0  }
0xc: {  	vm12 =	vcmask $0x2F2C;
	_ =	strace $0x80000047;
	s1 =	smul.u32 $0xC8000, s1;
	s26 =	sshrl.u32 s0, $0x1;
	v0 =	vsel vm11, $0x5, v0  }
0xd: {  	vm13 =	vcmask $0x3330;
	s6 =	sadd.s32 s7, s6;
	s0 =	ssub.s32 s0, s26;
	s26 =	simm.s32 $0x3580;
	v0 =	vsel vm12, $0x105, v0  }
0xe: {  	vm14 =	vcmask $0x3734;
	s5 =	sadd.s32 s5, s4;
	s1 =	sshrl.u32 s1, $0x3;
	s6 =	sadd.s32 $0x10000, s6;
	v0 =	vsel vm13, $0x6, v0  }
0xf: {  	v1 =	vlaneseq.u32;
	vm15 =	vcmask $0x3B38;
	s4 =	sadd.s32 $0x7C0E00, s5;
	s5 =	sadd.s32 s8, s1;
	s31 =	sshrl.u32 s6, $0x3;
	v0 =	vsel vm14, $0x106, v0  }
0x10: {  	v1 =	vshrl.u32 v1, $0x1;
	s6 =	smax.u32 s0, $0x1;
	s7 =	sadd.s32 $0x1000, s5;
	s8 =	sadd.s32 s31, s8;
	v0 =	vsel vm15, $0x7, v0  }
.LBB2_1:
0x11: {  	s0 =	simm.s32 $0x0  }
0x12: {  	s0 =	sand.u32 $0xFFFFFF00, s0  }
0x13: {  	s0 =	sadd.s32 $0x0, s0  }
0x14: {  	v2 =	vadd.s32 s0, v0  }
0x15: {  	v2 =	vand.u32 $0xFFFFFFC0, v2  }
0x16: {  	v2 =	vor.u32 v1, v2  }
0x17: {  	[tilespmem:s2], [sflag:$0x3] =	stream.linear.gather [hbm4b:s4+s2], $0x3200, $0x38;
	[tilespmem:$0x16400] =	vst v63  }
0x18: {  	_ =	swait.ge [sflag:s9], $0x3200  }
0x19: {  	[sflag:s9] =	ssyncset.done $0x0;
	s1 =	sadd.s32 $0x8, s0  }
0x1a: {  	[sflag:s9] =	ssyncadd.s32 $0xFFFFCE00;
	v3 =	vadd.s32 s1, v0  }
0x1b: {  	v3 =	vand.u32 $0xFFFFFFF8, v3;
	v2 =	vld.idx.msk [tilespmem:v2+s2+$0x0], $0xffff  }
0x1c: {  	v3 =	vor.u32 v1, v3;
	_ =	sdelay $0x2  }
0x1d: {  	s31 =	simm.s32 $0x3240;
	s13 =	sadd.s32 $0x10, s0  }
0x1e: {  	[tilespmem:s31+$0xFFFFFFC0] =	vst v2;
	v2 =	vadd.s32 s13, v0  }
0x1f: {  	v3 =	vld.idx.msk [tilespmem:v3+s2+$0x0], $0xffff;
	v2 =	vand.u32 $0xFFFFFFF8, v2  }
0x20: {  	v2 =	vor.u32 v1, v2;
	_ =	sdelay $0x2  }
0x21: {  	s14 =	sadd.s32 $0x18, s0  }
0x22: {  	[tilespmem:s31+$0xFFFFFFD0] =	vst v3;
	v3 =	vadd.s32 s14, v0  }
0x23: {  	v2 =	vld.idx.msk [tilespmem:v2+s2+$0x0], $0xffff;
	v3 =	vand.u32 $0xFFFFFFF8, v3  }
0x24: {  	v3 =	vor.u32 v1, v3;
	_ =	sdelay $0x2  }
0x25: {  	s15 =	sadd.s32 $0x20, s0  }
0x26: {  	[tilespmem:s31+$0xFFFFFFE0] =	vst v2;
	v2 =	vadd.s32 s15, v0  }
0x27: {  	v3 =	vld.idx.msk [tilespmem:v3+s2+$0x0], $0xffff;
	v2 =	vand.u32 $0xFFFFFFF8, v2  }
0x28: {  	v2 =	vor.u32 v1, v2;
	_ =	sdelay $0x2  }
0x29: {  	s16 =	sadd.s32 $0x28, s0  }
0x2a: {  	[tilespmem:s31+$0xFFFFFFF0] =	vst v3;
	v3 =	vadd.s32 s16, v0  }
0x2b: {  	v2 =	vld.idx.msk [tilespmem:v2+s2+$0x0], $0xffff;
	v3 =	vand.u32 $0xFFFFFFF8, v3  }
0x2c: {  	v3 =	vor.u32 v1, v3;
	_ =	sdelay $0x2  }
0x2d: {  	s17 =	sadd.s32 $0x30, s0  }
0x2e: {  	[tilespmem:s31+$0x0] =	vst v2;
	v2 =	vadd.s32 s17, v0  }
0x2f: {  	v3 =	vld.idx.msk [tilespmem:v3+s2+$0x0], $0xffff;
	v2 =	vand.u32 $0xFFFFFFF8, v2  }
0x30: {  	v2 =	vor.u32 v1, v2;
	_ =	sdelay $0x2  }
0x31: {  	s0 =	sadd.s32 $0x38, s0  }
0x32: {  	v4 =	vadd.s32 s0, v0;
	[tilespmem:s31+$0x10] =	vst v3  }
0x33: {  	v3 =	vand.u32 $0xFFFFFFF8, v4;
	v2 =	vld.idx.msk [tilespmem:v2+s2+$0x0], $0xffff  }
0x34: {  	v3 =	vor.u32 v1, v3  }
0x35: {  	s11 =	simm.s32 $0x80  }
0x36: {  	s1 =	simm.s32 $0x40;
	s0 =	simm.s32 $0x1;
	s13 =	simm.s32 $0x40  }
.LBB2_2:
0x37: {  	p0 =	sne.s32 s11, $0x18C0;
	s13 =	sand.u32 $0xFFFFFF00, s13  }
0x38: {  	s13 =	sadd.s32 s13, s1;
	[tilespmem:s31+$0x20] =	vst v2;
	s1 =	smov.u32 s11  }
0x39: {  	v2 =	vadd.s32 s13, v0;
	v3 =	vld.idx.msk [tilespmem:v3+s2+$0x0], $0xffff  }
0x3a: {  	v2 =	vand.u32 $0xFFFFFFC0, v2  }
0x3b: {  	v2 =	vor.u32 v1, v2;
	_ =	sdelay $0x3  }
0x3c: {  	s14 =	sadd.s32 $0x8, s13;
	[tilespmem:s31+$0x30] =	vst v3  }
0x3d: {  	v3 =	vadd.s32 s14, v0;
	v2 =	vld.idx.msk [tilespmem:v2+s2+$0x0], $0xffff  }
0x3e: {  	v3 =	vand.u32 $0xFFFFFFF8, v3  }
0x3f: {  	v3 =	vor.u32 v1, v3;
	_ =	sdelay $0x2  }
0x40: {  	s31 =	sadd.s32 $0x80, s31  }
0x41: {  	s14 =	sadd.s32 $0x10, s13;
	[tilespmem:s31+$0xFFFFFFC0] =	vst v2  }
0x42: {  	v2 =	vld.idx.msk [tilespmem:v3+s2+$0x0], $0xffff;
	v3 =	vadd.s32 s14, v0  }
0x43: {  	v3 =	vand.u32 $0xFFFFFFF8, v3  }
0x44: {  	v3 =	vor.u32 v1, v3;
	_ =	sdelay $0x3  }
0x45: {  	s14 =	sadd.s32 $0x18, s13;
	[tilespmem:s31+$0xFFFFFFD0] =	vst v2  }
0x46: {  	v2 =	vld.idx.msk [tilespmem:v3+s2+$0x0], $0xffff;
	v3 =	vadd.s32 s14, v0  }
0x47: {  	v3 =	vand.u32 $0xFFFFFFF8, v3  }
0x48: {  	v3 =	vor.u32 v1, v3;
	_ =	sdelay $0x3  }
0x49: {  	s14 =	sadd.s32 $0x20, s13;
	[tilespmem:s31+$0xFFFFFFE0] =	vst v2  }
0x4a: {  	v2 =	vld.idx.msk [tilespmem:v3+s2+$0x0], $0xffff;
	v3 =	vadd.s32 s14, v0  }
0x4b: {  	v3 =	vand.u32 $0xFFFFFFF8, v3  }
0x4c: {  	v3 =	vor.u32 v1, v3;
	_ =	sdelay $0x3  }
0x4d: {  	s14 =	sadd.s32 $0x28, s13;
	[tilespmem:s31+$0xFFFFFFF0] =	vst v2  }
0x4e: {  	v2 =	vld.idx.msk [tilespmem:v3+s2+$0x0], $0xffff;
	v3 =	vadd.s32 s14, v0  }
0x4f: {  	v3 =	vand.u32 $0xFFFFFFF8, v3  }
0x50: {  	v3 =	vor.u32 v1, v3;
	_ =	sdelay $0x3  }
0x51: {  	s14 =	sadd.s32 $0x30, s13;
	[tilespmem:s31+$0x0] =	vst v2  }
0x52: {  	v2 =	vld.idx.msk [tilespmem:v3+s2+$0x0], $0xffff;
	v3 =	vadd.s32 s14, v0  }
0x53: {  	v3 =	vand.u32 $0xFFFFFFF8, v3  }
0x54: {  	v3 =	vor.u32 v1, v3;
	_ =	sdelay $0x3  }
0x55: {  	s13 =	sadd.s32 $0x38, s13;
	[tilespmem:s31+$0x10] =	vst v2  }
.Ltmp0:
0x56: {  	v2 =	vld.idx.msk [tilespmem:v3+s2+$0x0], $0xffff;
	v3 =	vadd.s32 s13, v0;
	(pc) =	sbr.rel @p0 .LBB2_2-.Ltmp0, $4  }
0x57: {  	v3 =	vand.u32 $0xFFFFFFF8, v3  }
0x58: {  	v3 =	vor.u32 v1, v3  }
0x59: {  	s0 =	sadd.s32 $0x1, s0  }
0x5a: {  	s11 =	sadd.s32 $0x40, s11;
	s13 =	sshll.u32 s0, $0x6  }
0x5b: {  	_ = 	snop  }
0x5c: {  	s0 =	sand.u32 $0xFFFFFF00, s13  }
0x5d: {  	s0 =	sadd.s32 s0, s1  }
0x5e: {  	[tilespmem:s31+$0x20] =	vst v2;
	v2 =	vadd.s32 s0, v0  }
0x5f: {  	v3 =	vld.idx.msk [tilespmem:v3+s2+$0x0], $0xffff;
	v2 =	vand.u32 $0xFFFFFFC0, v2  }
0x60: {  	v2 =	vor.u32 v1, v2;
	_ =	sdelay $0x2  }
0x61: {  	s1 =	sadd.s32 $0x8, s0  }
0x62: {  	[tilespmem:s31+$0x30] =	vst v3;
	v3 =	vadd.s32 s1, v0  }
0x63: {  	v3 =	vand.u32 $0xFFFFFFF8, v3;
	v2 =	vld.idx.msk [tilespmem:v2+s2+$0x0], $0xffff  }
0x64: {  	v3 =	vor.u32 v1, v3;
	_ =	sdelay $0x2  }
0x65: {  	s15 =	sadd.s32 $0x80, s31;
	s11 =	sadd.s32 $0x10, s0  }
0x66: {  	[tilespmem:s15+$0xFFFFFFC0] =	vst v2;
	v2 =	vadd.s32 s11, v0  }
0x67: {  	v3 =	vld.idx.msk [tilespmem:v3+s2+$0x0], $0xffff;
	v2 =	vand.u32 $0xFFFFFFF8, v2  }
0x68: {  	v2 =	vor.u32 v1, v2;
	_ =	sdelay $0x2  }
0x69: {  	s16 =	sadd.s32 $0x18, s0  }
0x6a: {  	[tilespmem:s15+$0xFFFFFFD0] =	vst v3;
	v3 =	vadd.s32 s16, v0  }
0x6b: {  	v2 =	vld.idx.msk [tilespmem:v2+s2+$0x0], $0xffff;
	v3 =	vand.u32 $0xFFFFFFF8, v3  }
0x6c: {  	v3 =	vor.u32 v1, v3;
	_ =	sdelay $0x2  }
0x6d: {  	s17 =	sadd.s32 $0x20, s0  }
0x6e: {  	[tilespmem:s15+$0xFFFFFFE0] =	vst v2;
	v2 =	vadd.s32 s17, v0  }
0x6f: {  	v3 =	vld.idx.msk [tilespmem:v3+s2+$0x0], $0xffff;
	v2 =	vand.u32 $0xFFFFFFF8, v2  }
0x70: {  	v2 =	vor.u32 v1, v2;
	_ =	sdelay $0x2  }
0x71: {  	s13 =	sadd.s32 $0x28, s0  }
0x72: {  	[tilespmem:s15+$0xFFFFFFF0] =	vst v3;
	v3 =	vadd.s32 s13, v0  }
0x73: {  	v2 =	vld.idx.msk [tilespmem:v2+s2+$0x0], $0xffff;
	v3 =	vand.u32 $0xFFFFFFF8, v3  }
0x74: {  	v3 =	vor.u32 v1, v3;
	_ =	sdelay $0x2  }
0x75: {  	s14 =	sadd.s32 $0x30, s0  }
0x76: {  	[tilespmem:s15+$0x0] =	vst v2;
	v2 =	vadd.s32 s14, v0  }
0x77: {  	v3 =	vld.idx.msk [tilespmem:v3+s2+$0x0], $0xffff;
	v2 =	vand.u32 $0xFFFFFFF8, v2  }
0x78: {  	v2 =	vor.u32 v1, v2;
	_ =	sdelay $0x2  }
0x79: {  	s0 =	sadd.s32 $0x38, s0  }
0x7a: {  	[tilespmem:s15+$0x10] =	vst v3;
	v3 =	vadd.s32 s0, v0  }
0x7b: {  	v2 =	vld.idx.msk [tilespmem:v2+s2+$0x0], $0xffff;
	v3 =	vand.u32 $0xFFFFFFF8, v3  }
0x7c: {  	v3 =	vor.u32 v1, v3;
	_ =	sdelay $0x3  }
0x7d: {  	[tilespmem:s15+$0x20] =	vst v2  }
0x7e: {  	v2 =	vld.idx.msk [tilespmem:v3+s2+$0x0], $0xffff;
	_ =	sdelay $0x4  }
0x7f: {  	[tilespmem:s15+$0x30] =	vst v2;
	s15 =	simm.s32 $0x3200  }
0x80: {  	[tilespmem:s12], [sflag:$0x1] =	stream.indirect.gather [hbm4b:s3+s10], $0x40, s15, s10, $0xb8;
	[tilespmem:$0x16400] =	vst v63  }
0x81: {  	s16 =	simm.s32 $0x3280;
	s17 =	simm.s32 $0x8400  }
0x82: {  	[tilespmem:s17], [sflag:$0x1] =	stream.indirect.gather [hbm4b:s3+s10], $0x40, s16, s10, $0xb8;
	[tilespmem:$0x16400] =	vst v63  }
0x83: {  	s11 =	simm.s32 $0x3300;
	s13 =	simm.s32 $0xA400  }
0x84: {  	[tilespmem:s13], [sflag:$0x1] =	stream.indirect.gather [hbm4b:s3+s10], $0x40, s11, s10, $0xb8;
	[tilespmem:$0x16400] =	vst v63  }
0x85: {  	s14 =	simm.s32 $0x3380  }
0x86: {  	[tilespmem:s18], [sflag:$0x1] =	stream.indirect.gather [hbm4b:s3+s10], $0x40, s14, s10, $0xb8;
	[tilespmem:$0x16400] =	vst v63  }
0x87: {  	_ =	swait.ge [sflag:s19], $0x2000  }
0x88: {  	[sflag:s19] =	ssyncset.done $0x0  }
0x89: {  	[sflag:s19] =	ssyncadd.s32 $0xFFFFE000  }
0x8a: {  	_ =	swait.ge [sflag:s19], $0x2000  }
0x8b: {  	[sflag:s19] =	ssyncset.done $0x0  }
0x8c: {  	[sflag:s19] =	ssyncadd.s32 $0xFFFFE000  }
0x8d: {  	_ =	swait.ge [sflag:s19], $0x2000  }
0x8e: {  	[sflag:s19] =	ssyncset.done $0x0  }
0x8f: {  	[sflag:s19] =	ssyncadd.s32 $0xFFFFE000  }
0x90: {  	_ =	swait.ge [sflag:s19], $0x2000  }
0x91: {  	[sflag:s19] =	ssyncset.done $0x0  }
0x92: {  	s15 =	simm.s32 $0x0;
	[sflag:s19] =	ssyncadd.s32 $0xFFFFE000  }
0x93: {  	[hbm4b:s5+s15] =	stream.linear.scatter [tilespmem:s12], [sflag:$0x2], $0x8000, $0x38;
	[tilespmem:$0x16400] =	vst v63  }
0x94: {  	_ = 	snop  }
0x95: {  	[tilespmem:s21], [sflag:$0x1] =	stream.indirect.gather [hbm4b:s3+s10], $0x40, s20, s10, $0xb8;
	[tilespmem:$0x16400] =	vst v63  }
0x96: {  	_ = 	snop  }
0x97: {  	[tilespmem:s23], [sflag:$0x1] =	stream.indirect.gather [hbm4b:s3+s10], $0x40, s22, s10, $0xb8;
	[tilespmem:$0x16400] =	vst v63  }
0x98: {  	_ = 	snop  }
0x99: {  	[tilespmem:s25], [sflag:$0x1] =	stream.indirect.gather [hbm4b:s3+s10], $0x40, s24, s10, $0xb8;
	[tilespmem:$0x16400] =	vst v63  }
0x9a: {  	_ = 	snop  }
0x9b: {  	[tilespmem:s28], [sflag:$0x1] =	stream.indirect.gather [hbm4b:s3+s10], $0x40, s26, s10, $0xb8;
	[tilespmem:$0x16400] =	vst v63  }
0x9c: {  	_ =	swait.ge [sflag:s19], $0x2000  }
0x9d: {  	[sflag:s19] =	ssyncset.done $0x0  }
0x9e: {  	[sflag:s19] =	ssyncadd.s32 $0xFFFFE000  }
0x9f: {  	_ =	swait.ge [sflag:s19], $0x2000  }
0xa0: {  	[sflag:s19] =	ssyncset.done $0x0  }
0xa1: {  	[sflag:s19] =	ssyncadd.s32 $0xFFFFE000  }
0xa2: {  	_ =	swait.ge [sflag:s19], $0x2000  }
0xa3: {  	[sflag:s19] =	ssyncset.done $0x0  }
0xa4: {  	[sflag:s19] =	ssyncadd.s32 $0xFFFFE000  }
0xa5: {  	_ =	swait.ge [sflag:s19], $0x2000  }
0xa6: {  	[sflag:s19] =	ssyncset.done $0x0  }
0xa7: {  	[sflag:s19] =	ssyncadd.s32 $0xFFFFE000  }
0xa8: {  	[hbm4b:s7+s15] =	stream.linear.scatter [tilespmem:s21], [sflag:$0x2], $0x8000, $0x38;
	[tilespmem:$0x16400] =	vst v63  }
0xa9: {  	s16 =	simm.s32 $0x10000;
	_ =	swait.ge [sflag:s29], $0x8000  }
0xaa: {  	s1 =	sand.u32 $0x8000, s16;
	[sflag:s29] =	ssyncset.done $0x0  }
0xab: {  	s17 =	simm.s32 $0x3600;
	s0 =	sor.u32 $0x6400, s1;
	[sflag:s29] =	ssyncadd.s32 $0xFFFF8000  }
0xac: {  	[tilespmem:s0], [sflag:$0x1] =	stream.indirect.gather [hbm4b:s3+s10], $0x40, s17, s10, $0xb8;
	[tilespmem:$0x16400] =	vst v63  }
0xad: {  	s13 =	sadd.s32 $0x8400, s1;
	s14 =	simm.s32 $0x3680  }
0xae: {  	[tilespmem:s13], [sflag:$0x1] =	stream.indirect.gather [hbm4b:s3+s10], $0x40, s14, s10, $0xb8;
	[tilespmem:$0x16400] =	vst v63  }
0xaf: {  	s16 =	simm.s32 $0x3700;
	s15 =	sadd.s32 $0xA400, s1  }
0xb0: {  	[tilespmem:s15], [sflag:$0x1] =	stream.indirect.gather [hbm4b:s3+s10], $0x40, s16, s10, $0xb8;
	[tilespmem:$0x16400] =	vst v63  }
0xb1: {  	s1 =	sadd.s32 $0xC400, s1;
	s17 =	simm.s32 $0x3780  }
0xb2: {  	[tilespmem:s1], [sflag:$0x1] =	stream.indirect.gather [hbm4b:s3+s10], $0x40, s17, s10, $0xb8;
	[tilespmem:$0x16400] =	vst v63  }
0xb3: {  	_ =	swait.ge [sflag:s19], $0x2000  }
0xb4: {  	[sflag:s19] =	ssyncset.done $0x0  }
0xb5: {  	[sflag:s19] =	ssyncadd.s32 $0xFFFFE000  }
0xb6: {  	_ =	swait.ge [sflag:s19], $0x2000  }
0xb7: {  	[sflag:s19] =	ssyncset.done $0x0  }
0xb8: {  	[sflag:s19] =	ssyncadd.s32 $0xFFFFE000  }
0xb9: {  	_ =	swait.ge [sflag:s19], $0x2000  }
0xba: {  	[sflag:s19] =	ssyncset.done $0x0  }
0xbb: {  	[sflag:s19] =	ssyncadd.s32 $0xFFFFE000  }
0xbc: {  	_ =	swait.ge [sflag:s19], $0x2000  }
0xbd: {  	s31 =	smov.u32 s8;
	s11 =	sadd.s32 $0x1000, s8;
	[sflag:s19] =	ssyncset.done $0x0  }
0xbe: {  	s13 =	simm.s32 $0x18000;
	s1 =	simm.s32 $0x800;
	[sflag:s19] =	ssyncadd.s32 $0xFFFFE000  }
.LBB2_4:
0xbf: {  	[hbm4b:s31+s2] =	stream.linear.scatter [tilespmem:s0], [sflag:$0x2], $0x8000, $0x38;
	[tilespmem:$0x16400] =	vst v63  }
0xc0: {  	s0 =	smov.u32 s1;
	s31 =	smov.u32 s11  }
0xc1: {  	p0 =	sne.s32 s1, $0xB000;
	s1 =	sadd.s32 $0x800, s1;
	_ =	swait.ge [sflag:s29], $0x8000  }
0xc2: {  	s14 =	sand.u32 $0x8000, s13;
	s15 =	sshra.s32 s0, $0x2;
	[sflag:s29] =	ssyncset.done $0x0  }
0xc3: {  	s0 =	sor.u32 $0x6400, s14;
	s16 =	sadd.s32 $0x3600, s15;
	[sflag:s29] =	ssyncadd.s32 $0xFFFF8000  }
0xc4: {  	[tilespmem:s0], [sflag:$0x1] =	stream.indirect.gather [hbm4b:s3+s10], $0x40, s16, s10, $0xb8;
	[tilespmem:$0x16400] =	vst v63  }
0xc5: {  	s17 =	sadd.s32 $0x3680, s15;
	s16 =	sadd.s32 $0x8400, s14  }
0xc6: {  	[tilespmem:s16], [sflag:$0x1] =	stream.indirect.gather [hbm4b:s3+s10], $0x40, s17, s10, $0xb8;
	[tilespmem:$0x16400] =	vst v63  }
0xc7: {  	s16 =	sadd.s32 $0xA400, s14;
	s17 =	sadd.s32 $0x3700, s15  }
0xc8: {  	[tilespmem:s16], [sflag:$0x1] =	stream.indirect.gather [hbm4b:s3+s10], $0x40, s17, s10, $0xb8;
	[tilespmem:$0x16400] =	vst v63  }
0xc9: {  	s14 =	sadd.s32 $0xC400, s14;
	s15 =	sadd.s32 $0x3780, s15  }
0xca: {  	[tilespmem:s14], [sflag:$0x1] =	stream.indirect.gather [hbm4b:s3+s10], $0x40, s15, s10, $0xb8;
	[tilespmem:$0x16400] =	vst v63  }
0xcb: {  	_ =	swait.ge [sflag:s19], $0x2000  }
0xcc: {  	[sflag:s19] =	ssyncset.done $0x0  }
0xcd: {  	[sflag:s19] =	ssyncadd.s32 $0xFFFFE000  }
0xce: {  	_ =	swait.ge [sflag:s19], $0x2000  }
0xcf: {  	[sflag:s19] =	ssyncset.done $0x0  }
0xd0: {  	[sflag:s19] =	ssyncadd.s32 $0xFFFFE000  }
0xd1: {  	_ =	swait.ge [sflag:s19], $0x2000  }
.Ltmp1:
0xd2: {  	[sflag:s19] =	ssyncset.done $0x0;
	(pc) =	sbr.rel @p0 .LBB2_4-.Ltmp1, $4  }
0xd3: {  	[sflag:s19] =	ssyncadd.s32 $0xFFFFE000  }
0xd4: {  	_ =	swait.ge [sflag:s19], $0x2000  }
0xd5: {  	[sflag:s19] =	ssyncset.done $0x0  }
0xd6: {  	s11 =	sadd.s32 $0x1000, s11;
	s13 =	sadd.s32 $0x8000, s13;
	[sflag:s19] =	ssyncadd.s32 $0xFFFFE000  }
0xd7: {  	[hbm4b:s31+s2] =	stream.linear.scatter [tilespmem:s0], [sflag:$0x2], $0x8000, $0x38;
	[tilespmem:$0x16400] =	vst v63  }
0xd8: {  	s30 =	sadd.s32 $0x1, s30  }
0xd9: {  	_ =	swait.ge [sflag:s29], $0x8000;
	p0 =	sne.s32 s30, s6  }
.Ltmp2:
0xda: {  	[sflag:s29] =	ssyncset.done $0x0;
	(pc) =	sbr.rel @p0 .LBB2_1-.Ltmp2, $4  }
0xdb: {  	[sflag:s29] =	ssyncadd.s32 $0xFFFF8000  }
0xdc: {  	_ =	swait.ge [sflag:s29], $0x8000  }
0xdd: {  	[sflag:s29] =	ssyncset.done $0x0  }
0xde: {  	[sflag:s29] =	ssyncadd.s32 $0xFFFF8000  }
0xdf: {  	_ =	sfence.sel $0x180000  }
0xe0: {  	[bflag:$0x0] =	sbarrier.arrive $0xFFFF  }
0xe1: {  	_ =	strace $0x90000047  }
0xe2: {  	s0 =	stileid.u32;
	[bflag:$0x2] =	sbarrier.arrive $0xFFFF  }
0xe3: {  	p0 =	sne.s32 s0, $0x0;
	s0 =	rddreg [dreg:$0x1]  }
0xe4: {  	s0 =	sadd.s32 @!p0 $0x100000, s0  }
0xe5: {  	[sflag:s0] =	ssyncadd.tile.s32 @!p0 $0x1;
	_ =	shalt  }
.Lfunc_end2:
_tile_overlayer_lowered:
.L_overlay_start_2:
0xe6: {  	(tag) =	ssettag $0x2  }
0xe7: {  	s0 =	rddreg [dreg:$0x0];
	s2 =	stileid.u32  }
0xe8: {  	s1 =	rddreg [dreg:$0x1];
	p0 =	sne.s32 s2, $0x0  }
0xe9: {  	s3 =	rddreg [dreg:$0x2];
	[bflag:$0x3] =	sbarrier.arrive $0xFFFF;
	s2 =	simm.s32 @!p0 $0x1C03  }
0xea: {  	[timem:s3], [sflag:s2] =	dma.local @!p0 [hbm:s0], s1  }
0xeb: {  	s0 =	simm.s32 @!p0 $0x3  }
0xec: {  	_ =	swait.ge @!p0 [sflag:s0], s1  }
0xed: {  	s1 =	ssub.s32 @!p0 $0x0, s1;
	[sflag:s0] =	ssyncset.done @!p0 $0x0  }
0xee: {  	[sflag:s0] =	ssyncadd.s32 @!p0 s1  }
0xef: {  	[bflag:$0x3] =	sbarrier.arrive $0xFFFF  }
0xf0: {  	_ =	shalt  }

</sc_bundles>
